<compile_context>
chip_gen: v7x
topology: tpu7x:2x2x1
jax: 0.10.2.dev20260603
libtpu: 0.0.44.dev20260713+nightly
codegen_flags: <defaults>
</compile_context>

<pallas_src>
import functools

import jax
import jax.numpy as jnp
from jax import lax
from jax.experimental import pallas as pl
from jax.experimental.pallas import tpu as pltpu
from jax.experimental.pallas import tpu_sc as plsc

N = 10000
NP = 10240
E = 320000
D = 128
NC = 2
NS = 16
NW = NC * NS
BK = 80
NB = 128
EPAD = NW * NB * BK
ROWS_PER_SUB = NP // NS

_MESH = plsc.VectorSubcoreMesh(core_axis_name="c", subcore_axis_name="s")


EPT = NB * BK
L = 16


def _deg_body(dstf_hbm, out_hbm, didx_v, hist_v, tmp_v, red_v, hist_sh):
    c = lax.axis_index("c")
    s = lax.axis_index("s")
    wid = s * NC + c
    pltpu.sync_copy(dstf_hbm.at[wid], didx_v)

    def zero(i, carry):
        hist_v[pl.ds(i * L, L)] = jnp.zeros((L,), jnp.float32)
        return carry

    lax.fori_loop(0, NP // L, zero, 0)
    ones = jnp.ones((L,), jnp.float32)

    def step(i, carry):
        plsc.addupdate_scatter(hist_v, [didx_v[pl.ds(i * L, L)]], ones)
        return carry

    lax.fori_loop(0, EPT // L, step, 0)
    pltpu.sync_copy(hist_v, hist_sh.at[s])
    plsc.subcore_barrier()

    def zred(i, carry):
        red_v[pl.ds(i * L, L)] = jnp.zeros((L,), jnp.float32)
        return carry

    lax.fori_loop(0, ROWS_PER_SUB // L, zred, 0)
    for t in range(NS):
        pltpu.sync_copy(hist_sh.at[t, pl.ds(s * ROWS_PER_SUB, ROWS_PER_SUB)], tmp_v)

        def add(i, carry):
            sl = pl.ds(i * L, L)
            red_v[sl] = red_v[sl] + tmp_v[sl]
            return carry

        lax.fori_loop(0, ROWS_PER_SUB // L, add, 0)
    pltpu.sync_copy(red_v, out_hbm.at[c, pl.ds(s * ROWS_PER_SUB, ROWS_PER_SUB)])


_deg_kernel = functools.partial(
    pl.kernel,
    out_type=jax.ShapeDtypeStruct((NC, NP), jnp.float32),
    mesh=_MESH,
    scratch_types=[
        pltpu.VMEM((EPT,), jnp.int32),
        pltpu.VMEM((NP,), jnp.float32),
        pltpu.VMEM((ROWS_PER_SUB,), jnp.float32),
        pltpu.VMEM((ROWS_PER_SUB,), jnp.float32),
        pltpu.VMEM_SHARED((NS, NP), jnp.float32),
    ],
    compiler_params=pltpu.CompilerParams(needs_layout_passes=False),
)(_deg_body)


NBUF = 4
NCHUNK = NB // NBUF
GA = 3


def _segsum_body(y_hbm, src3_hbm, dst3_hbm, zeros_hbm, out_hbm,
                 sidx, didx, stages, isem, gsem, acc_sh):
    c = lax.axis_index("c")
    s = lax.axis_index("s")
    wid = s * NC + c

    def fire_idx(i, t):
        pltpu.async_copy(src3_hbm.at[wid, i], sidx[t], isem[t])
        pltpu.async_copy(dst3_hbm.at[wid, i], didx[t].at[0], isem[t])

    def wait_idx(i, t):
        pltpu.make_async_copy(src3_hbm.at[wid, i], sidx[t], isem[t]).wait()
        pltpu.make_async_copy(dst3_hbm.at[wid, i], didx[t].at[0], isem[t]).wait()

    def fire_gather(i, t):
        pltpu.async_copy(y_hbm.at[sidx[t]], stages[t], gsem[t])

    for t in range(NBUF):
        fire_idx(t, t)
    for t in range(GA):
        wait_idx(t, t)
        fire_gather(t, t)
    pltpu.sync_copy(zeros_hbm, acc_sh.at[pl.ds(s * ROWS_PER_SUB, ROWS_PER_SUB)])
    plsc.subcore_barrier()

    def chunk(j, carry):
        for t in range(NBUF):
            i = j * NBUF + t
            pltpu.make_async_copy(y_hbm.at[sidx[t]], stages[t], gsem[t]).wait()
            pltpu.sync_copy(stages[t], acc_sh.at[didx[t].at[0]], add=True)

            @pl.when(i + NBUF < NB)
            def _():
                fire_idx(i + NBUF, t)

            u = (t + GA) % NBUF

            @pl.when(i + GA < NB)
            def _():
                wait_idx(i + GA, u)
                fire_gather(i + GA, u)
        return carry

    lax.fori_loop(0, NCHUNK, chunk, 0)
    plsc.subcore_barrier()
    pltpu.sync_copy(
        acc_sh.at[pl.ds(s * ROWS_PER_SUB, ROWS_PER_SUB)],
        out_hbm.at[c, pl.ds(s * ROWS_PER_SUB, ROWS_PER_SUB)],
    )


_segsum_kernel = functools.partial(
    pl.kernel,
    out_type=jax.ShapeDtypeStruct((NC, NP, D), jnp.float32),
    mesh=_MESH,
    scratch_types={
        "sidx": [pltpu.VMEM((BK,), jnp.int32)] * NBUF,
        "didx": [pltpu.VMEM((1, BK), jnp.int32)] * NBUF,
        "stages": [pltpu.VMEM((BK, D), jnp.float32)] * NBUF,
        "isem": [pltpu.SemaphoreType.DMA] * NBUF,
        "gsem": [pltpu.SemaphoreType.DMA] * NBUF,
        "acc_sh": pltpu.VMEM_SHARED((NP, D), jnp.float32),
    },
)(_segsum_body)


_RB = 1024
_GRID = (NP // _RB,)


def _tc_mm_body(x_ref, w_ref, degp_ref, y_ref):
    y_ref[...] = jnp.dot(x_ref[...], w_ref[...],
                         preferred_element_type=jnp.float32) * _dinv_block(degp_ref)


def _dinv_block(degp_ref):
    deg = 1.0 + degp_ref[0] + degp_ref[1]
    return lax.rsqrt(deg)[:, None]


def _tc2_body(s_ref, y1_ref, degp_ref, w_ref, b_ref, y2_ref):
    dinv = _dinv_block(degp_ref)
    h = jnp.maximum((s_ref[0] + s_ref[1] + y1_ref[...]) * dinv + b_ref[...], 0.0)
    y2_ref[...] = jnp.dot(h, w_ref[...],
                          preferred_element_type=jnp.float32) * dinv


def _tc3_body(s_ref, y2_ref, degp_ref, b_ref, o_ref):
    dinv = _dinv_block(degp_ref)
    o_ref[...] = (s_ref[0] + s_ref[1] + y2_ref[...]) * dinv + b_ref[...]


_row_spec = pl.BlockSpec((_RB, D), lambda i: (i, 0))
_w_spec = pl.BlockSpec((D, D), lambda i: (0, 0))
_part_spec = pl.BlockSpec((NC, _RB, D), lambda i: (0, i, 0))
_degp_spec = pl.BlockSpec((NC, _RB), lambda i: (0, i))
_b_spec = pl.BlockSpec((1, D), lambda i: (0, 0))

_tc_mm = pl.pallas_call(
    _tc_mm_body,
    grid=_GRID,
    in_specs=[_row_spec, _w_spec, _degp_spec],
    out_specs=_row_spec,
    out_shape=jax.ShapeDtypeStruct((N, D), jnp.float32),
)

_tc2 = pl.pallas_call(
    _tc2_body,
    grid=_GRID,
    in_specs=[_part_spec, _row_spec, _degp_spec, _w_spec, _b_spec],
    out_specs=_row_spec,
    out_shape=jax.ShapeDtypeStruct((N, D), jnp.float32),
)

_tc3 = pl.pallas_call(
    _tc3_body,
    grid=_GRID,
    in_specs=[_part_spec, _row_spec, _degp_spec, _b_spec],
    out_specs=_row_spec,
    out_shape=jax.ShapeDtypeStruct((N, D), jnp.float32),
)


def kernel(x, edge_index, W_shared, b_shared, W_mu, b_mu, W_logvar, b_logvar):
    src = edge_index[0].astype(jnp.int32)
    dst = edge_index[1].astype(jnp.int32)
    pad = EPAD - E
    pad_src = (jnp.arange(pad, dtype=jnp.int32) * 131) % N
    pad_dst = N + (jnp.arange(pad, dtype=jnp.int32) % (NP - N))
    dst_pad = jnp.concatenate([dst, pad_dst])
    src3 = jnp.concatenate([src, pad_src]).reshape(NW, NB, BK)
    dst3 = dst_pad.reshape(NW, NB, BK)
    dstf = dst_pad.reshape(NW, EPT)
    zeros_rows = jnp.zeros((ROWS_PER_SUB, D), jnp.float32)

    degp = _deg_kernel(dstf)
    y1 = _tc_mm(x, W_shared, degp)
    s1p = _segsum_kernel(y1, src3, dst3, zeros_rows)
    w_cat = jnp.concatenate([W_mu, W_logvar], axis=1)
    b_cat = jnp.concatenate([b_mu, b_logvar])[None, :]
    y2 = _tc2(s1p, y1, degp, w_cat, b_shared[None, :])
    s2p = _segsum_kernel(y2, src3, dst3, zeros_rows)
    out = _tc3(s2p, y2, degp, b_cat)
    return out[:, :64], out[:, 64:]

# --- scband reference (transcript-rebuilt; emitter-appended) ---
"""Pipeline reference for scband-generic-encoder-73615739453667 (READ-ONLY COPY).

The authoritative reference and input builder live on the scoring server;
editing this copy changes nothing except your own understanding.
"""

import jax, jax.numpy as jnp
import numpy as np

N_NODES = 10000
E = 320000
D_IN = 128
D_HID = 128
D_OUT = 64


def gcn_conv(x, src, dst, W, b):
    # PyG GCNConv: x' = D^{-1/2} (A + I) D^{-1/2} X W + b
    N = x.shape[0]
    loop = jnp.arange(N, dtype=src.dtype)
    src2 = jnp.concatenate([src, loop])
    dst2 = jnp.concatenate([dst, loop])
    deg = jnp.zeros((N,), dtype=x.dtype).at[dst2].add(1.0)
    dinv = jnp.where(deg > 0, jax.lax.rsqrt(deg), 0.0)
    xw = x @ W
    norm = (dinv[src2] * dinv[dst2])[:, None]
    msg = jnp.take(xw, src2, axis=0) * norm
    out = jnp.zeros((N, W.shape[1]), dtype=x.dtype).at[dst2].add(msg)
    return out + b


def setup_inputs(seed: int = 0) -> dict:
    key = jax.random.key(seed)
    ks = jax.random.split(key, 8)
    x = jax.random.normal(ks[0], (N_NODES, D_IN), dtype=jnp.float32)
    edge_index = jax.random.randint(ks[1], (2, E), 0, N_NODES, dtype=jnp.int64 if jax.config.jax_enable_x64 else jnp.int32)
    s1 = 1.0 / np.sqrt(D_IN)
    s2 = 1.0 / np.sqrt(D_HID)
    W_shared = jax.random.uniform(ks[2], (D_IN, D_HID), jnp.float32, -s1, s1)
    b_shared = jnp.zeros((D_HID,), jnp.float32)
    W_mu = jax.random.uniform(ks[3], (D_HID, D_OUT), jnp.float32, -s2, s2)
    b_mu = jnp.zeros((D_OUT,), jnp.float32)
    W_logvar = jax.random.uniform(ks[4], (D_HID, D_OUT), jnp.float32, -s2, s2)
    b_logvar = jnp.zeros((D_OUT,), jnp.float32)
    return {"x": x, "edge_index": edge_index, "W_shared": W_shared, "b_shared": b_shared, "W_mu": W_mu, "b_mu": b_mu, "W_logvar": W_logvar, "b_logvar": b_logvar}


def reference(x, edge_index, W_shared, b_shared, W_mu, b_mu, W_logvar, b_logvar):
    src = edge_index[0]
    dst = edge_index[1]
    h = jax.nn.relu(gcn_conv(x, src, dst, W_shared, b_shared))
    mu = gcn_conv(h, src, dst, W_mu, b_mu)
    logvar = gcn_conv(h, src, dst, W_logvar, b_logvar)
    return (mu, logvar)

if __name__ == "__main__":
    import jax
    _d = setup_inputs()
    print(jax.jit(kernel)(*tuple(_d.values())))

</pallas_src>

<mosaic_0001>
#map = affine_map<(d0, d1) -> (0, 0)>
#map1 = affine_map<(d0, d1) -> (0, 0, 0)>
module attributes {stable_mosaic.version = 14 : i64} {
  func.func @_segsum_body(%arg0: i32, %arg1: i32, %arg2: memref<10000x128xf32, #tpu.memory_space<hbm>>, %arg3: memref<32x128x80xi32, #tpu.memory_space<hbm>>, %arg4: memref<32x128x80xi32, #tpu.memory_space<hbm>>, %arg5: memref<640x128xf32, #tpu.memory_space<hbm>>, %arg6: memref<2x10240x128xf32, #tpu.memory_space<hbm>>, %arg7: memref<10240x128xf32, #tpu.memory_space<vmem_shared>>, %arg8: memref<1x80xi32, #tpu.memory_space<vmem>>, %arg9: memref<1x80xi32, #tpu.memory_space<vmem>>, %arg10: memref<1x80xi32, #tpu.memory_space<vmem>>, %arg11: memref<1x80xi32, #tpu.memory_space<vmem>>, %arg12: memref<!tpu.dma_semaphore, #tpu.memory_space<semaphore_mem>>, %arg13: memref<!tpu.dma_semaphore, #tpu.memory_space<semaphore_mem>>, %arg14: memref<!tpu.dma_semaphore, #tpu.memory_space<semaphore_mem>>, %arg15: memref<!tpu.dma_semaphore, #tpu.memory_space<semaphore_mem>>, %arg16: memref<!tpu.dma_semaphore, #tpu.memory_space<semaphore_mem>>, %arg17: memref<!tpu.dma_semaphore, #tpu.memory_space<semaphore_mem>>, %arg18: memref<!tpu.dma_semaphore, #tpu.memory_space<semaphore_mem>>, %arg19: memref<!tpu.dma_semaphore, #tpu.memory_space<semaphore_mem>>, %arg20: memref<80xi32, #tpu.memory_space<vmem>>, %arg21: memref<80xi32, #tpu.memory_space<vmem>>, %arg22: memref<80xi32, #tpu.memory_space<vmem>>, %arg23: memref<80xi32, #tpu.memory_space<vmem>>, %arg24: memref<80x128xf32, #tpu.memory_space<vmem>>, %arg25: memref<80x128xf32, #tpu.memory_space<vmem>>, %arg26: memref<80x128xf32, #tpu.memory_space<vmem>>, %arg27: memref<80x128xf32, #tpu.memory_space<vmem>>) attributes {dimension_semantics = [#tpu.dimension_semantics<core_parallel>, #tpu.dimension_semantics<subcore_parallel>], iteration_bounds = array<i64: 2, 16>, scalar_prefetch = 0 : i64, scratch_operands = 21 : i64, tpu.core_type = #tpu.core_type<sc_vector_subcore>, window_params = [{transform_indices = #map}, {transform_indices = #map1}, {transform_indices = #map1}, {transform_indices = #map}, {transform_indices = #map1}]} {
    %mul3A = arith.constant 2 : i32
    %mul3A_0 = arith.muli %arg1, %mul3A : i32
    %add3A = arith.addi %mul3A_0, %arg0 : i32
    %dma_start3A = arith.constant 0 : i32
    %dma_start3A_1 = arith.constant 0 : i32
    %dma_start3A_2 = tpu.memref_slice %arg3[%add3A, %dma_start3A, %dma_start3A_1] : memref<32x128x80xi32, #tpu.memory_space<hbm>> -> memref<1x1x80xi32, #tpu.memory_space<hbm>>
    %dma_start3A_3 = tpu.memref_squeeze %dma_start3A_2 : memref<1x1x80xi32, #tpu.memory_space<hbm>> -> memref<80xi32, #tpu.memory_space<hbm>>
    %dma_start3A_4 = arith.constant 0 : i32
    %dma_start3A_5 = tpu.memref_slice %arg3[%add3A, %dma_start3A, %dma_start3A_4] : memref<32x128x80xi32, #tpu.memory_space<hbm>> -> memref<1x1x80xi32, #tpu.memory_space<hbm>>
    %dma_start3A_6 = tpu.memref_squeeze %dma_start3A_5 : memref<1x1x80xi32, #tpu.memory_space<hbm>> -> memref<80xi32, #tpu.memory_space<hbm>>
    tpu.enqueue_dma source(%dma_start3A_6 : memref<80xi32, #tpu.memory_space<hbm>>) target(%arg20 : memref<80xi32, #tpu.memory_space<vmem>>) target_semaphore(%arg16 : memref<!tpu.dma_semaphore, #tpu.memory_space<semaphore_mem>>)
    %dma_start3A_7 = arith.constant 0 : i32
    %dma_start3A_8 = arith.constant 0 : i32
    %dma_start3A_9 = arith.constant 0 : i32
    %dma_start3A_10 = tpu.memref_slice %arg8[%dma_start3A_8, %dma_start3A_9] : memref<1x80xi32, #tpu.memory_space<vmem>> -> memref<1x80xi32, #tpu.memory_space<vmem>>
    %dma_start3A_11 = tpu.memref_squeeze %dma_start3A_10 : memref<1x80xi32, #tpu.memory_space<vmem>> -> memref<80xi32, #tpu.memory_space<vmem>>
    %dma_start3A_12 = arith.constant 0 : i32
    %dma_start3A_13 = tpu.memref_slice %arg4[%add3A, %dma_start3A_7, %dma_start3A_12] : memref<32x128x80xi32, #tpu.memory_space<hbm>> -> memref<1x1x80xi32, #tpu.memory_space<hbm>>
    %dma_start3A_14 = tpu.memref_squeeze %dma_start3A_13 : memref<1x1x80xi32, #tpu.memory_space<hbm>> -> memref<80xi32, #tpu.memory_space<hbm>>
    %dma_start3A_15 = arith.constant 0 : i32
    %dma_start3A_16 = tpu.memref_slice %arg8[%dma_start3A_8, %dma_start3A_15] : memref<1x80xi32, #tpu.memory_space<vmem>> -> memref<1x80xi32, #tpu.memory_space<vmem>>
    %dma_start3A_17 = tpu.memref_squeeze %dma_start3A_16 : memref<1x80xi32, #tpu.memory_space<vmem>> -> memref<80xi32, #tpu.memory_space<vmem>>
    %dma_start3A_18 = arith.constant 0 : i32
    %dma_start3A_19 = tpu.memref_slice %arg4[%add3A, %dma_start3A_7, %dma_start3A_18] : memref<32x128x80xi32, #tpu.memory_space<hbm>> -> memref<1x1x80xi32, #tpu.memory_space<hbm>>
    %dma_start3A_20 = tpu.memref_squeeze %dma_start3A_19 : memref<1x1x80xi32, #tpu.memory_space<hbm>> -> memref<80xi32, #tpu.memory_space<hbm>>
    tpu.enqueue_dma source(%dma_start3A_20 : memref<80xi32, #tpu.memory_space<hbm>>) target(%dma_start3A_17 : memref<80xi32, #tpu.memory_space<vmem>>) target_semaphore(%arg16 : memref<!tpu.dma_semaphore, #tpu.memory_space<semaphore_mem>>)
    %dma_start3A_21 = arith.constant 1 : i32
    %dma_start3A_22 = arith.constant 0 : i32
    %dma_start3A_23 = tpu.memref_slice %arg3[%add3A, %dma_start3A_21, %dma_start3A_22] : memref<32x128x80xi32, #tpu.memory_space<hbm>> -> memref<1x1x80xi32, #tpu.memory_space<hbm>>
    %dma_start3A_24 = tpu.memref_squeeze %dma_start3A_23 : memref<1x1x80xi32, #tpu.memory_space<hbm>> -> memref<80xi32, #tpu.memory_space<hbm>>
    %dma_start3A_25 = arith.constant 0 : i32
    %dma_start3A_26 = tpu.memref_slice %arg3[%add3A, %dma_start3A_21, %dma_start3A_25] : memref<32x128x80xi32, #tpu.memory_space<hbm>> -> memref<1x1x80xi32, #tpu.memory_space<hbm>>
    %dma_start3A_27 = tpu.memref_squeeze %dma_start3A_26 : memref<1x1x80xi32, #tpu.memory_space<hbm>> -> memref<80xi32, #tpu.memory_space<hbm>>
    tpu.enqueue_dma source(%dma_start3A_27 : memref<80xi32, #tpu.memory_space<hbm>>) target(%arg21 : memref<80xi32, #tpu.memory_space<vmem>>) target_semaphore(%arg17 : memref<!tpu.dma_semaphore, #tpu.memory_space<semaphore_mem>>)
    %dma_start3A_28 = arith.constant 1 : i32
    %dma_start3A_29 = arith.constant 0 : i32
    %dma_start3A_30 = arith.constant 0 : i32
    %dma_start3A_31 = tpu.memref_slice %arg9[%dma_start3A_29, %dma_start3A_30] : memref<1x80xi32, #tpu.memory_space<vmem>> -> memref<1x80xi32, #tpu.memory_space<vmem>>
    %dma_start3A_32 = tpu.memref_squeeze %dma_start3A_31 : memref<1x80xi32, #tpu.memory_space<vmem>> -> memref<80xi32, #tpu.memory_space<vmem>>
    %dma_start3A_33 = arith.constant 0 : i32
    %dma_start3A_34 = tpu.memref_slice %arg4[%add3A, %dma_start3A_28, %dma_start3A_33] : memref<32x128x80xi32, #tpu.memory_space<hbm>> -> memref<1x1x80xi32, #tpu.memory_space<hbm>>
    %dma_start3A_35 = tpu.memref_squeeze %dma_start3A_34 : memref<1x1x80xi32, #tpu.memory_space<hbm>> -> memref<80xi32, #tpu.memory_space<hbm>>
    %dma_start3A_36 = arith.constant 0 : i32
    %dma_start3A_37 = tpu.memref_slice %arg9[%dma_start3A_29, %dma_start3A_36] : memref<1x80xi32, #tpu.memory_space<vmem>> -> memref<1x80xi32, #tpu.memory_space<vmem>>
    %dma_start3A_38 = tpu.memref_squeeze %dma_start3A_37 : memref<1x80xi32, #tpu.memory_space<vmem>> -> memref<80xi32, #tpu.memory_space<vmem>>
    %dma_start3A_39 = arith.constant 0 : i32
    %dma_start3A_40 = tpu.memref_slice %arg4[%add3A, %dma_start3A_28, %dma_start3A_39] : memref<32x128x80xi32, #tpu.memory_space<hbm>> -> memref<1x1x80xi32, #tpu.memory_space<hbm>>
    %dma_start3A_41 = tpu.memref_squeeze %dma_start3A_40 : memref<1x1x80xi32, #tpu.memory_space<hbm>> -> memref<80xi32, #tpu.memory_space<hbm>>
    tpu.enqueue_dma source(%dma_start3A_41 : memref<80xi32, #tpu.memory_space<hbm>>) target(%dma_start3A_38 : memref<80xi32, #tpu.memory_space<vmem>>) target_semaphore(%arg17 : memref<!tpu.dma_semaphore, #tpu.memory_space<semaphore_mem>>)
    %dma_start3A_42 = arith.constant 2 : i32
    %dma_start3A_43 = arith.constant 0 : i32
    %dma_start3A_44 = tpu.memref_slice %arg3[%add3A, %dma_start3A_42, %dma_start3A_43] : memref<32x128x80xi32, #tpu.memory_space<hbm>> -> memref<1x1x80xi32, #tpu.memory_space<hbm>>
    %dma_start3A_45 = tpu.memref_squeeze %dma_start3A_44 : memref<1x1x80xi32, #tpu.memory_space<hbm>> -> memref<80xi32, #tpu.memory_space<hbm>>
    %dma_start3A_46 = arith.constant 0 : i32
    %dma_start3A_47 = tpu.memref_slice %arg3[%add3A, %dma_start3A_42, %dma_start3A_46] : memref<32x128x80xi32, #tpu.memory_space<hbm>> -> memref<1x1x80xi32, #tpu.memory_space<hbm>>
    %dma_start3A_48 = tpu.memref_squeeze %dma_start3A_47 : memref<1x1x80xi32, #tpu.memory_space<hbm>> -> memref<80xi32, #tpu.memory_space<hbm>>
    tpu.enqueue_dma source(%dma_start3A_48 : memref<80xi32, #tpu.memory_space<hbm>>) target(%arg22 : memref<80xi32, #tpu.memory_space<vmem>>) target_semaphore(%arg18 : memref<!tpu.dma_semaphore, #tpu.memory_space<semaphore_mem>>)
    %dma_start3A_49 = arith.constant 2 : i32
    %dma_start3A_50 = arith.constant 0 : i32
    %dma_start3A_51 = arith.constant 0 : i32
    %dma_start3A_52 = tpu.memref_slice %arg10[%dma_start3A_50, %dma_start3A_51] : memref<1x80xi32, #tpu.memory_space<vmem>> -> memref<1x80xi32, #tpu.memory_space<vmem>>
    %dma_start3A_53 = tpu.memref_squeeze %dma_start3A_52 : memref<1x80xi32, #tpu.memory_space<vmem>> -> memref<80xi32, #tpu.memory_space<vmem>>
    %dma_start3A_54 = arith.constant 0 : i32
    %dma_start3A_55 = tpu.memref_slice %arg4[%add3A, %dma_start3A_49, %dma_start3A_54] : memref<32x128x80xi32, #tpu.memory_space<hbm>> -> memref<1x1x80xi32, #tpu.memory_space<hbm>>
    %dma_start3A_56 = tpu.memref_squeeze %dma_start3A_55 : memref<1x1x80xi32, #tpu.memory_space<hbm>> -> memref<80xi32, #tpu.memory_space<hbm>>
    %dma_start3A_57 = arith.constant 0 : i32
    %dma_start3A_58 = tpu.memref_slice %arg10[%dma_start3A_50, %dma_start3A_57] : memref<1x80xi32, #tpu.memory_space<vmem>> -> memref<1x80xi32, #tpu.memory_space<vmem>>
    %dma_start3A_59 = tpu.memref_squeeze %dma_start3A_58 : memref<1x80xi32, #tpu.memory_space<vmem>> -> memref<80xi32, #tpu.memory_space<vmem>>
    %dma_start3A_60 = arith.constant 0 : i32
    %dma_start3A_61 = tpu.memref_slice %arg4[%add3A, %dma_start3A_49, %dma_start3A_60] : memref<32x128x80xi32, #tpu.memory_space<hbm>> -> memref<1x1x80xi32, #tpu.memory_space<hbm>>
    %dma_start3A_62 = tpu.memref_squeeze %dma_start3A_61 : memref<1x1x80xi32, #tpu.memory_space<hbm>> -> memref<80xi32, #tpu.memory_space<hbm>>
    tpu.enqueue_dma source(%dma_start3A_62 : memref<80xi32, #tpu.memory_space<hbm>>) target(%dma_start3A_59 : memref<80xi32, #tpu.memory_space<vmem>>) target_semaphore(%arg18 : memref<!tpu.dma_semaphore, #tpu.memory_space<semaphore_mem>>)
    %dma_start3A_63 = arith.constant 3 : i32
    %dma_start3A_64 = arith.constant 0 : i32
    %dma_start3A_65 = tpu.memref_slice %arg3[%add3A, %dma_start3A_63, %dma_start3A_64] : memref<32x128x80xi32, #tpu.memory_space<hbm>> -> memref<1x1x80xi32, #tpu.memory_space<hbm>>
    %dma_start3A_66 = tpu.memref_squeeze %dma_start3A_65 : memref<1x1x80xi32, #tpu.memory_space<hbm>> -> memref<80xi32, #tpu.memory_space<hbm>>
    %dma_start3A_67 = arith.constant 0 : i32
    %dma_start3A_68 = tpu.memref_slice %arg3[%add3A, %dma_start3A_63, %dma_start3A_67] : memref<32x128x80xi32, #tpu.memory_space<hbm>> -> memref<1x1x80xi32, #tpu.memory_space<hbm>>
    %dma_start3A_69 = tpu.memref_squeeze %dma_start3A_68 : memref<1x1x80xi32, #tpu.memory_space<hbm>> -> memref<80xi32, #tpu.memory_space<hbm>>
    tpu.enqueue_dma source(%dma_start3A_69 : memref<80xi32, #tpu.memory_space<hbm>>) target(%arg23 : memref<80xi32, #tpu.memory_space<vmem>>) target_semaphore(%arg19 : memref<!tpu.dma_semaphore, #tpu.memory_space<semaphore_mem>>)
    %dma_start3A_70 = arith.constant 3 : i32
    %dma_start3A_71 = arith.constant 0 : i32
    %dma_start3A_72 = arith.constant 0 : i32
    %dma_start3A_73 = tpu.memref_slice %arg11[%dma_start3A_71, %dma_start3A_72] : memref<1x80xi32, #tpu.memory_space<vmem>> -> memref<1x80xi32, #tpu.memory_space<vmem>>
    %dma_start3A_74 = tpu.memref_squeeze %dma_start3A_73 : memref<1x80xi32, #tpu.memory_space<vmem>> -> memref<80xi32, #tpu.memory_space<vmem>>
    %dma_start3A_75 = arith.constant 0 : i32
    %dma_start3A_76 = tpu.memref_slice %arg4[%add3A, %dma_start3A_70, %dma_start3A_75] : memref<32x128x80xi32, #tpu.memory_space<hbm>> -> memref<1x1x80xi32, #tpu.memory_space<hbm>>
    %dma_start3A_77 = tpu.memref_squeeze %dma_start3A_76 : memref<1x1x80xi32, #tpu.memory_space<hbm>> -> memref<80xi32, #tpu.memory_space<hbm>>
    %dma_start3A_78 = arith.constant 0 : i32
    %dma_start3A_79 = tpu.memref_slice %arg11[%dma_start3A_71, %dma_start3A_78] : memref<1x80xi32, #tpu.memory_space<vmem>> -> memref<1x80xi32, #tpu.memory_space<vmem>>
    %dma_start3A_80 = tpu.memref_squeeze %dma_start3A_79 : memref<1x80xi32, #tpu.memory_space<vmem>> -> memref<80xi32, #tpu.memory_space<vmem>>
    %dma_start3A_81 = arith.constant 0 : i32
    %dma_start3A_82 = tpu.memref_slice %arg4[%add3A, %dma_start3A_70, %dma_start3A_81] : memref<32x128x80xi32, #tpu.memory_space<hbm>> -> memref<1x1x80xi32, #tpu.memory_space<hbm>>
    %dma_start3A_83 = tpu.memref_squeeze %dma_start3A_82 : memref<1x1x80xi32, #tpu.memory_space<hbm>> -> memref<80xi32, #tpu.memory_space<hbm>>
    tpu.enqueue_dma source(%dma_start3A_83 : memref<80xi32, #tpu.memory_space<hbm>>) target(%dma_start3A_80 : memref<80xi32, #tpu.memory_space<vmem>>) target_semaphore(%arg19 : memref<!tpu.dma_semaphore, #tpu.memory_space<semaphore_mem>>)
    %dma_wait3A = arith.constant 0 : i32
    %dma_wait3A_84 = arith.constant 0 : i32
    %dma_wait3A_85 = tpu.memref_slice %arg3[%add3A, %dma_wait3A, %dma_wait3A_84] : memref<32x128x80xi32, #tpu.memory_space<hbm>> -> memref<1x1x80xi32, #tpu.memory_space<hbm>>
    %dma_wait3A_86 = tpu.memref_squeeze %dma_wait3A_85 : memref<1x1x80xi32, #tpu.memory_space<hbm>> -> memref<80xi32, #tpu.memory_space<hbm>>
    %dma_wait3A_87 = arith.constant 0 : i32
    %dma_wait3A_88 = tpu.memref_slice %arg3[%add3A, %dma_wait3A, %dma_wait3A_87] : memref<32x128x80xi32, #tpu.memory_space<hbm>> -> memref<1x1x80xi32, #tpu.memory_space<hbm>>
    %dma_wait3A_89 = tpu.memref_squeeze %dma_wait3A_88 : memref<1x1x80xi32, #tpu.memory_space<hbm>> -> memref<80xi32, #tpu.memory_space<hbm>>
    tpu.wait_dma2 semaphore(%arg16 : memref<!tpu.dma_semaphore, #tpu.memory_space<semaphore_mem>>) src(%dma_wait3A_89 : memref<80xi32, #tpu.memory_space<hbm>>) dst(%arg20 : memref<80xi32, #tpu.memory_space<vmem>>)
    %dma_wait3A_90 = arith.constant 0 : i32
    %dma_wait3A_91 = arith.constant 0 : i32
    %dma_wait3A_92 = arith.constant 0 : i32
    %dma_wait3A_93 = tpu.memref_slice %arg8[%dma_wait3A_91, %dma_wait3A_92] : memref<1x80xi32, #tpu.memory_space<vmem>> -> memref<1x80xi32, #tpu.memory_space<vmem>>
    %dma_wait3A_94 = tpu.memref_squeeze %dma_wait3A_93 : memref<1x80xi32, #tpu.memory_space<vmem>> -> memref<80xi32, #tpu.memory_space<vmem>>
    %dma_wait3A_95 = arith.constant 0 : i32
    %dma_wait3A_96 = tpu.memref_slice %arg4[%add3A, %dma_wait3A_90, %dma_wait3A_95] : memref<32x128x80xi32, #tpu.memory_space<hbm>> -> memref<1x1x80xi32, #tpu.memory_space<hbm>>
    %dma_wait3A_97 = tpu.memref_squeeze %dma_wait3A_96 : memref<1x1x80xi32, #tpu.memory_space<hbm>> -> memref<80xi32, #tpu.memory_space<hbm>>
    %dma_wait3A_98 = arith.constant 0 : i32
    %dma_wait3A_99 = tpu.memref_slice %arg8[%dma_wait3A_91, %dma_wait3A_98] : memref<1x80xi32, #tpu.memory_space<vmem>> -> memref<1x80xi32, #tpu.memory_space<vmem>>
    %dma_wait3A_100 = tpu.memref_squeeze %dma_wait3A_99 : memref<1x80xi32, #tpu.memory_space<vmem>> -> memref<80xi32, #tpu.memory_space<vmem>>
    %dma_wait3A_101 = arith.constant 0 : i32
    %dma_wait3A_102 = tpu.memref_slice %arg4[%add3A, %dma_wait3A_90, %dma_wait3A_101] : memref<32x128x80xi32, #tpu.memory_space<hbm>> -> memref<1x1x80xi32, #tpu.memory_space<hbm>>
    %dma_wait3A_103 = tpu.memref_squeeze %dma_wait3A_102 : memref<1x1x80xi32, #tpu.memory_space<hbm>> -> memref<80xi32, #tpu.memory_space<hbm>>
    tpu.wait_dma2 semaphore(%arg16 : memref<!tpu.dma_semaphore, #tpu.memory_space<semaphore_mem>>) src(%dma_wait3A_103 : memref<80xi32, #tpu.memory_space<hbm>>) dst(%dma_wait3A_100 : memref<80xi32, #tpu.memory_space<vmem>>)
    %dma_start3A_104 = arith.constant 0 : i32
    %dma_start3A_105 = arith.constant 0 : i32
    %dma_start3A_106 = tpu.memref_slice %arg2[%dma_start3A_104, %dma_start3A_105] : memref<10000x128xf32, #tpu.memory_space<hbm>> -> memref<10000x128xf32, #tpu.memory_space<hbm>>
    tpu.enqueue_indirect_dma source(%dma_start3A_106 : memref<10000x128xf32, #tpu.memory_space<hbm>>) target(%arg24 : memref<80x128xf32, #tpu.memory_space<vmem>>) offsets(%arg20 : memref<80xi32, #tpu.memory_space<vmem>>) semaphore(%arg12 : memref<!tpu.dma_semaphore, #tpu.memory_space<semaphore_mem>>)
    %dma_wait3A_107 = arith.constant 1 : i32
    %dma_wait3A_108 = arith.constant 0 : i32
    %dma_wait3A_109 = tpu.memref_slice %arg3[%add3A, %dma_wait3A_107, %dma_wait3A_108] : memref<32x128x80xi32, #tpu.memory_space<hbm>> -> memref<1x1x80xi32, #tpu.memory_space<hbm>>
    %dma_wait3A_110 = tpu.memref_squeeze %dma_wait3A_109 : memref<1x1x80xi32, #tpu.memory_space<hbm>> -> memref<80xi32, #tpu.memory_space<hbm>>
    %dma_wait3A_111 = arith.constant 0 : i32
    %dma_wait3A_112 = tpu.memref_slice %arg3[%add3A, %dma_wait3A_107, %dma_wait3A_111] : memref<32x128x80xi32, #tpu.memory_space<hbm>> -> memref<1x1x80xi32, #tpu.memory_space<hbm>>
    %dma_wait3A_113 = tpu.memref_squeeze %dma_wait3A_112 : memref<1x1x80xi32, #tpu.memory_space<hbm>> -> memref<80xi32, #tpu.memory_space<hbm>>
    tpu.wait_dma2 semaphore(%arg17 : memref<!tpu.dma_semaphore, #tpu.memory_space<semaphore_mem>>) src(%dma_wait3A_113 : memref<80xi32, #tpu.memory_space<hbm>>) dst(%arg21 : memref<80xi32, #tpu.memory_space<vmem>>)
    %dma_wait3A_114 = arith.constant 1 : i32
    %dma_wait3A_115 = arith.constant 0 : i32
    %dma_wait3A_116 = arith.constant 0 : i32
    %dma_wait3A_117 = tpu.memref_slice %arg9[%dma_wait3A_115, %dma_wait3A_116] : memref<1x80xi32, #tpu.memory_space<vmem>> -> memref<1x80xi32, #tpu.memory_space<vmem>>
    %dma_wait3A_118 = tpu.memref_squeeze %dma_wait3A_117 : memref<1x80xi32, #tpu.memory_space<vmem>> -> memref<80xi32, #tpu.memory_space<vmem>>
    %dma_wait3A_119 = arith.constant 0 : i32
    %dma_wait3A_120 = tpu.memref_slice %arg4[%add3A, %dma_wait3A_114, %dma_wait3A_119] : memref<32x128x80xi32, #tpu.memory_space<hbm>> -> memref<1x1x80xi32, #tpu.memory_space<hbm>>
    %dma_wait3A_121 = tpu.memref_squeeze %dma_wait3A_120 : memref<1x1x80xi32, #tpu.memory_space<hbm>> -> memref<80xi32, #tpu.memory_space<hbm>>
    %dma_wait3A_122 = arith.constant 0 : i32
    %dma_wait3A_123 = tpu.memref_slice %arg9[%dma_wait3A_115, %dma_wait3A_122] : memref<1x80xi32, #tpu.memory_space<vmem>> -> memref<1x80xi32, #tpu.memory_space<vmem>>
    %dma_wait3A_124 = tpu.memref_squeeze %dma_wait3A_123 : memref<1x80xi32, #tpu.memory_space<vmem>> -> memref<80xi32, #tpu.memory_space<vmem>>
    %dma_wait3A_125 = arith.constant 0 : i32
    %dma_wait3A_126 = tpu.memref_slice %arg4[%add3A, %dma_wait3A_114, %dma_wait3A_125] : memref<32x128x80xi32, #tpu.memory_space<hbm>> -> memref<1x1x80xi32, #tpu.memory_space<hbm>>
    %dma_wait3A_127 = tpu.memref_squeeze %dma_wait3A_126 : memref<1x1x80xi32, #tpu.memory_space<hbm>> -> memref<80xi32, #tpu.memory_space<hbm>>
    tpu.wait_dma2 semaphore(%arg17 : memref<!tpu.dma_semaphore, #tpu.memory_space<semaphore_mem>>) src(%dma_wait3A_127 : memref<80xi32, #tpu.memory_space<hbm>>) dst(%dma_wait3A_124 : memref<80xi32, #tpu.memory_space<vmem>>)
    %dma_start3A_128 = arith.constant 0 : i32
    %dma_start3A_129 = arith.constant 0 : i32
    %dma_start3A_130 = tpu.memref_slice %arg2[%dma_start3A_128, %dma_start3A_129] : memref<10000x128xf32, #tpu.memory_space<hbm>> -> memref<10000x128xf32, #tpu.memory_space<hbm>>
    tpu.enqueue_indirect_dma source(%dma_start3A_130 : memref<10000x128xf32, #tpu.memory_space<hbm>>) target(%arg25 : memref<80x128xf32, #tpu.memory_space<vmem>>) offsets(%arg21 : memref<80xi32, #tpu.memory_space<vmem>>) semaphore(%arg13 : memref<!tpu.dma_semaphore, #tpu.memory_space<semaphore_mem>>)
    %dma_wait3A_131 = arith.constant 2 : i32
    %dma_wait3A_132 = arith.constant 0 : i32
    %dma_wait3A_133 = tpu.memref_slice %arg3[%add3A, %dma_wait3A_131, %dma_wait3A_132] : memref<32x128x80xi32, #tpu.memory_space<hbm>> -> memref<1x1x80xi32, #tpu.memory_space<hbm>>
    %dma_wait3A_134 = tpu.memref_squeeze %dma_wait3A_133 : memref<1x1x80xi32, #tpu.memory_space<hbm>> -> memref<80xi32, #tpu.memory_space<hbm>>
    %dma_wait3A_135 = arith.constant 0 : i32
    %dma_wait3A_136 = tpu.memref_slice %arg3[%add3A, %dma_wait3A_131, %dma_wait3A_135] : memref<32x128x80xi32, #tpu.memory_space<hbm>> -> memref<1x1x80xi32, #tpu.memory_space<hbm>>
    %dma_wait3A_137 = tpu.memref_squeeze %dma_wait3A_136 : memref<1x1x80xi32, #tpu.memory_space<hbm>> -> memref<80xi32, #tpu.memory_space<hbm>>
    tpu.wait_dma2 semaphore(%arg18 : memref<!tpu.dma_semaphore, #tpu.memory_space<semaphore_mem>>) src(%dma_wait3A_137 : memref<80xi32, #tpu.memory_space<hbm>>) dst(%arg22 : memref<80xi32, #tpu.memory_space<vmem>>)
    %dma_wait3A_138 = arith.constant 2 : i32
    %dma_wait3A_139 = arith.constant 0 : i32
    %dma_wait3A_140 = arith.constant 0 : i32
    %dma_wait3A_141 = tpu.memref_slice %arg10[%dma_wait3A_139, %dma_wait3A_140] : memref<1x80xi32, #tpu.memory_space<vmem>> -> memref<1x80xi32, #tpu.memory_space<vmem>>
    %dma_wait3A_142 = tpu.memref_squeeze %dma_wait3A_141 : memref<1x80xi32, #tpu.memory_space<vmem>> -> memref<80xi32, #tpu.memory_space<vmem>>
    %dma_wait3A_143 = arith.constant 0 : i32
    %dma_wait3A_144 = tpu.memref_slice %arg4[%add3A, %dma_wait3A_138, %dma_wait3A_143] : memref<32x128x80xi32, #tpu.memory_space<hbm>> -> memref<1x1x80xi32, #tpu.memory_space<hbm>>
    %dma_wait3A_145 = tpu.memref_squeeze %dma_wait3A_144 : memref<1x1x80xi32, #tpu.memory_space<hbm>> -> memref<80xi32, #tpu.memory_space<hbm>>
    %dma_wait3A_146 = arith.constant 0 : i32
    %dma_wait3A_147 = tpu.memref_slice %arg10[%dma_wait3A_139, %dma_wait3A_146] : memref<1x80xi32, #tpu.memory_space<vmem>> -> memref<1x80xi32, #tpu.memory_space<vmem>>
    %dma_wait3A_148 = tpu.memref_squeeze %dma_wait3A_147 : memref<1x80xi32, #tpu.memory_space<vmem>> -> memref<80xi32, #tpu.memory_space<vmem>>
    %dma_wait3A_149 = arith.constant 0 : i32
    %dma_wait3A_150 = tpu.memref_slice %arg4[%add3A, %dma_wait3A_138, %dma_wait3A_149] : memref<32x128x80xi32, #tpu.memory_space<hbm>> -> memref<1x1x80xi32, #tpu.memory_space<hbm>>
    %dma_wait3A_151 = tpu.memref_squeeze %dma_wait3A_150 : memref<1x1x80xi32, #tpu.memory_space<hbm>> -> memref<80xi32, #tpu.memory_space<hbm>>
    tpu.wait_dma2 semaphore(%arg18 : memref<!tpu.dma_semaphore, #tpu.memory_space<semaphore_mem>>) src(%dma_wait3A_151 : memref<80xi32, #tpu.memory_space<hbm>>) dst(%dma_wait3A_148 : memref<80xi32, #tpu.memory_space<vmem>>)
    %dma_start3A_152 = arith.constant 0 : i32
    %dma_start3A_153 = arith.constant 0 : i32
    %dma_start3A_154 = tpu.memref_slice %arg2[%dma_start3A_152, %dma_start3A_153] : memref<10000x128xf32, #tpu.memory_space<hbm>> -> memref<10000x128xf32, #tpu.memory_space<hbm>>
    tpu.enqueue_indirect_dma source(%dma_start3A_154 : memref<10000x128xf32, #tpu.memory_space<hbm>>) target(%arg26 : memref<80x128xf32, #tpu.memory_space<vmem>>) offsets(%arg22 : memref<80xi32, #tpu.memory_space<vmem>>) semaphore(%arg14 : memref<!tpu.dma_semaphore, #tpu.memory_space<semaphore_mem>>)
    %mul3A_155 = arith.constant 640 : i32
    %mul3A_156 = arith.muli %arg1, %mul3A_155 : i32
    "tpu.region"() ({
      %run_scoped3A = tpu.sem_alloc : memref<!tpu.dma_semaphore, #tpu.memory_space<semaphore_mem>>
      %dma_start3A_167 = arith.constant 0 : i32
      %dma_start3A_168 = tpu.memref_slice %arg7[%mul3A_156, %dma_start3A_167] : memref<10240x128xf32, #tpu.memory_space<vmem_shared>> -> memref<640x128xf32, #tpu.memory_space<vmem_shared>>
      tpu.enqueue_dma source(%arg5 : memref<640x128xf32, #tpu.memory_space<hbm>>) target(%dma_start3A_168 : memref<640x128xf32, #tpu.memory_space<vmem_shared>>) target_semaphore(%run_scoped3A : memref<!tpu.dma_semaphore, #tpu.memory_space<semaphore_mem>>)
      %dma_wait3A_169 = arith.constant 0 : i32
      %dma_wait3A_170 = tpu.memref_slice %arg7[%mul3A_156, %dma_wait3A_169] : memref<10240x128xf32, #tpu.memory_space<vmem_shared>> -> memref<640x128xf32, #tpu.memory_space<vmem_shared>>
      tpu.wait_dma2 semaphore(%run_scoped3A : memref<!tpu.dma_semaphore, #tpu.memory_space<semaphore_mem>>) src(%arg5 : memref<640x128xf32, #tpu.memory_space<hbm>>) dst(%dma_wait3A_170 : memref<640x128xf32, #tpu.memory_space<vmem_shared>>)
      tpu.yield
    }) : () -> ()
    %barrier3A = arith.constant 0 : index
    tpu.barrier barrier_id(%barrier3A)
    %scan3A = arith.constant 0 : i32
    %scan3A_157 = arith.constant 0 : i32
    %scan3A_158 = arith.constant 32 : i32
    %scan3A_159 = arith.addi %scan3A_157, %scan3A_158 : i32
    %scan3A_160 = arith.constant 1 : i32
    scf.for %scan3A_167 = %scan3A_157 to %scan3A_159 step %scan3A_160  : i32 {
      %mul3A_168 = arith.constant 4 : i32
      %mul3A_169 = arith.muli %scan3A_167, %mul3A_168 : i32
      %add3A_170 = arith.constant 0 : i32
      %add3A_171 = arith.addi %mul3A_169, %add3A_170 : i32
      %dma_wait3A_172 = arith.constant 0 : i32
      %dma_wait3A_173 = arith.constant 0 : i32
      %dma_wait3A_174 = tpu.memref_slice %arg2[%dma_wait3A_172, %dma_wait3A_173] : memref<10000x128xf32, #tpu.memory_space<hbm>> -> memref<10000x128xf32, #tpu.memory_space<hbm>>
      tpu.wait_indirect_dma semaphore(%arg12 : memref<!tpu.dma_semaphore, #tpu.memory_space<semaphore_mem>>) src(%dma_wait3A_174 : memref<10000x128xf32, #tpu.memory_space<hbm>>) dst(%arg24 : memref<80x128xf32, #tpu.memory_space<vmem>>)
      %run_scoped3A = arith.constant 0 : i32
      "tpu.region"() ({
        %run_scoped3A_252 = tpu.sem_alloc : memref<!tpu.dma_semaphore, #tpu.memory_space<semaphore_mem>>
        %dma_start3A_253 = arith.constant 0 : i32
        %dma_start3A_254 = tpu.memref_slice %arg8[%run_scoped3A, %dma_start3A_253] : memref<1x80xi32, #tpu.memory_space<vmem>> -> memref<1x80xi32, #tpu.memory_space<vmem>>
        %dma_start3A_255 = tpu.memref_squeeze %dma_start3A_254 : memref<1x80xi32, #tpu.memory_space<vmem>> -> memref<80xi32, #tpu.memory_space<vmem>>
        %dma_start3A_256 = arith.constant 0 : i32
        %dma_start3A_257 = arith.constant 0 : i32
        %dma_start3A_258 = tpu.memref_slice %arg7[%dma_start3A_256, %dma_start3A_257] : memref<10240x128xf32, #tpu.memory_space<vmem_shared>> -> memref<10240x128xf32, #tpu.memory_space<vmem_shared>>
        tpu.enqueue_indirect_dma source(%arg24 : memref<80x128xf32, #tpu.memory_space<vmem>>) target(%dma_start3A_258 : memref<10240x128xf32, #tpu.memory_space<vmem_shared>>) offsets(%dma_start3A_255 : memref<80xi32, #tpu.memory_space<vmem>>) semaphore(%run_scoped3A_252 : memref<!tpu.dma_semaphore, #tpu.memory_space<semaphore_mem>>) {add = true}
        %dma_wait3A_259 = arith.constant 0 : i32
        %dma_wait3A_260 = tpu.memref_slice %arg8[%run_scoped3A, %dma_wait3A_259] : memref<1x80xi32, #tpu.memory_space<vmem>> -> memref<1x80xi32, #tpu.memory_space<vmem>>
        %dma_wait3A_261 = tpu.memref_squeeze %dma_wait3A_260 : memref<1x80xi32, #tpu.memory_space<vmem>> -> memref<80xi32, #tpu.memory_space<vmem>>
        %dma_wait3A_262 = arith.constant 0 : i32
        %dma_wait3A_263 = arith.constant 0 : i32
        %dma_wait3A_264 = tpu.memref_slice %arg7[%dma_wait3A_262, %dma_wait3A_263] : memref<10240x128xf32, #tpu.memory_space<vmem_shared>> -> memref<10240x128xf32, #tpu.memory_space<vmem_shared>>
        tpu.wait_indirect_dma semaphore(%run_scoped3A_252 : memref<!tpu.dma_semaphore, #tpu.memory_space<semaphore_mem>>) src(%arg24 : memref<80x128xf32, #tpu.memory_space<vmem>>) dst(%dma_wait3A_264 : memref<10240x128xf32, #tpu.memory_space<vmem_shared>>)
        tpu.yield
      }) : () -> ()
      %add3A_175 = arith.constant 4 : i32
      %add3A_176 = arith.addi %add3A_171, %add3A_175 : i32
      %lt3A = arith.constant 128 : i32
      %lt3A_177 = arith.cmpi slt, %add3A_176, %lt3A : i32
      %convert_element_type3A = arith.extui %lt3A_177 : i1 to i32
      %cond3A = arith.constant 0 : i32
      %cond3A_178 = arith.cmpi ne, %convert_element_type3A, %cond3A : i32
      scf.if %cond3A_178 {
        %add3A_252 = arith.constant 4 : i32
        %add3A_253 = arith.addi %add3A_171, %add3A_252 : i32
        %dma_start3A_254 = arith.constant 0 : i32
        %dma_start3A_255 = tpu.memref_slice %arg3[%add3A, %add3A_253, %dma_start3A_254] : memref<32x128x80xi32, #tpu.memory_space<hbm>> -> memref<1x1x80xi32, #tpu.memory_space<hbm>>
        %dma_start3A_256 = tpu.memref_squeeze %dma_start3A_255 : memref<1x1x80xi32, #tpu.memory_space<hbm>> -> memref<80xi32, #tpu.memory_space<hbm>>
        %dma_start3A_257 = arith.constant 0 : i32
        %dma_start3A_258 = tpu.memref_slice %arg3[%add3A, %add3A_253, %dma_start3A_257] : memref<32x128x80xi32, #tpu.memory_space<hbm>> -> memref<1x1x80xi32, #tpu.memory_space<hbm>>
        %dma_start3A_259 = tpu.memref_squeeze %dma_start3A_258 : memref<1x1x80xi32, #tpu.memory_space<hbm>> -> memref<80xi32, #tpu.memory_space<hbm>>
        tpu.enqueue_dma source(%dma_start3A_259 : memref<80xi32, #tpu.memory_space<hbm>>) target(%arg20 : memref<80xi32, #tpu.memory_space<vmem>>) target_semaphore(%arg16 : memref<!tpu.dma_semaphore, #tpu.memory_space<semaphore_mem>>)
        %dma_start3A_260 = arith.constant 0 : i32
        %dma_start3A_261 = arith.constant 0 : i32
        %dma_start3A_262 = tpu.memref_slice %arg8[%dma_start3A_260, %dma_start3A_261] : memref<1x80xi32, #tpu.memory_space<vmem>> -> memref<1x80xi32, #tpu.memory_space<vmem>>
        %dma_start3A_263 = tpu.memref_squeeze %dma_start3A_262 : memref<1x80xi32, #tpu.memory_space<vmem>> -> memref<80xi32, #tpu.memory_space<vmem>>
        %dma_start3A_264 = arith.constant 0 : i32
        %dma_start3A_265 = tpu.memref_slice %arg4[%add3A, %add3A_253, %dma_start3A_264] : memref<32x128x80xi32, #tpu.memory_space<hbm>> -> memref<1x1x80xi32, #tpu.memory_space<hbm>>
        %dma_start3A_266 = tpu.memref_squeeze %dma_start3A_265 : memref<1x1x80xi32, #tpu.memory_space<hbm>> -> memref<80xi32, #tpu.memory_space<hbm>>
        %dma_start3A_267 = arith.constant 0 : i32
        %dma_start3A_268 = tpu.memref_slice %arg8[%dma_start3A_260, %dma_start3A_267] : memref<1x80xi32, #tpu.memory_space<vmem>> -> memref<1x80xi32, #tpu.memory_space<vmem>>
        %dma_start3A_269 = tpu.memref_squeeze %dma_start3A_268 : memref<1x80xi32, #tpu.memory_space<vmem>> -> memref<80xi32, #tpu.memory_space<vmem>>
        %dma_start3A_270 = arith.constant 0 : i32
        %dma_start3A_271 = tpu.memref_slice %arg4[%add3A, %add3A_253, %dma_start3A_270] : memref<32x128x80xi32, #tpu.memory_space<hbm>> -> memref<1x1x80xi32, #tpu.memory_space<hbm>>
        %dma_start3A_272 = tpu.memref_squeeze %dma_start3A_271 : memref<1x1x80xi32, #tpu.memory_space<hbm>> -> memref<80xi32, #tpu.memory_space<hbm>>
        tpu.enqueue_dma source(%dma_start3A_272 : memref<80xi32, #tpu.memory_space<hbm>>) target(%dma_start3A_269 : memref<80xi32, #tpu.memory_space<vmem>>) target_semaphore(%arg16 : memref<!tpu.dma_semaphore, #tpu.memory_space<semaphore_mem>>)
      } else {
      }
      %add3A_179 = arith.constant 3 : i32
      %add3A_180 = arith.addi %add3A_171, %add3A_179 : i32
      %lt3A_181 = arith.constant 128 : i32
      %lt3A_182 = arith.cmpi slt, %add3A_180, %lt3A_181 : i32
      %convert_element_type3A_183 = arith.extui %lt3A_182 : i1 to i32
      %cond3A_184 = arith.constant 0 : i32
      %cond3A_185 = arith.cmpi ne, %convert_element_type3A_183, %cond3A_184 : i32
      scf.if %cond3A_185 {
        %add3A_252 = arith.constant 3 : i32
        %add3A_253 = arith.addi %add3A_171, %add3A_252 : i32
        %dma_wait3A_254 = arith.constant 0 : i32
        %dma_wait3A_255 = tpu.memref_slice %arg3[%add3A, %add3A_253, %dma_wait3A_254] : memref<32x128x80xi32, #tpu.memory_space<hbm>> -> memref<1x1x80xi32, #tpu.memory_space<hbm>>
        %dma_wait3A_256 = tpu.memref_squeeze %dma_wait3A_255 : memref<1x1x80xi32, #tpu.memory_space<hbm>> -> memref<80xi32, #tpu.memory_space<hbm>>
        %dma_wait3A_257 = arith.constant 0 : i32
        %dma_wait3A_258 = tpu.memref_slice %arg3[%add3A, %add3A_253, %dma_wait3A_257] : memref<32x128x80xi32, #tpu.memory_space<hbm>> -> memref<1x1x80xi32, #tpu.memory_space<hbm>>
        %dma_wait3A_259 = tpu.memref_squeeze %dma_wait3A_258 : memref<1x1x80xi32, #tpu.memory_space<hbm>> -> memref<80xi32, #tpu.memory_space<hbm>>
        tpu.wait_dma2 semaphore(%arg19 : memref<!tpu.dma_semaphore, #tpu.memory_space<semaphore_mem>>) src(%dma_wait3A_259 : memref<80xi32, #tpu.memory_space<hbm>>) dst(%arg23 : memref<80xi32, #tpu.memory_space<vmem>>)
        %dma_wait3A_260 = arith.constant 0 : i32
        %dma_wait3A_261 = arith.constant 0 : i32
        %dma_wait3A_262 = tpu.memref_slice %arg11[%dma_wait3A_260, %dma_wait3A_261] : memref<1x80xi32, #tpu.memory_space<vmem>> -> memref<1x80xi32, #tpu.memory_space<vmem>>
        %dma_wait3A_263 = tpu.memref_squeeze %dma_wait3A_262 : memref<1x80xi32, #tpu.memory_space<vmem>> -> memref<80xi32, #tpu.memory_space<vmem>>
        %dma_wait3A_264 = arith.constant 0 : i32
        %dma_wait3A_265 = tpu.memref_slice %arg4[%add3A, %add3A_253, %dma_wait3A_264] : memref<32x128x80xi32, #tpu.memory_space<hbm>> -> memref<1x1x80xi32, #tpu.memory_space<hbm>>
        %dma_wait3A_266 = tpu.memref_squeeze %dma_wait3A_265 : memref<1x1x80xi32, #tpu.memory_space<hbm>> -> memref<80xi32, #tpu.memory_space<hbm>>
        %dma_wait3A_267 = arith.constant 0 : i32
        %dma_wait3A_268 = tpu.memref_slice %arg11[%dma_wait3A_260, %dma_wait3A_267] : memref<1x80xi32, #tpu.memory_space<vmem>> -> memref<1x80xi32, #tpu.memory_space<vmem>>
        %dma_wait3A_269 = tpu.memref_squeeze %dma_wait3A_268 : memref<1x80xi32, #tpu.memory_space<vmem>> -> memref<80xi32, #tpu.memory_space<vmem>>
        %dma_wait3A_270 = arith.constant 0 : i32
        %dma_wait3A_271 = tpu.memref_slice %arg4[%add3A, %add3A_253, %dma_wait3A_270] : memref<32x128x80xi32, #tpu.memory_space<hbm>> -> memref<1x1x80xi32, #tpu.memory_space<hbm>>
        %dma_wait3A_272 = tpu.memref_squeeze %dma_wait3A_271 : memref<1x1x80xi32, #tpu.memory_space<hbm>> -> memref<80xi32, #tpu.memory_space<hbm>>
        tpu.wait_dma2 semaphore(%arg19 : memref<!tpu.dma_semaphore, #tpu.memory_space<semaphore_mem>>) src(%dma_wait3A_272 : memref<80xi32, #tpu.memory_space<hbm>>) dst(%dma_wait3A_269 : memref<80xi32, #tpu.memory_space<vmem>>)
        %add3A_273 = arith.constant 3 : i32
        %add3A_274 = arith.addi %add3A_171, %add3A_273 : i32
        %dma_start3A_275 = arith.constant 0 : i32
        %dma_start3A_276 = arith.constant 0 : i32
        %dma_start3A_277 = tpu.memref_slice %arg2[%dma_start3A_275, %dma_start3A_276] : memref<10000x128xf32, #tpu.memory_space<hbm>> -> memref<10000x128xf32, #tpu.memory_space<hbm>>
        tpu.enqueue_indirect_dma source(%dma_start3A_277 : memref<10000x128xf32, #tpu.memory_space<hbm>>) target(%arg27 : memref<80x128xf32, #tpu.memory_space<vmem>>) offsets(%arg23 : memref<80xi32, #tpu.memory_space<vmem>>) semaphore(%arg15 : memref<!tpu.dma_semaphore, #tpu.memory_space<semaphore_mem>>)
      } else {
      }
      %mul3A_186 = arith.constant 4 : i32
      %mul3A_187 = arith.muli %scan3A_167, %mul3A_186 : i32
      %add3A_188 = arith.constant 1 : i32
      %add3A_189 = arith.addi %mul3A_187, %add3A_188 : i32
      %dma_wait3A_190 = arith.constant 0 : i32
      %dma_wait3A_191 = arith.constant 0 : i32
      %dma_wait3A_192 = tpu.memref_slice %arg2[%dma_wait3A_190, %dma_wait3A_191] : memref<10000x128xf32, #tpu.memory_space<hbm>> -> memref<10000x128xf32, #tpu.memory_space<hbm>>
      tpu.wait_indirect_dma semaphore(%arg13 : memref<!tpu.dma_semaphore, #tpu.memory_space<semaphore_mem>>) src(%dma_wait3A_192 : memref<10000x128xf32, #tpu.memory_space<hbm>>) dst(%arg25 : memref<80x128xf32, #tpu.memory_space<vmem>>)
      %run_scoped3A_193 = arith.constant 0 : i32
      "tpu.region"() ({
        %run_scoped3A_252 = tpu.sem_alloc : memref<!tpu.dma_semaphore, #tpu.memory_space<semaphore_mem>>
        %dma_start3A_253 = arith.constant 0 : i32
        %dma_start3A_254 = tpu.memref_slice %arg9[%run_scoped3A_193, %dma_start3A_253] : memref<1x80xi32, #tpu.memory_space<vmem>> -> memref<1x80xi32, #tpu.memory_space<vmem>>
        %dma_start3A_255 = tpu.memref_squeeze %dma_start3A_254 : memref<1x80xi32, #tpu.memory_space<vmem>> -> memref<80xi32, #tpu.memory_space<vmem>>
        %dma_start3A_256 = arith.constant 0 : i32
        %dma_start3A_257 = arith.constant 0 : i32
        %dma_start3A_258 = tpu.memref_slice %arg7[%dma_start3A_256, %dma_start3A_257] : memref<10240x128xf32, #tpu.memory_space<vmem_shared>> -> memref<10240x128xf32, #tpu.memory_space<vmem_shared>>
        tpu.enqueue_indirect_dma source(%arg25 : memref<80x128xf32, #tpu.memory_space<vmem>>) target(%dma_start3A_258 : memref<10240x128xf32, #tpu.memory_space<vmem_shared>>) offsets(%dma_start3A_255 : memref<80xi32, #tpu.memory_space<vmem>>) semaphore(%run_scoped3A_252 : memref<!tpu.dma_semaphore, #tpu.memory_space<semaphore_mem>>) {add = true}
        %dma_wait3A_259 = arith.constant 0 : i32
        %dma_wait3A_260 = tpu.memref_slice %arg9[%run_scoped3A_193, %dma_wait3A_259] : memref<1x80xi32, #tpu.memory_space<vmem>> -> memref<1x80xi32, #tpu.memory_space<vmem>>
        %dma_wait3A_261 = tpu.memref_squeeze %dma_wait3A_260 : memref<1x80xi32, #tpu.memory_space<vmem>> -> memref<80xi32, #tpu.memory_space<vmem>>
        %dma_wait3A_262 = arith.constant 0 : i32
        %dma_wait3A_263 = arith.constant 0 : i32
        %dma_wait3A_264 = tpu.memref_slice %arg7[%dma_wait3A_262, %dma_wait3A_263] : memref<10240x128xf32, #tpu.memory_space<vmem_shared>> -> memref<10240x128xf32, #tpu.memory_space<vmem_shared>>
        tpu.wait_indirect_dma semaphore(%run_scoped3A_252 : memref<!tpu.dma_semaphore, #tpu.memory_space<semaphore_mem>>) src(%arg25 : memref<80x128xf32, #tpu.memory_space<vmem>>) dst(%dma_wait3A_264 : memref<10240x128xf32, #tpu.memory_space<vmem_shared>>)
        tpu.yield
      }) : () -> ()
      %add3A_194 = arith.constant 4 : i32
      %add3A_195 = arith.addi %add3A_189, %add3A_194 : i32
      %lt3A_196 = arith.constant 128 : i32
      %lt3A_197 = arith.cmpi slt, %add3A_195, %lt3A_196 : i32
      %convert_element_type3A_198 = arith.extui %lt3A_197 : i1 to i32
      %cond3A_199 = arith.constant 0 : i32
      %cond3A_200 = arith.cmpi ne, %convert_element_type3A_198, %cond3A_199 : i32
      scf.if %cond3A_200 {
        %add3A_252 = arith.constant 4 : i32
        %add3A_253 = arith.addi %add3A_189, %add3A_252 : i32
        %dma_start3A_254 = arith.constant 0 : i32
        %dma_start3A_255 = tpu.memref_slice %arg3[%add3A, %add3A_253, %dma_start3A_254] : memref<32x128x80xi32, #tpu.memory_space<hbm>> -> memref<1x1x80xi32, #tpu.memory_space<hbm>>
        %dma_start3A_256 = tpu.memref_squeeze %dma_start3A_255 : memref<1x1x80xi32, #tpu.memory_space<hbm>> -> memref<80xi32, #tpu.memory_space<hbm>>
        %dma_start3A_257 = arith.constant 0 : i32
        %dma_start3A_258 = tpu.memref_slice %arg3[%add3A, %add3A_253, %dma_start3A_257] : memref<32x128x80xi32, #tpu.memory_space<hbm>> -> memref<1x1x80xi32, #tpu.memory_space<hbm>>
        %dma_start3A_259 = tpu.memref_squeeze %dma_start3A_258 : memref<1x1x80xi32, #tpu.memory_space<hbm>> -> memref<80xi32, #tpu.memory_space<hbm>>
        tpu.enqueue_dma source(%dma_start3A_259 : memref<80xi32, #tpu.memory_space<hbm>>) target(%arg21 : memref<80xi32, #tpu.memory_space<vmem>>) target_semaphore(%arg17 : memref<!tpu.dma_semaphore, #tpu.memory_space<semaphore_mem>>)
        %dma_start3A_260 = arith.constant 0 : i32
        %dma_start3A_261 = arith.constant 0 : i32
        %dma_start3A_262 = tpu.memref_slice %arg9[%dma_start3A_260, %dma_start3A_261] : memref<1x80xi32, #tpu.memory_space<vmem>> -> memref<1x80xi32, #tpu.memory_space<vmem>>
        %dma_start3A_263 = tpu.memref_squeeze %dma_start3A_262 : memref<1x80xi32, #tpu.memory_space<vmem>> -> memref<80xi32, #tpu.memory_space<vmem>>
        %dma_start3A_264 = arith.constant 0 : i32
        %dma_start3A_265 = tpu.memref_slice %arg4[%add3A, %add3A_253, %dma_start3A_264] : memref<32x128x80xi32, #tpu.memory_space<hbm>> -> memref<1x1x80xi32, #tpu.memory_space<hbm>>
        %dma_start3A_266 = tpu.memref_squeeze %dma_start3A_265 : memref<1x1x80xi32, #tpu.memory_space<hbm>> -> memref<80xi32, #tpu.memory_space<hbm>>
        %dma_start3A_267 = arith.constant 0 : i32
        %dma_start3A_268 = tpu.memref_slice %arg9[%dma_start3A_260, %dma_start3A_267] : memref<1x80xi32, #tpu.memory_space<vmem>> -> memref<1x80xi32, #tpu.memory_space<vmem>>
        %dma_start3A_269 = tpu.memref_squeeze %dma_start3A_268 : memref<1x80xi32, #tpu.memory_space<vmem>> -> memref<80xi32, #tpu.memory_space<vmem>>
        %dma_start3A_270 = arith.constant 0 : i32
        %dma_start3A_271 = tpu.memref_slice %arg4[%add3A, %add3A_253, %dma_start3A_270] : memref<32x128x80xi32, #tpu.memory_space<hbm>> -> memref<1x1x80xi32, #tpu.memory_space<hbm>>
        %dma_start3A_272 = tpu.memref_squeeze %dma_start3A_271 : memref<1x1x80xi32, #tpu.memory_space<hbm>> -> memref<80xi32, #tpu.memory_space<hbm>>
        tpu.enqueue_dma source(%dma_start3A_272 : memref<80xi32, #tpu.memory_space<hbm>>) target(%dma_start3A_269 : memref<80xi32, #tpu.memory_space<vmem>>) target_semaphore(%arg17 : memref<!tpu.dma_semaphore, #tpu.memory_space<semaphore_mem>>)
      } else {
      }
      %add3A_201 = arith.constant 3 : i32
      %add3A_202 = arith.addi %add3A_189, %add3A_201 : i32
      %lt3A_203 = arith.constant 128 : i32
      %lt3A_204 = arith.cmpi slt, %add3A_202, %lt3A_203 : i32
      %convert_element_type3A_205 = arith.extui %lt3A_204 : i1 to i32
      %cond3A_206 = arith.constant 0 : i32
      %cond3A_207 = arith.cmpi ne, %convert_element_type3A_205, %cond3A_206 : i32
      scf.if %cond3A_207 {
        %add3A_252 = arith.constant 3 : i32
        %add3A_253 = arith.addi %add3A_189, %add3A_252 : i32
        %dma_wait3A_254 = arith.constant 0 : i32
        %dma_wait3A_255 = tpu.memref_slice %arg3[%add3A, %add3A_253, %dma_wait3A_254] : memref<32x128x80xi32, #tpu.memory_space<hbm>> -> memref<1x1x80xi32, #tpu.memory_space<hbm>>
        %dma_wait3A_256 = tpu.memref_squeeze %dma_wait3A_255 : memref<1x1x80xi32, #tpu.memory_space<hbm>> -> memref<80xi32, #tpu.memory_space<hbm>>
        %dma_wait3A_257 = arith.constant 0 : i32
        %dma_wait3A_258 = tpu.memref_slice %arg3[%add3A, %add3A_253, %dma_wait3A_257] : memref<32x128x80xi32, #tpu.memory_space<hbm>> -> memref<1x1x80xi32, #tpu.memory_space<hbm>>
        %dma_wait3A_259 = tpu.memref_squeeze %dma_wait3A_258 : memref<1x1x80xi32, #tpu.memory_space<hbm>> -> memref<80xi32, #tpu.memory_space<hbm>>
        tpu.wait_dma2 semaphore(%arg16 : memref<!tpu.dma_semaphore, #tpu.memory_space<semaphore_mem>>) src(%dma_wait3A_259 : memref<80xi32, #tpu.memory_space<hbm>>) dst(%arg20 : memref<80xi32, #tpu.memory_space<vmem>>)
        %dma_wait3A_260 = arith.constant 0 : i32
        %dma_wait3A_261 = arith.constant 0 : i32
        %dma_wait3A_262 = tpu.memref_slice %arg8[%dma_wait3A_260, %dma_wait3A_261] : memref<1x80xi32, #tpu.memory_space<vmem>> -> memref<1x80xi32, #tpu.memory_space<vmem>>
        %dma_wait3A_263 = tpu.memref_squeeze %dma_wait3A_262 : memref<1x80xi32, #tpu.memory_space<vmem>> -> memref<80xi32, #tpu.memory_space<vmem>>
        %dma_wait3A_264 = arith.constant 0 : i32
        %dma_wait3A_265 = tpu.memref_slice %arg4[%add3A, %add3A_253, %dma_wait3A_264] : memref<32x128x80xi32, #tpu.memory_space<hbm>> -> memref<1x1x80xi32, #tpu.memory_space<hbm>>
        %dma_wait3A_266 = tpu.memref_squeeze %dma_wait3A_265 : memref<1x1x80xi32, #tpu.memory_space<hbm>> -> memref<80xi32, #tpu.memory_space<hbm>>
        %dma_wait3A_267 = arith.constant 0 : i32
        %dma_wait3A_268 = tpu.memref_slice %arg8[%dma_wait3A_260, %dma_wait3A_267] : memref<1x80xi32, #tpu.memory_space<vmem>> -> memref<1x80xi32, #tpu.memory_space<vmem>>
        %dma_wait3A_269 = tpu.memref_squeeze %dma_wait3A_268 : memref<1x80xi32, #tpu.memory_space<vmem>> -> memref<80xi32, #tpu.memory_space<vmem>>
        %dma_wait3A_270 = arith.constant 0 : i32
        %dma_wait3A_271 = tpu.memref_slice %arg4[%add3A, %add3A_253, %dma_wait3A_270] : memref<32x128x80xi32, #tpu.memory_space<hbm>> -> memref<1x1x80xi32, #tpu.memory_space<hbm>>
        %dma_wait3A_272 = tpu.memref_squeeze %dma_wait3A_271 : memref<1x1x80xi32, #tpu.memory_space<hbm>> -> memref<80xi32, #tpu.memory_space<hbm>>
        tpu.wait_dma2 semaphore(%arg16 : memref<!tpu.dma_semaphore, #tpu.memory_space<semaphore_mem>>) src(%dma_wait3A_272 : memref<80xi32, #tpu.memory_space<hbm>>) dst(%dma_wait3A_269 : memref<80xi32, #tpu.memory_space<vmem>>)
        %add3A_273 = arith.constant 3 : i32
        %add3A_274 = arith.addi %add3A_189, %add3A_273 : i32
        %dma_start3A_275 = arith.constant 0 : i32
        %dma_start3A_276 = arith.constant 0 : i32
        %dma_start3A_277 = tpu.memref_slice %arg2[%dma_start3A_275, %dma_start3A_276] : memref<10000x128xf32, #tpu.memory_space<hbm>> -> memref<10000x128xf32, #tpu.memory_space<hbm>>
        tpu.enqueue_indirect_dma source(%dma_start3A_277 : memref<10000x128xf32, #tpu.memory_space<hbm>>) target(%arg24 : memref<80x128xf32, #tpu.memory_space<vmem>>) offsets(%arg20 : memref<80xi32, #tpu.memory_space<vmem>>) semaphore(%arg12 : memref<!tpu.dma_semaphore, #tpu.memory_space<semaphore_mem>>)
      } else {
      }
      %mul3A_208 = arith.constant 4 : i32
      %mul3A_209 = arith.muli %scan3A_167, %mul3A_208 : i32
      %add3A_210 = arith.constant 2 : i32
      %add3A_211 = arith.addi %mul3A_209, %add3A_210 : i32
      %dma_wait3A_212 = arith.constant 0 : i32
      %dma_wait3A_213 = arith.constant 0 : i32
      %dma_wait3A_214 = tpu.memref_slice %arg2[%dma_wait3A_212, %dma_wait3A_213] : memref<10000x128xf32, #tpu.memory_space<hbm>> -> memref<10000x128xf32, #tpu.memory_space<hbm>>
      tpu.wait_indirect_dma semaphore(%arg14 : memref<!tpu.dma_semaphore, #tpu.memory_space<semaphore_mem>>) src(%dma_wait3A_214 : memref<10000x128xf32, #tpu.memory_space<hbm>>) dst(%arg26 : memref<80x128xf32, #tpu.memory_space<vmem>>)
      %run_scoped3A_215 = arith.constant 0 : i32
      "tpu.region"() ({
        %run_scoped3A_252 = tpu.sem_alloc : memref<!tpu.dma_semaphore, #tpu.memory_space<semaphore_mem>>
        %dma_start3A_253 = arith.constant 0 : i32
        %dma_start3A_254 = tpu.memref_slice %arg10[%run_scoped3A_215, %dma_start3A_253] : memref<1x80xi32, #tpu.memory_space<vmem>> -> memref<1x80xi32, #tpu.memory_space<vmem>>
        %dma_start3A_255 = tpu.memref_squeeze %dma_start3A_254 : memref<1x80xi32, #tpu.memory_space<vmem>> -> memref<80xi32, #tpu.memory_space<vmem>>
        %dma_start3A_256 = arith.constant 0 : i32
        %dma_start3A_257 = arith.constant 0 : i32
        %dma_start3A_258 = tpu.memref_slice %arg7[%dma_start3A_256, %dma_start3A_257] : memref<10240x128xf32, #tpu.memory_space<vmem_shared>> -> memref<10240x128xf32, #tpu.memory_space<vmem_shared>>
        tpu.enqueue_indirect_dma source(%arg26 : memref<80x128xf32, #tpu.memory_space<vmem>>) target(%dma_start3A_258 : memref<10240x128xf32, #tpu.memory_space<vmem_shared>>) offsets(%dma_start3A_255 : memref<80xi32, #tpu.memory_space<vmem>>) semaphore(%run_scoped3A_252 : memref<!tpu.dma_semaphore, #tpu.memory_space<semaphore_mem>>) {add = true}
        %dma_wait3A_259 = arith.constant 0 : i32
        %dma_wait3A_260 = tpu.memref_slice %arg10[%run_scoped3A_215, %dma_wait3A_259] : memref<1x80xi32, #tpu.memory_space<vmem>> -> memref<1x80xi32, #tpu.memory_space<vmem>>
        %dma_wait3A_261 = tpu.memref_squeeze %dma_wait3A_260 : memref<1x80xi32, #tpu.memory_space<vmem>> -> memref<80xi32, #tpu.memory_space<vmem>>
        %dma_wait3A_262 = arith.constant 0 : i32
        %dma_wait3A_263 = arith.constant 0 : i32
        %dma_wait3A_264 = tpu.memref_slice %arg7[%dma_wait3A_262, %dma_wait3A_263] : memref<10240x128xf32, #tpu.memory_space<vmem_shared>> -> memref<10240x128xf32, #tpu.memory_space<vmem_shared>>
        tpu.wait_indirect_dma semaphore(%run_scoped3A_252 : memref<!tpu.dma_semaphore, #tpu.memory_space<semaphore_mem>>) src(%arg26 : memref<80x128xf32, #tpu.memory_space<vmem>>) dst(%dma_wait3A_264 : memref<10240x128xf32, #tpu.memory_space<vmem_shared>>)
        tpu.yield
      }) : () -> ()
      %add3A_216 = arith.constant 4 : i32
      %add3A_217 = arith.addi %add3A_211, %add3A_216 : i32
      %lt3A_218 = arith.constant 128 : i32
      %lt3A_219 = arith.cmpi slt, %add3A_217, %lt3A_218 : i32
      %convert_element_type3A_220 = arith.extui %lt3A_219 : i1 to i32
      %cond3A_221 = arith.constant 0 : i32
      %cond3A_222 = arith.cmpi ne, %convert_element_type3A_220, %cond3A_221 : i32
      scf.if %cond3A_222 {
        %add3A_252 = arith.constant 4 : i32
        %add3A_253 = arith.addi %add3A_211, %add3A_252 : i32
        %dma_start3A_254 = arith.constant 0 : i32
        %dma_start3A_255 = tpu.memref_slice %arg3[%add3A, %add3A_253, %dma_start3A_254] : memref<32x128x80xi32, #tpu.memory_space<hbm>> -> memref<1x1x80xi32, #tpu.memory_space<hbm>>
        %dma_start3A_256 = tpu.memref_squeeze %dma_start3A_255 : memref<1x1x80xi32, #tpu.memory_space<hbm>> -> memref<80xi32, #tpu.memory_space<hbm>>
        %dma_start3A_257 = arith.constant 0 : i32
        %dma_start3A_258 = tpu.memref_slice %arg3[%add3A, %add3A_253, %dma_start3A_257] : memref<32x128x80xi32, #tpu.memory_space<hbm>> -> memref<1x1x80xi32, #tpu.memory_space<hbm>>
        %dma_start3A_259 = tpu.memref_squeeze %dma_start3A_258 : memref<1x1x80xi32, #tpu.memory_space<hbm>> -> memref<80xi32, #tpu.memory_space<hbm>>
        tpu.enqueue_dma source(%dma_start3A_259 : memref<80xi32, #tpu.memory_space<hbm>>) target(%arg22 : memref<80xi32, #tpu.memory_space<vmem>>) target_semaphore(%arg18 : memref<!tpu.dma_semaphore, #tpu.memory_space<semaphore_mem>>)
        %dma_start3A_260 = arith.constant 0 : i32
        %dma_start3A_261 = arith.constant 0 : i32
        %dma_start3A_262 = tpu.memref_slice %arg10[%dma_start3A_260, %dma_start3A_261] : memref<1x80xi32, #tpu.memory_space<vmem>> -> memref<1x80xi32, #tpu.memory_space<vmem>>
        %dma_start3A_263 = tpu.memref_squeeze %dma_start3A_262 : memref<1x80xi32, #tpu.memory_space<vmem>> -> memref<80xi32, #tpu.memory_space<vmem>>
        %dma_start3A_264 = arith.constant 0 : i32
        %dma_start3A_265 = tpu.memref_slice %arg4[%add3A, %add3A_253, %dma_start3A_264] : memref<32x128x80xi32, #tpu.memory_space<hbm>> -> memref<1x1x80xi32, #tpu.memory_space<hbm>>
        %dma_start3A_266 = tpu.memref_squeeze %dma_start3A_265 : memref<1x1x80xi32, #tpu.memory_space<hbm>> -> memref<80xi32, #tpu.memory_space<hbm>>
        %dma_start3A_267 = arith.constant 0 : i32
        %dma_start3A_268 = tpu.memref_slice %arg10[%dma_start3A_260, %dma_start3A_267] : memref<1x80xi32, #tpu.memory_space<vmem>> -> memref<1x80xi32, #tpu.memory_space<vmem>>
        %dma_start3A_269 = tpu.memref_squeeze %dma_start3A_268 : memref<1x80xi32, #tpu.memory_space<vmem>> -> memref<80xi32, #tpu.memory_space<vmem>>
        %dma_start3A_270 = arith.constant 0 : i32
        %dma_start3A_271 = tpu.memref_slice %arg4[%add3A, %add3A_253, %dma_start3A_270] : memref<32x128x80xi32, #tpu.memory_space<hbm>> -> memref<1x1x80xi32, #tpu.memory_space<hbm>>
        %dma_start3A_272 = tpu.memref_squeeze %dma_start3A_271 : memref<1x1x80xi32, #tpu.memory_space<hbm>> -> memref<80xi32, #tpu.memory_space<hbm>>
        tpu.enqueue_dma source(%dma_start3A_272 : memref<80xi32, #tpu.memory_space<hbm>>) target(%dma_start3A_269 : memref<80xi32, #tpu.memory_space<vmem>>) target_semaphore(%arg18 : memref<!tpu.dma_semaphore, #tpu.memory_space<semaphore_mem>>)
      } else {
      }
      %add3A_223 = arith.constant 3 : i32
      %add3A_224 = arith.addi %add3A_211, %add3A_223 : i32
      %lt3A_225 = arith.constant 128 : i32
      %lt3A_226 = arith.cmpi slt, %add3A_224, %lt3A_225 : i32
      %convert_element_type3A_227 = arith.extui %lt3A_226 : i1 to i32
      %cond3A_228 = arith.constant 0 : i32
      %cond3A_229 = arith.cmpi ne, %convert_element_type3A_227, %cond3A_228 : i32
      scf.if %cond3A_229 {
        %add3A_252 = arith.constant 3 : i32
        %add3A_253 = arith.addi %add3A_211, %add3A_252 : i32
        %dma_wait3A_254 = arith.constant 0 : i32
        %dma_wait3A_255 = tpu.memref_slice %arg3[%add3A, %add3A_253, %dma_wait3A_254] : memref<32x128x80xi32, #tpu.memory_space<hbm>> -> memref<1x1x80xi32, #tpu.memory_space<hbm>>
        %dma_wait3A_256 = tpu.memref_squeeze %dma_wait3A_255 : memref<1x1x80xi32, #tpu.memory_space<hbm>> -> memref<80xi32, #tpu.memory_space<hbm>>
        %dma_wait3A_257 = arith.constant 0 : i32
        %dma_wait3A_258 = tpu.memref_slice %arg3[%add3A, %add3A_253, %dma_wait3A_257] : memref<32x128x80xi32, #tpu.memory_space<hbm>> -> memref<1x1x80xi32, #tpu.memory_space<hbm>>
        %dma_wait3A_259 = tpu.memref_squeeze %dma_wait3A_258 : memref<1x1x80xi32, #tpu.memory_space<hbm>> -> memref<80xi32, #tpu.memory_space<hbm>>
        tpu.wait_dma2 semaphore(%arg17 : memref<!tpu.dma_semaphore, #tpu.memory_space<semaphore_mem>>) src(%dma_wait3A_259 : memref<80xi32, #tpu.memory_space<hbm>>) dst(%arg21 : memref<80xi32, #tpu.memory_space<vmem>>)
        %dma_wait3A_260 = arith.constant 0 : i32
        %dma_wait3A_261 = arith.constant 0 : i32
        %dma_wait3A_262 = tpu.memref_slice %arg9[%dma_wait3A_260, %dma_wait3A_261] : memref<1x80xi32, #tpu.memory_space<vmem>> -> memref<1x80xi32, #tpu.memory_space<vmem>>
        %dma_wait3A_263 = tpu.memref_squeeze %dma_wait3A_262 : memref<1x80xi32, #tpu.memory_space<vmem>> -> memref<80xi32, #tpu.memory_space<vmem>>
        %dma_wait3A_264 = arith.constant 0 : i32
        %dma_wait3A_265 = tpu.memref_slice %arg4[%add3A, %add3A_253, %dma_wait3A_264] : memref<32x128x80xi32, #tpu.memory_space<hbm>> -> memref<1x1x80xi32, #tpu.memory_space<hbm>>
        %dma_wait3A_266 = tpu.memref_squeeze %dma_wait3A_265 : memref<1x1x80xi32, #tpu.memory_space<hbm>> -> memref<80xi32, #tpu.memory_space<hbm>>
        %dma_wait3A_267 = arith.constant 0 : i32
        %dma_wait3A_268 = tpu.memref_slice %arg9[%dma_wait3A_260, %dma_wait3A_267] : memref<1x80xi32, #tpu.memory_space<vmem>> -> memref<1x80xi32, #tpu.memory_space<vmem>>
        %dma_wait3A_269 = tpu.memref_squeeze %dma_wait3A_268 : memref<1x80xi32, #tpu.memory_space<vmem>> -> memref<80xi32, #tpu.memory_space<vmem>>
        %dma_wait3A_270 = arith.constant 0 : i32
        %dma_wait3A_271 = tpu.memref_slice %arg4[%add3A, %add3A_253, %dma_wait3A_270] : memref<32x128x80xi32, #tpu.memory_space<hbm>> -> memref<1x1x80xi32, #tpu.memory_space<hbm>>
        %dma_wait3A_272 = tpu.memref_squeeze %dma_wait3A_271 : memref<1x1x80xi32, #tpu.memory_space<hbm>> -> memref<80xi32, #tpu.memory_space<hbm>>
        tpu.wait_dma2 semaphore(%arg17 : memref<!tpu.dma_semaphore, #tpu.memory_space<semaphore_mem>>) src(%dma_wait3A_272 : memref<80xi32, #tpu.memory_space<hbm>>) dst(%dma_wait3A_269 : memref<80xi32, #tpu.memory_space<vmem>>)
        %add3A_273 = arith.constant 3 : i32
        %add3A_274 = arith.addi %add3A_211, %add3A_273 : i32
        %dma_start3A_275 = arith.constant 0 : i32
        %dma_start3A_276 = arith.constant 0 : i32
        %dma_start3A_277 = tpu.memref_slice %arg2[%dma_start3A_275, %dma_start3A_276] : memref<10000x128xf32, #tpu.memory_space<hbm>> -> memref<10000x128xf32, #tpu.memory_space<hbm>>
        tpu.enqueue_indirect_dma source(%dma_start3A_277 : memref<10000x128xf32, #tpu.memory_space<hbm>>) target(%arg25 : memref<80x128xf32, #tpu.memory_space<vmem>>) offsets(%arg21 : memref<80xi32, #tpu.memory_space<vmem>>) semaphore(%arg13 : memref<!tpu.dma_semaphore, #tpu.memory_space<semaphore_mem>>)
      } else {
      }
      %mul3A_230 = arith.constant 4 : i32
      %mul3A_231 = arith.muli %scan3A_167, %mul3A_230 : i32
      %add3A_232 = arith.constant 3 : i32
      %add3A_233 = arith.addi %mul3A_231, %add3A_232 : i32
      %dma_wait3A_234 = arith.constant 0 : i32
      %dma_wait3A_235 = arith.constant 0 : i32
      %dma_wait3A_236 = tpu.memref_slice %arg2[%dma_wait3A_234, %dma_wait3A_235] : memref<10000x128xf32, #tpu.memory_space<hbm>> -> memref<10000x128xf32, #tpu.memory_space<hbm>>
      tpu.wait_indirect_dma semaphore(%arg15 : memref<!tpu.dma_semaphore, #tpu.memory_space<semaphore_mem>>) src(%dma_wait3A_236 : memref<10000x128xf32, #tpu.memory_space<hbm>>) dst(%arg27 : memref<80x128xf32, #tpu.memory_space<vmem>>)
      %run_scoped3A_237 = arith.constant 0 : i32
      "tpu.region"() ({
        %run_scoped3A_252 = tpu.sem_alloc : memref<!tpu.dma_semaphore, #tpu.memory_space<semaphore_mem>>
        %dma_start3A_253 = arith.constant 0 : i32
        %dma_start3A_254 = tpu.memref_slice %arg11[%run_scoped3A_237, %dma_start3A_253] : memref<1x80xi32, #tpu.memory_space<vmem>> -> memref<1x80xi32, #tpu.memory_space<vmem>>
        %dma_start3A_255 = tpu.memref_squeeze %dma_start3A_254 : memref<1x80xi32, #tpu.memory_space<vmem>> -> memref<80xi32, #tpu.memory_space<vmem>>
        %dma_start3A_256 = arith.constant 0 : i32
        %dma_start3A_257 = arith.constant 0 : i32
        %dma_start3A_258 = tpu.memref_slice %arg7[%dma_start3A_256, %dma_start3A_257] : memref<10240x128xf32, #tpu.memory_space<vmem_shared>> -> memref<10240x128xf32, #tpu.memory_space<vmem_shared>>
        tpu.enqueue_indirect_dma source(%arg27 : memref<80x128xf32, #tpu.memory_space<vmem>>) target(%dma_start3A_258 : memref<10240x128xf32, #tpu.memory_space<vmem_shared>>) offsets(%dma_start3A_255 : memref<80xi32, #tpu.memory_space<vmem>>) semaphore(%run_scoped3A_252 : memref<!tpu.dma_semaphore, #tpu.memory_space<semaphore_mem>>) {add = true}
        %dma_wait3A_259 = arith.constant 0 : i32
        %dma_wait3A_260 = tpu.memref_slice %arg11[%run_scoped3A_237, %dma_wait3A_259] : memref<1x80xi32, #tpu.memory_space<vmem>> -> memref<1x80xi32, #tpu.memory_space<vmem>>
        %dma_wait3A_261 = tpu.memref_squeeze %dma_wait3A_260 : memref<1x80xi32, #tpu.memory_space<vmem>> -> memref<80xi32, #tpu.memory_space<vmem>>
        %dma_wait3A_262 = arith.constant 0 : i32
        %dma_wait3A_263 = arith.constant 0 : i32
        %dma_wait3A_264 = tpu.memref_slice %arg7[%dma_wait3A_262, %dma_wait3A_263] : memref<10240x128xf32, #tpu.memory_space<vmem_shared>> -> memref<10240x128xf32, #tpu.memory_space<vmem_shared>>
        tpu.wait_indirect_dma semaphore(%run_scoped3A_252 : memref<!tpu.dma_semaphore, #tpu.memory_space<semaphore_mem>>) src(%arg27 : memref<80x128xf32, #tpu.memory_space<vmem>>) dst(%dma_wait3A_264 : memref<10240x128xf32, #tpu.memory_space<vmem_shared>>)
        tpu.yield
      }) : () -> ()
      %add3A_238 = arith.constant 4 : i32
      %add3A_239 = arith.addi %add3A_233, %add3A_238 : i32
      %lt3A_240 = arith.constant 128 : i32
      %lt3A_241 = arith.cmpi slt, %add3A_239, %lt3A_240 : i32
      %convert_element_type3A_242 = arith.extui %lt3A_241 : i1 to i32
      %cond3A_243 = arith.constant 0 : i32
      %cond3A_244 = arith.cmpi ne, %convert_element_type3A_242, %cond3A_243 : i32
      scf.if %cond3A_244 {
        %add3A_252 = arith.constant 4 : i32
        %add3A_253 = arith.addi %add3A_233, %add3A_252 : i32
        %dma_start3A_254 = arith.constant 0 : i32
        %dma_start3A_255 = tpu.memref_slice %arg3[%add3A, %add3A_253, %dma_start3A_254] : memref<32x128x80xi32, #tpu.memory_space<hbm>> -> memref<1x1x80xi32, #tpu.memory_space<hbm>>
        %dma_start3A_256 = tpu.memref_squeeze %dma_start3A_255 : memref<1x1x80xi32, #tpu.memory_space<hbm>> -> memref<80xi32, #tpu.memory_space<hbm>>
        %dma_start3A_257 = arith.constant 0 : i32
        %dma_start3A_258 = tpu.memref_slice %arg3[%add3A, %add3A_253, %dma_start3A_257] : memref<32x128x80xi32, #tpu.memory_space<hbm>> -> memref<1x1x80xi32, #tpu.memory_space<hbm>>
        %dma_start3A_259 = tpu.memref_squeeze %dma_start3A_258 : memref<1x1x80xi32, #tpu.memory_space<hbm>> -> memref<80xi32, #tpu.memory_space<hbm>>
        tpu.enqueue_dma source(%dma_start3A_259 : memref<80xi32, #tpu.memory_space<hbm>>) target(%arg23 : memref<80xi32, #tpu.memory_space<vmem>>) target_semaphore(%arg19 : memref<!tpu.dma_semaphore, #tpu.memory_space<semaphore_mem>>)
        %dma_start3A_260 = arith.constant 0 : i32
        %dma_start3A_261 = arith.constant 0 : i32
        %dma_start3A_262 = tpu.memref_slice %arg11[%dma_start3A_260, %dma_start3A_261] : memref<1x80xi32, #tpu.memory_space<vmem>> -> memref<1x80xi32, #tpu.memory_space<vmem>>
        %dma_start3A_263 = tpu.memref_squeeze %dma_start3A_262 : memref<1x80xi32, #tpu.memory_space<vmem>> -> memref<80xi32, #tpu.memory_space<vmem>>
        %dma_start3A_264 = arith.constant 0 : i32
        %dma_start3A_265 = tpu.memref_slice %arg4[%add3A, %add3A_253, %dma_start3A_264] : memref<32x128x80xi32, #tpu.memory_space<hbm>> -> memref<1x1x80xi32, #tpu.memory_space<hbm>>
        %dma_start3A_266 = tpu.memref_squeeze %dma_start3A_265 : memref<1x1x80xi32, #tpu.memory_space<hbm>> -> memref<80xi32, #tpu.memory_space<hbm>>
        %dma_start3A_267 = arith.constant 0 : i32
        %dma_start3A_268 = tpu.memref_slice %arg11[%dma_start3A_260, %dma_start3A_267] : memref<1x80xi32, #tpu.memory_space<vmem>> -> memref<1x80xi32, #tpu.memory_space<vmem>>
        %dma_start3A_269 = tpu.memref_squeeze %dma_start3A_268 : memref<1x80xi32, #tpu.memory_space<vmem>> -> memref<80xi32, #tpu.memory_space<vmem>>
        %dma_start3A_270 = arith.constant 0 : i32
        %dma_start3A_271 = tpu.memref_slice %arg4[%add3A, %add3A_253, %dma_start3A_270] : memref<32x128x80xi32, #tpu.memory_space<hbm>> -> memref<1x1x80xi32, #tpu.memory_space<hbm>>
        %dma_start3A_272 = tpu.memref_squeeze %dma_start3A_271 : memref<1x1x80xi32, #tpu.memory_space<hbm>> -> memref<80xi32, #tpu.memory_space<hbm>>
        tpu.enqueue_dma source(%dma_start3A_272 : memref<80xi32, #tpu.memory_space<hbm>>) target(%dma_start3A_269 : memref<80xi32, #tpu.memory_space<vmem>>) target_semaphore(%arg19 : memref<!tpu.dma_semaphore, #tpu.memory_space<semaphore_mem>>)
      } else {
      }
      %add3A_245 = arith.constant 3 : i32
      %add3A_246 = arith.addi %add3A_233, %add3A_245 : i32
      %lt3A_247 = arith.constant 128 : i32
      %lt3A_248 = arith.cmpi slt, %add3A_246, %lt3A_247 : i32
      %convert_element_type3A_249 = arith.extui %lt3A_248 : i1 to i32
      %cond3A_250 = arith.constant 0 : i32
      %cond3A_251 = arith.cmpi ne, %convert_element_type3A_249, %cond3A_250 : i32
      scf.if %cond3A_251 {
        %add3A_252 = arith.constant 3 : i32
        %add3A_253 = arith.addi %add3A_233, %add3A_252 : i32
        %dma_wait3A_254 = arith.constant 0 : i32
        %dma_wait3A_255 = tpu.memref_slice %arg3[%add3A, %add3A_253, %dma_wait3A_254] : memref<32x128x80xi32, #tpu.memory_space<hbm>> -> memref<1x1x80xi32, #tpu.memory_space<hbm>>
        %dma_wait3A_256 = tpu.memref_squeeze %dma_wait3A_255 : memref<1x1x80xi32, #tpu.memory_space<hbm>> -> memref<80xi32, #tpu.memory_space<hbm>>
        %dma_wait3A_257 = arith.constant 0 : i32
        %dma_wait3A_258 = tpu.memref_slice %arg3[%add3A, %add3A_253, %dma_wait3A_257] : memref<32x128x80xi32, #tpu.memory_space<hbm>> -> memref<1x1x80xi32, #tpu.memory_space<hbm>>
        %dma_wait3A_259 = tpu.memref_squeeze %dma_wait3A_258 : memref<1x1x80xi32, #tpu.memory_space<hbm>> -> memref<80xi32, #tpu.memory_space<hbm>>
        tpu.wait_dma2 semaphore(%arg18 : memref<!tpu.dma_semaphore, #tpu.memory_space<semaphore_mem>>) src(%dma_wait3A_259 : memref<80xi32, #tpu.memory_space<hbm>>) dst(%arg22 : memref<80xi32, #tpu.memory_space<vmem>>)
        %dma_wait3A_260 = arith.constant 0 : i32
        %dma_wait3A_261 = arith.constant 0 : i32
        %dma_wait3A_262 = tpu.memref_slice %arg10[%dma_wait3A_260, %dma_wait3A_261] : memref<1x80xi32, #tpu.memory_space<vmem>> -> memref<1x80xi32, #tpu.memory_space<vmem>>
        %dma_wait3A_263 = tpu.memref_squeeze %dma_wait3A_262 : memref<1x80xi32, #tpu.memory_space<vmem>> -> memref<80xi32, #tpu.memory_space<vmem>>
        %dma_wait3A_264 = arith.constant 0 : i32
        %dma_wait3A_265 = tpu.memref_slice %arg4[%add3A, %add3A_253, %dma_wait3A_264] : memref<32x128x80xi32, #tpu.memory_space<hbm>> -> memref<1x1x80xi32, #tpu.memory_space<hbm>>
        %dma_wait3A_266 = tpu.memref_squeeze %dma_wait3A_265 : memref<1x1x80xi32, #tpu.memory_space<hbm>> -> memref<80xi32, #tpu.memory_space<hbm>>
        %dma_wait3A_267 = arith.constant 0 : i32
        %dma_wait3A_268 = tpu.memref_slice %arg10[%dma_wait3A_260, %dma_wait3A_267] : memref<1x80xi32, #tpu.memory_space<vmem>> -> memref<1x80xi32, #tpu.memory_space<vmem>>
        %dma_wait3A_269 = tpu.memref_squeeze %dma_wait3A_268 : memref<1x80xi32, #tpu.memory_space<vmem>> -> memref<80xi32, #tpu.memory_space<vmem>>
        %dma_wait3A_270 = arith.constant 0 : i32
        %dma_wait3A_271 = tpu.memref_slice %arg4[%add3A, %add3A_253, %dma_wait3A_270] : memref<32x128x80xi32, #tpu.memory_space<hbm>> -> memref<1x1x80xi32, #tpu.memory_space<hbm>>
        %dma_wait3A_272 = tpu.memref_squeeze %dma_wait3A_271 : memref<1x1x80xi32, #tpu.memory_space<hbm>> -> memref<80xi32, #tpu.memory_space<hbm>>
        tpu.wait_dma2 semaphore(%arg18 : memref<!tpu.dma_semaphore, #tpu.memory_space<semaphore_mem>>) src(%dma_wait3A_272 : memref<80xi32, #tpu.memory_space<hbm>>) dst(%dma_wait3A_269 : memref<80xi32, #tpu.memory_space<vmem>>)
        %add3A_273 = arith.constant 3 : i32
        %add3A_274 = arith.addi %add3A_233, %add3A_273 : i32
        %dma_start3A_275 = arith.constant 0 : i32
        %dma_start3A_276 = arith.constant 0 : i32
        %dma_start3A_277 = tpu.memref_slice %arg2[%dma_start3A_275, %dma_start3A_276] : memref<10000x128xf32, #tpu.memory_space<hbm>> -> memref<10000x128xf32, #tpu.memory_space<hbm>>
        tpu.enqueue_indirect_dma source(%dma_start3A_277 : memref<10000x128xf32, #tpu.memory_space<hbm>>) target(%arg26 : memref<80x128xf32, #tpu.memory_space<vmem>>) offsets(%arg22 : memref<80xi32, #tpu.memory_space<vmem>>) semaphore(%arg14 : memref<!tpu.dma_semaphore, #tpu.memory_space<semaphore_mem>>)
      } else {
      }
    }
    %scan3A_161 = arith.constant 32 : i32
    %barrier3A_162 = arith.constant 0 : index
    tpu.barrier barrier_id(%barrier3A_162)
    %mul3A_163 = arith.constant 640 : i32
    %mul3A_164 = arith.muli %arg1, %mul3A_163 : i32
    %mul3A_165 = arith.constant 640 : i32
    %mul3A_166 = arith.muli %arg1, %mul3A_165 : i32
    "tpu.region"() ({
      %run_scoped3A = tpu.sem_alloc : memref<!tpu.dma_semaphore, #tpu.memory_space<semaphore_mem>>
      %dma_start3A_167 = arith.constant 0 : i32
      %dma_start3A_168 = tpu.memref_slice %arg6[%arg0, %mul3A_166, %dma_start3A_167] : memref<2x10240x128xf32, #tpu.memory_space<hbm>> -> memref<1x640x128xf32, #tpu.memory_space<hbm>>
      %dma_start3A_169 = tpu.memref_squeeze %dma_start3A_168 : memref<1x640x128xf32, #tpu.memory_space<hbm>> -> memref<640x128xf32, #tpu.memory_space<hbm>>
      %dma_start3A_170 = arith.constant 0 : i32
      %dma_start3A_171 = tpu.memref_slice %arg7[%mul3A_164, %dma_start3A_170] : memref<10240x128xf32, #tpu.memory_space<vmem_shared>> -> memref<640x128xf32, #tpu.memory_space<vmem_shared>>
      tpu.enqueue_dma source(%dma_start3A_171 : memref<640x128xf32, #tpu.memory_space<vmem_shared>>) target(%dma_start3A_169 : memref<640x128xf32, #tpu.memory_space<hbm>>) target_semaphore(%run_scoped3A : memref<!tpu.dma_semaphore, #tpu.memory_space<semaphore_mem>>)
      %dma_wait3A_172 = arith.constant 0 : i32
      %dma_wait3A_173 = tpu.memref_slice %arg6[%arg0, %mul3A_166, %dma_wait3A_172] : memref<2x10240x128xf32, #tpu.memory_space<hbm>> -> memref<1x640x128xf32, #tpu.memory_space<hbm>>
      %dma_wait3A_174 = tpu.memref_squeeze %dma_wait3A_173 : memref<1x640x128xf32, #tpu.memory_space<hbm>> -> memref<640x128xf32, #tpu.memory_space<hbm>>
      %dma_wait3A_175 = arith.constant 0 : i32
      %dma_wait3A_176 = tpu.memref_slice %arg7[%mul3A_164, %dma_wait3A_175] : memref<10240x128xf32, #tpu.memory_space<vmem_shared>> -> memref<640x128xf32, #tpu.memory_space<vmem_shared>>
      tpu.wait_dma2 semaphore(%run_scoped3A : memref<!tpu.dma_semaphore, #tpu.memory_space<semaphore_mem>>) src(%dma_wait3A_176 : memref<640x128xf32, #tpu.memory_space<vmem_shared>>) dst(%dma_wait3A_174 : memref<640x128xf32, #tpu.memory_space<hbm>>)
      tpu.yield
    }) : () -> ()
    return
  }
}

#map = affine_map<(d0, d1) -> (0, 0)>
module attributes {stable_mosaic.version = 14 : i64} {
  func.func @_deg_body(%arg0: i32, %arg1: i32, %arg2: memref<32x10240xi32, #tpu.memory_space<hbm>>, %arg3: memref<2x10240xf32, #tpu.memory_space<hbm>>, %arg4: memref<10240xi32, #tpu.memory_space<vmem>>, %arg5: memref<10240xf32, #tpu.memory_space<vmem>>, %arg6: memref<640xf32, #tpu.memory_space<vmem>>, %arg7: memref<640xf32, #tpu.memory_space<vmem>>, %arg8: memref<16x10240xf32, #tpu.memory_space<vmem_shared>>) attributes {dimension_semantics = [#tpu.dimension_semantics<core_parallel>, #tpu.dimension_semantics<subcore_parallel>], iteration_bounds = array<i64: 2, 16>, scalar_prefetch = 0 : i64, scratch_operands = 5 : i64, tpu.core_type = #tpu.core_type<sc_vector_subcore>, window_params = [{transform_indices = #map}, {transform_indices = #map}]} {
    %mul3A = arith.constant 2 : i32
    %mul3A_0 = arith.muli %arg1, %mul3A : i32
    %add3A = arith.addi %mul3A_0, %arg0 : i32
    "tpu.region"() ({
      %run_scoped3A_164 = tpu.sem_alloc : memref<!tpu.dma_semaphore, #tpu.memory_space<semaphore_mem>>
      %dma_start3A = arith.constant 0 : i32
      %dma_start3A_165 = tpu.memref_slice %arg2[%add3A, %dma_start3A] : memref<32x10240xi32, #tpu.memory_space<hbm>> -> memref<1x10240xi32, #tpu.memory_space<hbm>>
      %dma_start3A_166 = tpu.memref_squeeze %dma_start3A_165 : memref<1x10240xi32, #tpu.memory_space<hbm>> -> memref<10240xi32, #tpu.memory_space<hbm>>
      %dma_start3A_167 = arith.constant 0 : i32
      %dma_start3A_168 = tpu.memref_slice %arg2[%add3A, %dma_start3A_167] : memref<32x10240xi32, #tpu.memory_space<hbm>> -> memref<1x10240xi32, #tpu.memory_space<hbm>>
      %dma_start3A_169 = tpu.memref_squeeze %dma_start3A_168 : memref<1x10240xi32, #tpu.memory_space<hbm>> -> memref<10240xi32, #tpu.memory_space<hbm>>
      tpu.enqueue_dma source(%dma_start3A_169 : memref<10240xi32, #tpu.memory_space<hbm>>) target(%arg4 : memref<10240xi32, #tpu.memory_space<vmem>>) target_semaphore(%run_scoped3A_164 : memref<!tpu.dma_semaphore, #tpu.memory_space<semaphore_mem>>)
      %dma_wait3A = arith.constant 0 : i32
      %dma_wait3A_170 = tpu.memref_slice %arg2[%add3A, %dma_wait3A] : memref<32x10240xi32, #tpu.memory_space<hbm>> -> memref<1x10240xi32, #tpu.memory_space<hbm>>
      %dma_wait3A_171 = tpu.memref_squeeze %dma_wait3A_170 : memref<1x10240xi32, #tpu.memory_space<hbm>> -> memref<10240xi32, #tpu.memory_space<hbm>>
      %dma_wait3A_172 = arith.constant 0 : i32
      %dma_wait3A_173 = tpu.memref_slice %arg2[%add3A, %dma_wait3A_172] : memref<32x10240xi32, #tpu.memory_space<hbm>> -> memref<1x10240xi32, #tpu.memory_space<hbm>>
      %dma_wait3A_174 = tpu.memref_squeeze %dma_wait3A_173 : memref<1x10240xi32, #tpu.memory_space<hbm>> -> memref<10240xi32, #tpu.memory_space<hbm>>
      tpu.wait_dma2 semaphore(%run_scoped3A_164 : memref<!tpu.dma_semaphore, #tpu.memory_space<semaphore_mem>>) src(%dma_wait3A_174 : memref<10240xi32, #tpu.memory_space<hbm>>) dst(%arg4 : memref<10240xi32, #tpu.memory_space<vmem>>)
      tpu.yield
    }) : () -> ()
    %scan3A = arith.constant 0 : i32
    %scan3A_1 = arith.constant 0 : i32
    %scan3A_2 = arith.constant 640 : i32
    %scan3A_3 = arith.addi %scan3A_1, %scan3A_2 : i32
    %scan3A_4 = arith.constant 1 : i32
    scf.for %scan3A_164 = %scan3A_1 to %scan3A_3 step %scan3A_4  : i32 {
      %broadcast_in_dim3A_165 = arith.constant 0.000000e+00 : f32
      %broadcast_in_dim3A_166 = vector.broadcast %broadcast_in_dim3A_165 : f32 to vector<16xf32>
      %mul3A_167 = arith.constant 16 : i32
      %mul3A_168 = arith.muli %scan3A_164, %mul3A_167 : i32
      %swap3A = arith.index_cast %mul3A_168 : i32 to index
      %swap3A_169 = tpu.vector_load %arg5[%swap3A] {strides = array<i32>} : memref<10240xf32, #tpu.memory_space<vmem>>, vector<16xf32>,
      tpu.vector_store %arg5[%swap3A], %broadcast_in_dim3A_166 {strides = array<i32>} : memref<10240xf32, #tpu.memory_space<vmem>>, vector<16xf32>,
    }
    %scan3A_5 = arith.constant 640 : i32
    %broadcast_in_dim3A = arith.constant 1.000000e+00 : f32
    %broadcast_in_dim3A_6 = vector.broadcast %broadcast_in_dim3A : f32 to vector<16xf32>
    %scan3A_7 = arith.constant 0 : i32
    %scan3A_8 = arith.constant 0 : i32
    %scan3A_9 = arith.constant 640 : i32
    %scan3A_10 = arith.addi %scan3A_8, %scan3A_9 : i32
    %scan3A_11 = arith.constant 1 : i32
    scf.for %scan3A_164 = %scan3A_8 to %scan3A_10 step %scan3A_11  : i32 {
      %mul3A_165 = arith.constant 16 : i32
      %mul3A_166 = arith.muli %scan3A_164, %mul3A_165 : i32
      %get3A = arith.index_cast %mul3A_166 : i32 to index
      %get3A_167 = tpu.vector_load %arg4[%get3A] {strides = array<i32>} : memref<10240xi32, #tpu.memory_space<vmem>>, vector<16xi32>,
      tpu.vector_store_idx %arg5[%get3A_167], %broadcast_in_dim3A_6 {add = true} : memref<10240xf32, #tpu.memory_space<vmem>>[vector<16xi32>], vector<16xf32>,
    }
    %scan3A_12 = arith.constant 640 : i32
    "tpu.region"() ({
      %run_scoped3A_164 = tpu.sem_alloc : memref<!tpu.dma_semaphore, #tpu.memory_space<semaphore_mem>>
      %dma_start3A = arith.constant 0 : i32
      %dma_start3A_165 = tpu.memref_slice %arg8[%arg1, %dma_start3A] : memref<16x10240xf32, #tpu.memory_space<vmem_shared>> -> memref<1x10240xf32, #tpu.memory_space<vmem_shared>>
      %dma_start3A_166 = tpu.memref_squeeze %dma_start3A_165 : memref<1x10240xf32, #tpu.memory_space<vmem_shared>> -> memref<10240xf32, #tpu.memory_space<vmem_shared>>
      %dma_start3A_167 = arith.constant 0 : i32
      %dma_start3A_168 = tpu.memref_slice %arg8[%arg1, %dma_start3A_167] : memref<16x10240xf32, #tpu.memory_space<vmem_shared>> -> memref<1x10240xf32, #tpu.memory_space<vmem_shared>>
      %dma_start3A_169 = tpu.memref_squeeze %dma_start3A_168 : memref<1x10240xf32, #tpu.memory_space<vmem_shared>> -> memref<10240xf32, #tpu.memory_space<vmem_shared>>
      tpu.enqueue_dma source(%arg5 : memref<10240xf32, #tpu.memory_space<vmem>>) target(%dma_start3A_169 : memref<10240xf32, #tpu.memory_space<vmem_shared>>) target_semaphore(%run_scoped3A_164 : memref<!tpu.dma_semaphore, #tpu.memory_space<semaphore_mem>>)
      %dma_wait3A = arith.constant 0 : i32
      %dma_wait3A_170 = tpu.memref_slice %arg8[%arg1, %dma_wait3A] : memref<16x10240xf32, #tpu.memory_space<vmem_shared>> -> memref<1x10240xf32, #tpu.memory_space<vmem_shared>>
      %dma_wait3A_171 = tpu.memref_squeeze %dma_wait3A_170 : memref<1x10240xf32, #tpu.memory_space<vmem_shared>> -> memref<10240xf32, #tpu.memory_space<vmem_shared>>
      %dma_wait3A_172 = arith.constant 0 : i32
      %dma_wait3A_173 = tpu.memref_slice %arg8[%arg1, %dma_wait3A_172] : memref<16x10240xf32, #tpu.memory_space<vmem_shared>> -> memref<1x10240xf32, #tpu.memory_space<vmem_shared>>
      %dma_wait3A_174 = tpu.memref_squeeze %dma_wait3A_173 : memref<1x10240xf32, #tpu.memory_space<vmem_shared>> -> memref<10240xf32, #tpu.memory_space<vmem_shared>>
      tpu.wait_dma2 semaphore(%run_scoped3A_164 : memref<!tpu.dma_semaphore, #tpu.memory_space<semaphore_mem>>) src(%arg5 : memref<10240xf32, #tpu.memory_space<vmem>>) dst(%dma_wait3A_174 : memref<10240xf32, #tpu.memory_space<vmem_shared>>)
      tpu.yield
    }) : () -> ()
    %barrier3A = arith.constant 0 : index
    tpu.barrier barrier_id(%barrier3A)
    %scan3A_13 = arith.constant 0 : i32
    %scan3A_14 = arith.constant 0 : i32
    %scan3A_15 = arith.constant 40 : i32
    %scan3A_16 = arith.addi %scan3A_14, %scan3A_15 : i32
    %scan3A_17 = arith.constant 1 : i32
    scf.for %scan3A_164 = %scan3A_14 to %scan3A_16 step %scan3A_17  : i32 {
      %broadcast_in_dim3A_165 = arith.constant 0.000000e+00 : f32
      %broadcast_in_dim3A_166 = vector.broadcast %broadcast_in_dim3A_165 : f32 to vector<16xf32>
      %mul3A_167 = arith.constant 16 : i32
      %mul3A_168 = arith.muli %scan3A_164, %mul3A_167 : i32
      %swap3A = arith.index_cast %mul3A_168 : i32 to index
      %swap3A_169 = tpu.vector_load %arg7[%swap3A] {strides = array<i32>} : memref<640xf32, #tpu.memory_space<vmem>>, vector<16xf32>,
      tpu.vector_store %arg7[%swap3A], %broadcast_in_dim3A_166 {strides = array<i32>} : memref<640xf32, #tpu.memory_space<vmem>>, vector<16xf32>,
    }
    %scan3A_18 = arith.constant 40 : i32
    %mul3A_19 = arith.constant 640 : i32
    %mul3A_20 = arith.muli %arg1, %mul3A_19 : i32
    %run_scoped3A = arith.constant 0 : i32
    "tpu.region"() ({
      %run_scoped3A_164 = tpu.sem_alloc : memref<!tpu.dma_semaphore, #tpu.memory_space<semaphore_mem>>
      %dma_start3A = tpu.memref_slice %arg8[%run_scoped3A, %mul3A_20] : memref<16x10240xf32, #tpu.memory_space<vmem_shared>> -> memref<1x640xf32, #tpu.memory_space<vmem_shared>>
      %dma_start3A_165 = tpu.memref_squeeze %dma_start3A : memref<1x640xf32, #tpu.memory_space<vmem_shared>> -> memref<640xf32, #tpu.memory_space<vmem_shared>>
      %dma_start3A_166 = tpu.memref_slice %arg8[%run_scoped3A, %mul3A_20] : memref<16x10240xf32, #tpu.memory_space<vmem_shared>> -> memref<1x640xf32, #tpu.memory_space<vmem_shared>>
      %dma_start3A_167 = tpu.memref_squeeze %dma_start3A_166 : memref<1x640xf32, #tpu.memory_space<vmem_shared>> -> memref<640xf32, #tpu.memory_space<vmem_shared>>
      tpu.enqueue_dma source(%dma_start3A_167 : memref<640xf32, #tpu.memory_space<vmem_shared>>) target(%arg6 : memref<640xf32, #tpu.memory_space<vmem>>) target_semaphore(%run_scoped3A_164 : memref<!tpu.dma_semaphore, #tpu.memory_space<semaphore_mem>>)
      %dma_wait3A = tpu.memref_slice %arg8[%run_scoped3A, %mul3A_20] : memref<16x10240xf32, #tpu.memory_space<vmem_shared>> -> memref<1x640xf32, #tpu.memory_space<vmem_shared>>
      %dma_wait3A_168 = tpu.memref_squeeze %dma_wait3A : memref<1x640xf32, #tpu.memory_space<vmem_shared>> -> memref<640xf32, #tpu.memory_space<vmem_shared>>
      %dma_wait3A_169 = tpu.memref_slice %arg8[%run_scoped3A, %mul3A_20] : memref<16x10240xf32, #tpu.memory_space<vmem_shared>> -> memref<1x640xf32, #tpu.memory_space<vmem_shared>>
      %dma_wait3A_170 = tpu.memref_squeeze %dma_wait3A_169 : memref<1x640xf32, #tpu.memory_space<vmem_shared>> -> memref<640xf32, #tpu.memory_space<vmem_shared>>
      tpu.wait_dma2 semaphore(%run_scoped3A_164 : memref<!tpu.dma_semaphore, #tpu.memory_space<semaphore_mem>>) src(%dma_wait3A_170 : memref<640xf32, #tpu.memory_space<vmem_shared>>) dst(%arg6 : memref<640xf32, #tpu.memory_space<vmem>>)
      tpu.yield
    }) : () -> ()
    %scan3A_21 = arith.constant 0 : i32
    %scan3A_22 = arith.constant 0 : i32
    %scan3A_23 = arith.constant 40 : i32
    %scan3A_24 = arith.addi %scan3A_22, %scan3A_23 : i32
    %scan3A_25 = arith.constant 1 : i32
    scf.for %scan3A_164 = %scan3A_22 to %scan3A_24 step %scan3A_25  : i32 {
      %mul3A_165 = arith.constant 16 : i32
      %mul3A_166 = arith.muli %scan3A_164, %mul3A_165 : i32
      %get3A = arith.index_cast %mul3A_166 : i32 to index
      %get3A_167 = tpu.vector_load %arg7[%get3A] {strides = array<i32>} : memref<640xf32, #tpu.memory_space<vmem>>, vector<16xf32>,
      %get3A_168 = arith.index_cast %mul3A_166 : i32 to index
      %get3A_169 = tpu.vector_load %arg6[%get3A_168] {strides = array<i32>} : memref<640xf32, #tpu.memory_space<vmem>>, vector<16xf32>,
      %add3A_170 = arith.addf %get3A_167, %get3A_169 : vector<16xf32>
      %swap3A = arith.index_cast %mul3A_166 : i32 to index
      %swap3A_171 = tpu.vector_load %arg7[%swap3A] {strides = array<i32>} : memref<640xf32, #tpu.memory_space<vmem>>, vector<16xf32>,
      tpu.vector_store %arg7[%swap3A], %add3A_170 {strides = array<i32>} : memref<640xf32, #tpu.memory_space<vmem>>, vector<16xf32>,
    }
    %scan3A_26 = arith.constant 40 : i32
    %mul3A_27 = arith.constant 640 : i32
    %mul3A_28 = arith.muli %arg1, %mul3A_27 : i32
    %run_scoped3A_29 = arith.constant 1 : i32
    "tpu.region"() ({
      %run_scoped3A_164 = tpu.sem_alloc : memref<!tpu.dma_semaphore, #tpu.memory_space<semaphore_mem>>
      %dma_start3A = tpu.memref_slice %arg8[%run_scoped3A_29, %mul3A_28] : memref<16x10240xf32, #tpu.memory_space<vmem_shared>> -> memref<1x640xf32, #tpu.memory_space<vmem_shared>>
      %dma_start3A_165 = tpu.memref_squeeze %dma_start3A : memref<1x640xf32, #tpu.memory_space<vmem_shared>> -> memref<640xf32, #tpu.memory_space<vmem_shared>>
      %dma_start3A_166 = tpu.memref_slice %arg8[%run_scoped3A_29, %mul3A_28] : memref<16x10240xf32, #tpu.memory_space<vmem_shared>> -> memref<1x640xf32, #tpu.memory_space<vmem_shared>>
      %dma_start3A_167 = tpu.memref_squeeze %dma_start3A_166 : memref<1x640xf32, #tpu.memory_space<vmem_shared>> -> memref<640xf32, #tpu.memory_space<vmem_shared>>
      tpu.enqueue_dma source(%dma_start3A_167 : memref<640xf32, #tpu.memory_space<vmem_shared>>) target(%arg6 : memref<640xf32, #tpu.memory_space<vmem>>) target_semaphore(%run_scoped3A_164 : memref<!tpu.dma_semaphore, #tpu.memory_space<semaphore_mem>>)
      %dma_wait3A = tpu.memref_slice %arg8[%run_scoped3A_29, %mul3A_28] : memref<16x10240xf32, #tpu.memory_space<vmem_shared>> -> memref<1x640xf32, #tpu.memory_space<vmem_shared>>
      %dma_wait3A_168 = tpu.memref_squeeze %dma_wait3A : memref<1x640xf32, #tpu.memory_space<vmem_shared>> -> memref<640xf32, #tpu.memory_space<vmem_shared>>
      %dma_wait3A_169 = tpu.memref_slice %arg8[%run_scoped3A_29, %mul3A_28] : memref<16x10240xf32, #tpu.memory_space<vmem_shared>> -> memref<1x640xf32, #tpu.memory_space<vmem_shared>>
      %dma_wait3A_170 = tpu.memref_squeeze %dma_wait3A_169 : memref<1x640xf32, #tpu.memory_space<vmem_shared>> -> memref<640xf32, #tpu.memory_space<vmem_shared>>
      tpu.wait_dma2 semaphore(%run_scoped3A_164 : memref<!tpu.dma_semaphore, #tpu.memory_space<semaphore_mem>>) src(%dma_wait3A_170 : memref<640xf32, #tpu.memory_space<vmem_shared>>) dst(%arg6 : memref<640xf32, #tpu.memory_space<vmem>>)
      tpu.yield
    }) : () -> ()
    %scan3A_30 = arith.constant 0 : i32
    %scan3A_31 = arith.constant 0 : i32
    %scan3A_32 = arith.constant 40 : i32
    %scan3A_33 = arith.addi %scan3A_31, %scan3A_32 : i32
    %scan3A_34 = arith.constant 1 : i32
    scf.for %scan3A_164 = %scan3A_31 to %scan3A_33 step %scan3A_34  : i32 {
      %mul3A_165 = arith.constant 16 : i32
      %mul3A_166 = arith.muli %scan3A_164, %mul3A_165 : i32
      %get3A = arith.index_cast %mul3A_166 : i32 to index
      %get3A_167 = tpu.vector_load %arg7[%get3A] {strides = array<i32>} : memref<640xf32, #tpu.memory_space<vmem>>, vector<16xf32>,
      %get3A_168 = arith.index_cast %mul3A_166 : i32 to index
      %get3A_169 = tpu.vector_load %arg6[%get3A_168] {strides = array<i32>} : memref<640xf32, #tpu.memory_space<vmem>>, vector<16xf32>,
      %add3A_170 = arith.addf %get3A_167, %get3A_169 : vector<16xf32>
      %swap3A = arith.index_cast %mul3A_166 : i32 to index
      %swap3A_171 = tpu.vector_load %arg7[%swap3A] {strides = array<i32>} : memref<640xf32, #tpu.memory_space<vmem>>, vector<16xf32>,
      tpu.vector_store %arg7[%swap3A], %add3A_170 {strides = array<i32>} : memref<640xf32, #tpu.memory_space<vmem>>, vector<16xf32>,
    }
    %scan3A_35 = arith.constant 40 : i32
    %mul3A_36 = arith.constant 640 : i32
    %mul3A_37 = arith.muli %arg1, %mul3A_36 : i32
    %run_scoped3A_38 = arith.constant 2 : i32
    "tpu.region"() ({
      %run_scoped3A_164 = tpu.sem_alloc : memref<!tpu.dma_semaphore, #tpu.memory_space<semaphore_mem>>
      %dma_start3A = tpu.memref_slice %arg8[%run_scoped3A_38, %mul3A_37] : memref<16x10240xf32, #tpu.memory_space<vmem_shared>> -> memref<1x640xf32, #tpu.memory_space<vmem_shared>>
      %dma_start3A_165 = tpu.memref_squeeze %dma_start3A : memref<1x640xf32, #tpu.memory_space<vmem_shared>> -> memref<640xf32, #tpu.memory_space<vmem_shared>>
      %dma_start3A_166 = tpu.memref_slice %arg8[%run_scoped3A_38, %mul3A_37] : memref<16x10240xf32, #tpu.memory_space<vmem_shared>> -> memref<1x640xf32, #tpu.memory_space<vmem_shared>>
      %dma_start3A_167 = tpu.memref_squeeze %dma_start3A_166 : memref<1x640xf32, #tpu.memory_space<vmem_shared>> -> memref<640xf32, #tpu.memory_space<vmem_shared>>
      tpu.enqueue_dma source(%dma_start3A_167 : memref<640xf32, #tpu.memory_space<vmem_shared>>) target(%arg6 : memref<640xf32, #tpu.memory_space<vmem>>) target_semaphore(%run_scoped3A_164 : memref<!tpu.dma_semaphore, #tpu.memory_space<semaphore_mem>>)
      %dma_wait3A = tpu.memref_slice %arg8[%run_scoped3A_38, %mul3A_37] : memref<16x10240xf32, #tpu.memory_space<vmem_shared>> -> memref<1x640xf32, #tpu.memory_space<vmem_shared>>
      %dma_wait3A_168 = tpu.memref_squeeze %dma_wait3A : memref<1x640xf32, #tpu.memory_space<vmem_shared>> -> memref<640xf32, #tpu.memory_space<vmem_shared>>
      %dma_wait3A_169 = tpu.memref_slice %arg8[%run_scoped3A_38, %mul3A_37] : memref<16x10240xf32, #tpu.memory_space<vmem_shared>> -> memref<1x640xf32, #tpu.memory_space<vmem_shared>>
      %dma_wait3A_170 = tpu.memref_squeeze %dma_wait3A_169 : memref<1x640xf32, #tpu.memory_space<vmem_shared>> -> memref<640xf32, #tpu.memory_space<vmem_shared>>
      tpu.wait_dma2 semaphore(%run_scoped3A_164 : memref<!tpu.dma_semaphore, #tpu.memory_space<semaphore_mem>>) src(%dma_wait3A_170 : memref<640xf32, #tpu.memory_space<vmem_shared>>) dst(%arg6 : memref<640xf32, #tpu.memory_space<vmem>>)
      tpu.yield
    }) : () -> ()
    %scan3A_39 = arith.constant 0 : i32
    %scan3A_40 = arith.constant 0 : i32
    %scan3A_41 = arith.constant 40 : i32
    %scan3A_42 = arith.addi %scan3A_40, %scan3A_41 : i32
    %scan3A_43 = arith.constant 1 : i32
    scf.for %scan3A_164 = %scan3A_40 to %scan3A_42 step %scan3A_43  : i32 {
      %mul3A_165 = arith.constant 16 : i32
      %mul3A_166 = arith.muli %scan3A_164, %mul3A_165 : i32
      %get3A = arith.index_cast %mul3A_166 : i32 to index
      %get3A_167 = tpu.vector_load %arg7[%get3A] {strides = array<i32>} : memref<640xf32, #tpu.memory_space<vmem>>, vector<16xf32>,
      %get3A_168 = arith.index_cast %mul3A_166 : i32 to index
      %get3A_169 = tpu.vector_load %arg6[%get3A_168] {strides = array<i32>} : memref<640xf32, #tpu.memory_space<vmem>>, vector<16xf32>,
      %add3A_170 = arith.addf %get3A_167, %get3A_169 : vector<16xf32>
      %swap3A = arith.index_cast %mul3A_166 : i32 to index
      %swap3A_171 = tpu.vector_load %arg7[%swap3A] {strides = array<i32>} : memref<640xf32, #tpu.memory_space<vmem>>, vector<16xf32>,
      tpu.vector_store %arg7[%swap3A], %add3A_170 {strides = array<i32>} : memref<640xf32, #tpu.memory_space<vmem>>, vector<16xf32>,
    }
    %scan3A_44 = arith.constant 40 : i32
    %mul3A_45 = arith.constant 640 : i32
    %mul3A_46 = arith.muli %arg1, %mul3A_45 : i32
    %run_scoped3A_47 = arith.constant 3 : i32
    "tpu.region"() ({
      %run_scoped3A_164 = tpu.sem_alloc : memref<!tpu.dma_semaphore, #tpu.memory_space<semaphore_mem>>
      %dma_start3A = tpu.memref_slice %arg8[%run_scoped3A_47, %mul3A_46] : memref<16x10240xf32, #tpu.memory_space<vmem_shared>> -> memref<1x640xf32, #tpu.memory_space<vmem_shared>>
      %dma_start3A_165 = tpu.memref_squeeze %dma_start3A : memref<1x640xf32, #tpu.memory_space<vmem_shared>> -> memref<640xf32, #tpu.memory_space<vmem_shared>>
      %dma_start3A_166 = tpu.memref_slice %arg8[%run_scoped3A_47, %mul3A_46] : memref<16x10240xf32, #tpu.memory_space<vmem_shared>> -> memref<1x640xf32, #tpu.memory_space<vmem_shared>>
      %dma_start3A_167 = tpu.memref_squeeze %dma_start3A_166 : memref<1x640xf32, #tpu.memory_space<vmem_shared>> -> memref<640xf32, #tpu.memory_space<vmem_shared>>
      tpu.enqueue_dma source(%dma_start3A_167 : memref<640xf32, #tpu.memory_space<vmem_shared>>) target(%arg6 : memref<640xf32, #tpu.memory_space<vmem>>) target_semaphore(%run_scoped3A_164 : memref<!tpu.dma_semaphore, #tpu.memory_space<semaphore_mem>>)
      %dma_wait3A = tpu.memref_slice %arg8[%run_scoped3A_47, %mul3A_46] : memref<16x10240xf32, #tpu.memory_space<vmem_shared>> -> memref<1x640xf32, #tpu.memory_space<vmem_shared>>
      %dma_wait3A_168 = tpu.memref_squeeze %dma_wait3A : memref<1x640xf32, #tpu.memory_space<vmem_shared>> -> memref<640xf32, #tpu.memory_space<vmem_shared>>
      %dma_wait3A_169 = tpu.memref_slice %arg8[%run_scoped3A_47, %mul3A_46] : memref<16x10240xf32, #tpu.memory_space<vmem_shared>> -> memref<1x640xf32, #tpu.memory_space<vmem_shared>>
      %dma_wait3A_170 = tpu.memref_squeeze %dma_wait3A_169 : memref<1x640xf32, #tpu.memory_space<vmem_shared>> -> memref<640xf32, #tpu.memory_space<vmem_shared>>
      tpu.wait_dma2 semaphore(%run_scoped3A_164 : memref<!tpu.dma_semaphore, #tpu.memory_space<semaphore_mem>>) src(%dma_wait3A_170 : memref<640xf32, #tpu.memory_space<vmem_shared>>) dst(%arg6 : memref<640xf32, #tpu.memory_space<vmem>>)
      tpu.yield
    }) : () -> ()
    %scan3A_48 = arith.constant 0 : i32
    %scan3A_49 = arith.constant 0 : i32
    %scan3A_50 = arith.constant 40 : i32
    %scan3A_51 = arith.addi %scan3A_49, %scan3A_50 : i32
    %scan3A_52 = arith.constant 1 : i32
    scf.for %scan3A_164 = %scan3A_49 to %scan3A_51 step %scan3A_52  : i32 {
      %mul3A_165 = arith.constant 16 : i32
      %mul3A_166 = arith.muli %scan3A_164, %mul3A_165 : i32
      %get3A = arith.index_cast %mul3A_166 : i32 to index
      %get3A_167 = tpu.vector_load %arg7[%get3A] {strides = array<i32>} : memref<640xf32, #tpu.memory_space<vmem>>, vector<16xf32>,
      %get3A_168 = arith.index_cast %mul3A_166 : i32 to index
      %get3A_169 = tpu.vector_load %arg6[%get3A_168] {strides = array<i32>} : memref<640xf32, #tpu.memory_space<vmem>>, vector<16xf32>,
      %add3A_170 = arith.addf %get3A_167, %get3A_169 : vector<16xf32>
      %swap3A = arith.index_cast %mul3A_166 : i32 to index
      %swap3A_171 = tpu.vector_load %arg7[%swap3A] {strides = array<i32>} : memref<640xf32, #tpu.memory_space<vmem>>, vector<16xf32>,
      tpu.vector_store %arg7[%swap3A], %add3A_170 {strides = array<i32>} : memref<640xf32, #tpu.memory_space<vmem>>, vector<16xf32>,
    }
    %scan3A_53 = arith.constant 40 : i32
    %mul3A_54 = arith.constant 640 : i32
    %mul3A_55 = arith.muli %arg1, %mul3A_54 : i32
    %run_scoped3A_56 = arith.constant 4 : i32
    "tpu.region"() ({
      %run_scoped3A_164 = tpu.sem_alloc : memref<!tpu.dma_semaphore, #tpu.memory_space<semaphore_mem>>
      %dma_start3A = tpu.memref_slice %arg8[%run_scoped3A_56, %mul3A_55] : memref<16x10240xf32, #tpu.memory_space<vmem_shared>> -> memref<1x640xf32, #tpu.memory_space<vmem_shared>>
      %dma_start3A_165 = tpu.memref_squeeze %dma_start3A : memref<1x640xf32, #tpu.memory_space<vmem_shared>> -> memref<640xf32, #tpu.memory_space<vmem_shared>>
      %dma_start3A_166 = tpu.memref_slice %arg8[%run_scoped3A_56, %mul3A_55] : memref<16x10240xf32, #tpu.memory_space<vmem_shared>> -> memref<1x640xf32, #tpu.memory_space<vmem_shared>>
      %dma_start3A_167 = tpu.memref_squeeze %dma_start3A_166 : memref<1x640xf32, #tpu.memory_space<vmem_shared>> -> memref<640xf32, #tpu.memory_space<vmem_shared>>
      tpu.enqueue_dma source(%dma_start3A_167 : memref<640xf32, #tpu.memory_space<vmem_shared>>) target(%arg6 : memref<640xf32, #tpu.memory_space<vmem>>) target_semaphore(%run_scoped3A_164 : memref<!tpu.dma_semaphore, #tpu.memory_space<semaphore_mem>>)
      %dma_wait3A = tpu.memref_slice %arg8[%run_scoped3A_56, %mul3A_55] : memref<16x10240xf32, #tpu.memory_space<vmem_shared>> -> memref<1x640xf32, #tpu.memory_space<vmem_shared>>
      %dma_wait3A_168 = tpu.memref_squeeze %dma_wait3A : memref<1x640xf32, #tpu.memory_space<vmem_shared>> -> memref<640xf32, #tpu.memory_space<vmem_shared>>
      %dma_wait3A_169 = tpu.memref_slice %arg8[%run_scoped3A_56, %mul3A_55] : memref<16x10240xf32, #tpu.memory_space<vmem_shared>> -> memref<1x640xf32, #tpu.memory_space<vmem_shared>>
      %dma_wait3A_170 = tpu.memref_squeeze %dma_wait3A_169 : memref<1x640xf32, #tpu.memory_space<vmem_shared>> -> memref<640xf32, #tpu.memory_space<vmem_shared>>
      tpu.wait_dma2 semaphore(%run_scoped3A_164 : memref<!tpu.dma_semaphore, #tpu.memory_space<semaphore_mem>>) src(%dma_wait3A_170 : memref<640xf32, #tpu.memory_space<vmem_shared>>) dst(%arg6 : memref<640xf32, #tpu.memory_space<vmem>>)
      tpu.yield
    }) : () -> ()
    %scan3A_57 = arith.constant 0 : i32
    %scan3A_58 = arith.constant 0 : i32
    %scan3A_59 = arith.constant 40 : i32
    %scan3A_60 = arith.addi %scan3A_58, %scan3A_59 : i32
    %scan3A_61 = arith.constant 1 : i32
    scf.for %scan3A_164 = %scan3A_58 to %scan3A_60 step %scan3A_61  : i32 {
      %mul3A_165 = arith.constant 16 : i32
      %mul3A_166 = arith.muli %scan3A_164, %mul3A_165 : i32
      %get3A = arith.index_cast %mul3A_166 : i32 to index
      %get3A_167 = tpu.vector_load %arg7[%get3A] {strides = array<i32>} : memref<640xf32, #tpu.memory_space<vmem>>, vector<16xf32>,
      %get3A_168 = arith.index_cast %mul3A_166 : i32 to index
      %get3A_169 = tpu.vector_load %arg6[%get3A_168] {strides = array<i32>} : memref<640xf32, #tpu.memory_space<vmem>>, vector<16xf32>,
      %add3A_170 = arith.addf %get3A_167, %get3A_169 : vector<16xf32>
      %swap3A = arith.index_cast %mul3A_166 : i32 to index
      %swap3A_171 = tpu.vector_load %arg7[%swap3A] {strides = array<i32>} : memref<640xf32, #tpu.memory_space<vmem>>, vector<16xf32>,
      tpu.vector_store %arg7[%swap3A], %add3A_170 {strides = array<i32>} : memref<640xf32, #tpu.memory_space<vmem>>, vector<16xf32>,
    }
    %scan3A_62 = arith.constant 40 : i32
    %mul3A_63 = arith.constant 640 : i32
    %mul3A_64 = arith.muli %arg1, %mul3A_63 : i32
    %run_scoped3A_65 = arith.constant 5 : i32
    "tpu.region"() ({
      %run_scoped3A_164 = tpu.sem_alloc : memref<!tpu.dma_semaphore, #tpu.memory_space<semaphore_mem>>
      %dma_start3A = tpu.memref_slice %arg8[%run_scoped3A_65, %mul3A_64] : memref<16x10240xf32, #tpu.memory_space<vmem_shared>> -> memref<1x640xf32, #tpu.memory_space<vmem_shared>>
      %dma_start3A_165 = tpu.memref_squeeze %dma_start3A : memref<1x640xf32, #tpu.memory_space<vmem_shared>> -> memref<640xf32, #tpu.memory_space<vmem_shared>>
      %dma_start3A_166 = tpu.memref_slice %arg8[%run_scoped3A_65, %mul3A_64] : memref<16x10240xf32, #tpu.memory_space<vmem_shared>> -> memref<1x640xf32, #tpu.memory_space<vmem_shared>>
      %dma_start3A_167 = tpu.memref_squeeze %dma_start3A_166 : memref<1x640xf32, #tpu.memory_space<vmem_shared>> -> memref<640xf32, #tpu.memory_space<vmem_shared>>
      tpu.enqueue_dma source(%dma_start3A_167 : memref<640xf32, #tpu.memory_space<vmem_shared>>) target(%arg6 : memref<640xf32, #tpu.memory_space<vmem>>) target_semaphore(%run_scoped3A_164 : memref<!tpu.dma_semaphore, #tpu.memory_space<semaphore_mem>>)
      %dma_wait3A = tpu.memref_slice %arg8[%run_scoped3A_65, %mul3A_64] : memref<16x10240xf32, #tpu.memory_space<vmem_shared>> -> memref<1x640xf32, #tpu.memory_space<vmem_shared>>
      %dma_wait3A_168 = tpu.memref_squeeze %dma_wait3A : memref<1x640xf32, #tpu.memory_space<vmem_shared>> -> memref<640xf32, #tpu.memory_space<vmem_shared>>
      %dma_wait3A_169 = tpu.memref_slice %arg8[%run_scoped3A_65, %mul3A_64] : memref<16x10240xf32, #tpu.memory_space<vmem_shared>> -> memref<1x640xf32, #tpu.memory_space<vmem_shared>>
      %dma_wait3A_170 = tpu.memref_squeeze %dma_wait3A_169 : memref<1x640xf32, #tpu.memory_space<vmem_shared>> -> memref<640xf32, #tpu.memory_space<vmem_shared>>
      tpu.wait_dma2 semaphore(%run_scoped3A_164 : memref<!tpu.dma_semaphore, #tpu.memory_space<semaphore_mem>>) src(%dma_wait3A_170 : memref<640xf32, #tpu.memory_space<vmem_shared>>) dst(%arg6 : memref<640xf32, #tpu.memory_space<vmem>>)
      tpu.yield
    }) : () -> ()
    %scan3A_66 = arith.constant 0 : i32
    %scan3A_67 = arith.constant 0 : i32
    %scan3A_68 = arith.constant 40 : i32
    %scan3A_69 = arith.addi %scan3A_67, %scan3A_68 : i32
    %scan3A_70 = arith.constant 1 : i32
    scf.for %scan3A_164 = %scan3A_67 to %scan3A_69 step %scan3A_70  : i32 {
      %mul3A_165 = arith.constant 16 : i32
      %mul3A_166 = arith.muli %scan3A_164, %mul3A_165 : i32
      %get3A = arith.index_cast %mul3A_166 : i32 to index
      %get3A_167 = tpu.vector_load %arg7[%get3A] {strides = array<i32>} : memref<640xf32, #tpu.memory_space<vmem>>, vector<16xf32>,
      %get3A_168 = arith.index_cast %mul3A_166 : i32 to index
      %get3A_169 = tpu.vector_load %arg6[%get3A_168] {strides = array<i32>} : memref<640xf32, #tpu.memory_space<vmem>>, vector<16xf32>,
      %add3A_170 = arith.addf %get3A_167, %get3A_169 : vector<16xf32>
      %swap3A = arith.index_cast %mul3A_166 : i32 to index
      %swap3A_171 = tpu.vector_load %arg7[%swap3A] {strides = array<i32>} : memref<640xf32, #tpu.memory_space<vmem>>, vector<16xf32>,
      tpu.vector_store %arg7[%swap3A], %add3A_170 {strides = array<i32>} : memref<640xf32, #tpu.memory_space<vmem>>, vector<16xf32>,
    }
    %scan3A_71 = arith.constant 40 : i32
    %mul3A_72 = arith.constant 640 : i32
    %mul3A_73 = arith.muli %arg1, %mul3A_72 : i32
    %run_scoped3A_74 = arith.constant 6 : i32
    "tpu.region"() ({
      %run_scoped3A_164 = tpu.sem_alloc : memref<!tpu.dma_semaphore, #tpu.memory_space<semaphore_mem>>
      %dma_start3A = tpu.memref_slice %arg8[%run_scoped3A_74, %mul3A_73] : memref<16x10240xf32, #tpu.memory_space<vmem_shared>> -> memref<1x640xf32, #tpu.memory_space<vmem_shared>>
      %dma_start3A_165 = tpu.memref_squeeze %dma_start3A : memref<1x640xf32, #tpu.memory_space<vmem_shared>> -> memref<640xf32, #tpu.memory_space<vmem_shared>>
      %dma_start3A_166 = tpu.memref_slice %arg8[%run_scoped3A_74, %mul3A_73] : memref<16x10240xf32, #tpu.memory_space<vmem_shared>> -> memref<1x640xf32, #tpu.memory_space<vmem_shared>>
      %dma_start3A_167 = tpu.memref_squeeze %dma_start3A_166 : memref<1x640xf32, #tpu.memory_space<vmem_shared>> -> memref<640xf32, #tpu.memory_space<vmem_shared>>
      tpu.enqueue_dma source(%dma_start3A_167 : memref<640xf32, #tpu.memory_space<vmem_shared>>) target(%arg6 : memref<640xf32, #tpu.memory_space<vmem>>) target_semaphore(%run_scoped3A_164 : memref<!tpu.dma_semaphore, #tpu.memory_space<semaphore_mem>>)
      %dma_wait3A = tpu.memref_slice %arg8[%run_scoped3A_74, %mul3A_73] : memref<16x10240xf32, #tpu.memory_space<vmem_shared>> -> memref<1x640xf32, #tpu.memory_space<vmem_shared>>
      %dma_wait3A_168 = tpu.memref_squeeze %dma_wait3A : memref<1x640xf32, #tpu.memory_space<vmem_shared>> -> memref<640xf32, #tpu.memory_space<vmem_shared>>
      %dma_wait3A_169 = tpu.memref_slice %arg8[%run_scoped3A_74, %mul3A_73] : memref<16x10240xf32, #tpu.memory_space<vmem_shared>> -> memref<1x640xf32, #tpu.memory_space<vmem_shared>>
      %dma_wait3A_170 = tpu.memref_squeeze %dma_wait3A_169 : memref<1x640xf32, #tpu.memory_space<vmem_shared>> -> memref<640xf32, #tpu.memory_space<vmem_shared>>
      tpu.wait_dma2 semaphore(%run_scoped3A_164 : memref<!tpu.dma_semaphore, #tpu.memory_space<semaphore_mem>>) src(%dma_wait3A_170 : memref<640xf32, #tpu.memory_space<vmem_shared>>) dst(%arg6 : memref<640xf32, #tpu.memory_space<vmem>>)
      tpu.yield
    }) : () -> ()
    %scan3A_75 = arith.constant 0 : i32
    %scan3A_76 = arith.constant 0 : i32
    %scan3A_77 = arith.constant 40 : i32
    %scan3A_78 = arith.addi %scan3A_76, %scan3A_77 : i32
    %scan3A_79 = arith.constant 1 : i32
    scf.for %scan3A_164 = %scan3A_76 to %scan3A_78 step %scan3A_79  : i32 {
      %mul3A_165 = arith.constant 16 : i32
      %mul3A_166 = arith.muli %scan3A_164, %mul3A_165 : i32
      %get3A = arith.index_cast %mul3A_166 : i32 to index
      %get3A_167 = tpu.vector_load %arg7[%get3A] {strides = array<i32>} : memref<640xf32, #tpu.memory_space<vmem>>, vector<16xf32>,
      %get3A_168 = arith.index_cast %mul3A_166 : i32 to index
      %get3A_169 = tpu.vector_load %arg6[%get3A_168] {strides = array<i32>} : memref<640xf32, #tpu.memory_space<vmem>>, vector<16xf32>,
      %add3A_170 = arith.addf %get3A_167, %get3A_169 : vector<16xf32>
      %swap3A = arith.index_cast %mul3A_166 : i32 to index
      %swap3A_171 = tpu.vector_load %arg7[%swap3A] {strides = array<i32>} : memref<640xf32, #tpu.memory_space<vmem>>, vector<16xf32>,
      tpu.vector_store %arg7[%swap3A], %add3A_170 {strides = array<i32>} : memref<640xf32, #tpu.memory_space<vmem>>, vector<16xf32>,
    }
    %scan3A_80 = arith.constant 40 : i32
    %mul3A_81 = arith.constant 640 : i32
    %mul3A_82 = arith.muli %arg1, %mul3A_81 : i32
    %run_scoped3A_83 = arith.constant 7 : i32
    "tpu.region"() ({
      %run_scoped3A_164 = tpu.sem_alloc : memref<!tpu.dma_semaphore, #tpu.memory_space<semaphore_mem>>
      %dma_start3A = tpu.memref_slice %arg8[%run_scoped3A_83, %mul3A_82] : memref<16x10240xf32, #tpu.memory_space<vmem_shared>> -> memref<1x640xf32, #tpu.memory_space<vmem_shared>>
      %dma_start3A_165 = tpu.memref_squeeze %dma_start3A : memref<1x640xf32, #tpu.memory_space<vmem_shared>> -> memref<640xf32, #tpu.memory_space<vmem_shared>>
      %dma_start3A_166 = tpu.memref_slice %arg8[%run_scoped3A_83, %mul3A_82] : memref<16x10240xf32, #tpu.memory_space<vmem_shared>> -> memref<1x640xf32, #tpu.memory_space<vmem_shared>>
      %dma_start3A_167 = tpu.memref_squeeze %dma_start3A_166 : memref<1x640xf32, #tpu.memory_space<vmem_shared>> -> memref<640xf32, #tpu.memory_space<vmem_shared>>
      tpu.enqueue_dma source(%dma_start3A_167 : memref<640xf32, #tpu.memory_space<vmem_shared>>) target(%arg6 : memref<640xf32, #tpu.memory_space<vmem>>) target_semaphore(%run_scoped3A_164 : memref<!tpu.dma_semaphore, #tpu.memory_space<semaphore_mem>>)
      %dma_wait3A = tpu.memref_slice %arg8[%run_scoped3A_83, %mul3A_82] : memref<16x10240xf32, #tpu.memory_space<vmem_shared>> -> memref<1x640xf32, #tpu.memory_space<vmem_shared>>
      %dma_wait3A_168 = tpu.memref_squeeze %dma_wait3A : memref<1x640xf32, #tpu.memory_space<vmem_shared>> -> memref<640xf32, #tpu.memory_space<vmem_shared>>
      %dma_wait3A_169 = tpu.memref_slice %arg8[%run_scoped3A_83, %mul3A_82] : memref<16x10240xf32, #tpu.memory_space<vmem_shared>> -> memref<1x640xf32, #tpu.memory_space<vmem_shared>>
      %dma_wait3A_170 = tpu.memref_squeeze %dma_wait3A_169 : memref<1x640xf32, #tpu.memory_space<vmem_shared>> -> memref<640xf32, #tpu.memory_space<vmem_shared>>
      tpu.wait_dma2 semaphore(%run_scoped3A_164 : memref<!tpu.dma_semaphore, #tpu.memory_space<semaphore_mem>>) src(%dma_wait3A_170 : memref<640xf32, #tpu.memory_space<vmem_shared>>) dst(%arg6 : memref<640xf32, #tpu.memory_space<vmem>>)
      tpu.yield
    }) : () -> ()
    %scan3A_84 = arith.constant 0 : i32
    %scan3A_85 = arith.constant 0 : i32
    %scan3A_86 = arith.constant 40 : i32
    %scan3A_87 = arith.addi %scan3A_85, %scan3A_86 : i32
    %scan3A_88 = arith.constant 1 : i32
    scf.for %scan3A_164 = %scan3A_85 to %scan3A_87 step %scan3A_88  : i32 {
      %mul3A_165 = arith.constant 16 : i32
      %mul3A_166 = arith.muli %scan3A_164, %mul3A_165 : i32
      %get3A = arith.index_cast %mul3A_166 : i32 to index
      %get3A_167 = tpu.vector_load %arg7[%get3A] {strides = array<i32>} : memref<640xf32, #tpu.memory_space<vmem>>, vector<16xf32>,
      %get3A_168 = arith.index_cast %mul3A_166 : i32 to index
      %get3A_169 = tpu.vector_load %arg6[%get3A_168] {strides = array<i32>} : memref<640xf32, #tpu.memory_space<vmem>>, vector<16xf32>,
      %add3A_170 = arith.addf %get3A_167, %get3A_169 : vector<16xf32>
      %swap3A = arith.index_cast %mul3A_166 : i32 to index
      %swap3A_171 = tpu.vector_load %arg7[%swap3A] {strides = array<i32>} : memref<640xf32, #tpu.memory_space<vmem>>, vector<16xf32>,
      tpu.vector_store %arg7[%swap3A], %add3A_170 {strides = array<i32>} : memref<640xf32, #tpu.memory_space<vmem>>, vector<16xf32>,
    }
    %scan3A_89 = arith.constant 40 : i32
    %mul3A_90 = arith.constant 640 : i32
    %mul3A_91 = arith.muli %arg1, %mul3A_90 : i32
    %run_scoped3A_92 = arith.constant 8 : i32
    "tpu.region"() ({
      %run_scoped3A_164 = tpu.sem_alloc : memref<!tpu.dma_semaphore, #tpu.memory_space<semaphore_mem>>
      %dma_start3A = tpu.memref_slice %arg8[%run_scoped3A_92, %mul3A_91] : memref<16x10240xf32, #tpu.memory_space<vmem_shared>> -> memref<1x640xf32, #tpu.memory_space<vmem_shared>>
      %dma_start3A_165 = tpu.memref_squeeze %dma_start3A : memref<1x640xf32, #tpu.memory_space<vmem_shared>> -> memref<640xf32, #tpu.memory_space<vmem_shared>>
      %dma_start3A_166 = tpu.memref_slice %arg8[%run_scoped3A_92, %mul3A_91] : memref<16x10240xf32, #tpu.memory_space<vmem_shared>> -> memref<1x640xf32, #tpu.memory_space<vmem_shared>>
      %dma_start3A_167 = tpu.memref_squeeze %dma_start3A_166 : memref<1x640xf32, #tpu.memory_space<vmem_shared>> -> memref<640xf32, #tpu.memory_space<vmem_shared>>
      tpu.enqueue_dma source(%dma_start3A_167 : memref<640xf32, #tpu.memory_space<vmem_shared>>) target(%arg6 : memref<640xf32, #tpu.memory_space<vmem>>) target_semaphore(%run_scoped3A_164 : memref<!tpu.dma_semaphore, #tpu.memory_space<semaphore_mem>>)
      %dma_wait3A = tpu.memref_slice %arg8[%run_scoped3A_92, %mul3A_91] : memref<16x10240xf32, #tpu.memory_space<vmem_shared>> -> memref<1x640xf32, #tpu.memory_space<vmem_shared>>
      %dma_wait3A_168 = tpu.memref_squeeze %dma_wait3A : memref<1x640xf32, #tpu.memory_space<vmem_shared>> -> memref<640xf32, #tpu.memory_space<vmem_shared>>
      %dma_wait3A_169 = tpu.memref_slice %arg8[%run_scoped3A_92, %mul3A_91] : memref<16x10240xf32, #tpu.memory_space<vmem_shared>> -> memref<1x640xf32, #tpu.memory_space<vmem_shared>>
      %dma_wait3A_170 = tpu.memref_squeeze %dma_wait3A_169 : memref<1x640xf32, #tpu.memory_space<vmem_shared>> -> memref<640xf32, #tpu.memory_space<vmem_shared>>
      tpu.wait_dma2 semaphore(%run_scoped3A_164 : memref<!tpu.dma_semaphore, #tpu.memory_space<semaphore_mem>>) src(%dma_wait3A_170 : memref<640xf32, #tpu.memory_space<vmem_shared>>) dst(%arg6 : memref<640xf32, #tpu.memory_space<vmem>>)
      tpu.yield
    }) : () -> ()
    %scan3A_93 = arith.constant 0 : i32
    %scan3A_94 = arith.constant 0 : i32
    %scan3A_95 = arith.constant 40 : i32
    %scan3A_96 = arith.addi %scan3A_94, %scan3A_95 : i32
    %scan3A_97 = arith.constant 1 : i32
    scf.for %scan3A_164 = %scan3A_94 to %scan3A_96 step %scan3A_97  : i32 {
      %mul3A_165 = arith.constant 16 : i32
      %mul3A_166 = arith.muli %scan3A_164, %mul3A_165 : i32
      %get3A = arith.index_cast %mul3A_166 : i32 to index
      %get3A_167 = tpu.vector_load %arg7[%get3A] {strides = array<i32>} : memref<640xf32, #tpu.memory_space<vmem>>, vector<16xf32>,
      %get3A_168 = arith.index_cast %mul3A_166 : i32 to index
      %get3A_169 = tpu.vector_load %arg6[%get3A_168] {strides = array<i32>} : memref<640xf32, #tpu.memory_space<vmem>>, vector<16xf32>,
      %add3A_170 = arith.addf %get3A_167, %get3A_169 : vector<16xf32>
      %swap3A = arith.index_cast %mul3A_166 : i32 to index
      %swap3A_171 = tpu.vector_load %arg7[%swap3A] {strides = array<i32>} : memref<640xf32, #tpu.memory_space<vmem>>, vector<16xf32>,
      tpu.vector_store %arg7[%swap3A], %add3A_170 {strides = array<i32>} : memref<640xf32, #tpu.memory_space<vmem>>, vector<16xf32>,
    }
    %scan3A_98 = arith.constant 40 : i32
    %mul3A_99 = arith.constant 640 : i32
    %mul3A_100 = arith.muli %arg1, %mul3A_99 : i32
    %run_scoped3A_101 = arith.constant 9 : i32
    "tpu.region"() ({
      %run_scoped3A_164 = tpu.sem_alloc : memref<!tpu.dma_semaphore, #tpu.memory_space<semaphore_mem>>
      %dma_start3A = tpu.memref_slice %arg8[%run_scoped3A_101, %mul3A_100] : memref<16x10240xf32, #tpu.memory_space<vmem_shared>> -> memref<1x640xf32, #tpu.memory_space<vmem_shared>>
      %dma_start3A_165 = tpu.memref_squeeze %dma_start3A : memref<1x640xf32, #tpu.memory_space<vmem_shared>> -> memref<640xf32, #tpu.memory_space<vmem_shared>>
      %dma_start3A_166 = tpu.memref_slice %arg8[%run_scoped3A_101, %mul3A_100] : memref<16x10240xf32, #tpu.memory_space<vmem_shared>> -> memref<1x640xf32, #tpu.memory_space<vmem_shared>>
      %dma_start3A_167 = tpu.memref_squeeze %dma_start3A_166 : memref<1x640xf32, #tpu.memory_space<vmem_shared>> -> memref<640xf32, #tpu.memory_space<vmem_shared>>
      tpu.enqueue_dma source(%dma_start3A_167 : memref<640xf32, #tpu.memory_space<vmem_shared>>) target(%arg6 : memref<640xf32, #tpu.memory_space<vmem>>) target_semaphore(%run_scoped3A_164 : memref<!tpu.dma_semaphore, #tpu.memory_space<semaphore_mem>>)
      %dma_wait3A = tpu.memref_slice %arg8[%run_scoped3A_101, %mul3A_100] : memref<16x10240xf32, #tpu.memory_space<vmem_shared>> -> memref<1x640xf32, #tpu.memory_space<vmem_shared>>
      %dma_wait3A_168 = tpu.memref_squeeze %dma_wait3A : memref<1x640xf32, #tpu.memory_space<vmem_shared>> -> memref<640xf32, #tpu.memory_space<vmem_shared>>
      %dma_wait3A_169 = tpu.memref_slice %arg8[%run_scoped3A_101, %mul3A_100] : memref<16x10240xf32, #tpu.memory_space<vmem_shared>> -> memref<1x640xf32, #tpu.memory_space<vmem_shared>>
      %dma_wait3A_170 = tpu.memref_squeeze %dma_wait3A_169 : memref<1x640xf32, #tpu.memory_space<vmem_shared>> -> memref<640xf32, #tpu.memory_space<vmem_shared>>
      tpu.wait_dma2 semaphore(%run_scoped3A_164 : memref<!tpu.dma_semaphore, #tpu.memory_space<semaphore_mem>>) src(%dma_wait3A_170 : memref<640xf32, #tpu.memory_space<vmem_shared>>) dst(%arg6 : memref<640xf32, #tpu.memory_space<vmem>>)
      tpu.yield
    }) : () -> ()
    %scan3A_102 = arith.constant 0 : i32
    %scan3A_103 = arith.constant 0 : i32
    %scan3A_104 = arith.constant 40 : i32
    %scan3A_105 = arith.addi %scan3A_103, %scan3A_104 : i32
    %scan3A_106 = arith.constant 1 : i32
    scf.for %scan3A_164 = %scan3A_103 to %scan3A_105 step %scan3A_106  : i32 {
      %mul3A_165 = arith.constant 16 : i32
      %mul3A_166 = arith.muli %scan3A_164, %mul3A_165 : i32
      %get3A = arith.index_cast %mul3A_166 : i32 to index
      %get3A_167 = tpu.vector_load %arg7[%get3A] {strides = array<i32>} : memref<640xf32, #tpu.memory_space<vmem>>, vector<16xf32>,
      %get3A_168 = arith.index_cast %mul3A_166 : i32 to index
      %get3A_169 = tpu.vector_load %arg6[%get3A_168] {strides = array<i32>} : memref<640xf32, #tpu.memory_space<vmem>>, vector<16xf32>,
      %add3A_170 = arith.addf %get3A_167, %get3A_169 : vector<16xf32>
      %swap3A = arith.index_cast %mul3A_166 : i32 to index
      %swap3A_171 = tpu.vector_load %arg7[%swap3A] {strides = array<i32>} : memref<640xf32, #tpu.memory_space<vmem>>, vector<16xf32>,
      tpu.vector_store %arg7[%swap3A], %add3A_170 {strides = array<i32>} : memref<640xf32, #tpu.memory_space<vmem>>, vector<16xf32>,
    }
    %scan3A_107 = arith.constant 40 : i32
    %mul3A_108 = arith.constant 640 : i32
    %mul3A_109 = arith.muli %arg1, %mul3A_108 : i32
    %run_scoped3A_110 = arith.constant 10 : i32
    "tpu.region"() ({
      %run_scoped3A_164 = tpu.sem_alloc : memref<!tpu.dma_semaphore, #tpu.memory_space<semaphore_mem>>
      %dma_start3A = tpu.memref_slice %arg8[%run_scoped3A_110, %mul3A_109] : memref<16x10240xf32, #tpu.memory_space<vmem_shared>> -> memref<1x640xf32, #tpu.memory_space<vmem_shared>>
      %dma_start3A_165 = tpu.memref_squeeze %dma_start3A : memref<1x640xf32, #tpu.memory_space<vmem_shared>> -> memref<640xf32, #tpu.memory_space<vmem_shared>>
      %dma_start3A_166 = tpu.memref_slice %arg8[%run_scoped3A_110, %mul3A_109] : memref<16x10240xf32, #tpu.memory_space<vmem_shared>> -> memref<1x640xf32, #tpu.memory_space<vmem_shared>>
      %dma_start3A_167 = tpu.memref_squeeze %dma_start3A_166 : memref<1x640xf32, #tpu.memory_space<vmem_shared>> -> memref<640xf32, #tpu.memory_space<vmem_shared>>
      tpu.enqueue_dma source(%dma_start3A_167 : memref<640xf32, #tpu.memory_space<vmem_shared>>) target(%arg6 : memref<640xf32, #tpu.memory_space<vmem>>) target_semaphore(%run_scoped3A_164 : memref<!tpu.dma_semaphore, #tpu.memory_space<semaphore_mem>>)
      %dma_wait3A = tpu.memref_slice %arg8[%run_scoped3A_110, %mul3A_109] : memref<16x10240xf32, #tpu.memory_space<vmem_shared>> -> memref<1x640xf32, #tpu.memory_space<vmem_shared>>
      %dma_wait3A_168 = tpu.memref_squeeze %dma_wait3A : memref<1x640xf32, #tpu.memory_space<vmem_shared>> -> memref<640xf32, #tpu.memory_space<vmem_shared>>
      %dma_wait3A_169 = tpu.memref_slice %arg8[%run_scoped3A_110, %mul3A_109] : memref<16x10240xf32, #tpu.memory_space<vmem_shared>> -> memref<1x640xf32, #tpu.memory_space<vmem_shared>>
      %dma_wait3A_170 = tpu.memref_squeeze %dma_wait3A_169 : memref<1x640xf32, #tpu.memory_space<vmem_shared>> -> memref<640xf32, #tpu.memory_space<vmem_shared>>
      tpu.wait_dma2 semaphore(%run_scoped3A_164 : memref<!tpu.dma_semaphore, #tpu.memory_space<semaphore_mem>>) src(%dma_wait3A_170 : memref<640xf32, #tpu.memory_space<vmem_shared>>) dst(%arg6 : memref<640xf32, #tpu.memory_space<vmem>>)
      tpu.yield
    }) : () -> ()
    %scan3A_111 = arith.constant 0 : i32
    %scan3A_112 = arith.constant 0 : i32
    %scan3A_113 = arith.constant 40 : i32
    %scan3A_114 = arith.addi %scan3A_112, %scan3A_113 : i32
    %scan3A_115 = arith.constant 1 : i32
    scf.for %scan3A_164 = %scan3A_112 to %scan3A_114 step %scan3A_115  : i32 {
      %mul3A_165 = arith.constant 16 : i32
      %mul3A_166 = arith.muli %scan3A_164, %mul3A_165 : i32
      %get3A = arith.index_cast %mul3A_166 : i32 to index
      %get3A_167 = tpu.vector_load %arg7[%get3A] {strides = array<i32>} : memref<640xf32, #tpu.memory_space<vmem>>, vector<16xf32>,
      %get3A_168 = arith.index_cast %mul3A_166 : i32 to index
      %get3A_169 = tpu.vector_load %arg6[%get3A_168] {strides = array<i32>} : memref<640xf32, #tpu.memory_space<vmem>>, vector<16xf32>,
      %add3A_170 = arith.addf %get3A_167, %get3A_169 : vector<16xf32>
      %swap3A = arith.index_cast %mul3A_166 : i32 to index
      %swap3A_171 = tpu.vector_load %arg7[%swap3A] {strides = array<i32>} : memref<640xf32, #tpu.memory_space<vmem>>, vector<16xf32>,
      tpu.vector_store %arg7[%swap3A], %add3A_170 {strides = array<i32>} : memref<640xf32, #tpu.memory_space<vmem>>, vector<16xf32>,
    }
    %scan3A_116 = arith.constant 40 : i32
    %mul3A_117 = arith.constant 640 : i32
    %mul3A_118 = arith.muli %arg1, %mul3A_117 : i32
    %run_scoped3A_119 = arith.constant 11 : i32
    "tpu.region"() ({
      %run_scoped3A_164 = tpu.sem_alloc : memref<!tpu.dma_semaphore, #tpu.memory_space<semaphore_mem>>
      %dma_start3A = tpu.memref_slice %arg8[%run_scoped3A_119, %mul3A_118] : memref<16x10240xf32, #tpu.memory_space<vmem_shared>> -> memref<1x640xf32, #tpu.memory_space<vmem_shared>>
      %dma_start3A_165 = tpu.memref_squeeze %dma_start3A : memref<1x640xf32, #tpu.memory_space<vmem_shared>> -> memref<640xf32, #tpu.memory_space<vmem_shared>>
      %dma_start3A_166 = tpu.memref_slice %arg8[%run_scoped3A_119, %mul3A_118] : memref<16x10240xf32, #tpu.memory_space<vmem_shared>> -> memref<1x640xf32, #tpu.memory_space<vmem_shared>>
      %dma_start3A_167 = tpu.memref_squeeze %dma_start3A_166 : memref<1x640xf32, #tpu.memory_space<vmem_shared>> -> memref<640xf32, #tpu.memory_space<vmem_shared>>
      tpu.enqueue_dma source(%dma_start3A_167 : memref<640xf32, #tpu.memory_space<vmem_shared>>) target(%arg6 : memref<640xf32, #tpu.memory_space<vmem>>) target_semaphore(%run_scoped3A_164 : memref<!tpu.dma_semaphore, #tpu.memory_space<semaphore_mem>>)
      %dma_wait3A = tpu.memref_slice %arg8[%run_scoped3A_119, %mul3A_118] : memref<16x10240xf32, #tpu.memory_space<vmem_shared>> -> memref<1x640xf32, #tpu.memory_space<vmem_shared>>
      %dma_wait3A_168 = tpu.memref_squeeze %dma_wait3A : memref<1x640xf32, #tpu.memory_space<vmem_shared>> -> memref<640xf32, #tpu.memory_space<vmem_shared>>
      %dma_wait3A_169 = tpu.memref_slice %arg8[%run_scoped3A_119, %mul3A_118] : memref<16x10240xf32, #tpu.memory_space<vmem_shared>> -> memref<1x640xf32, #tpu.memory_space<vmem_shared>>
      %dma_wait3A_170 = tpu.memref_squeeze %dma_wait3A_169 : memref<1x640xf32, #tpu.memory_space<vmem_shared>> -> memref<640xf32, #tpu.memory_space<vmem_shared>>
      tpu.wait_dma2 semaphore(%run_scoped3A_164 : memref<!tpu.dma_semaphore, #tpu.memory_space<semaphore_mem>>) src(%dma_wait3A_170 : memref<640xf32, #tpu.memory_space<vmem_shared>>) dst(%arg6 : memref<640xf32, #tpu.memory_space<vmem>>)
      tpu.yield
    }) : () -> ()
    %scan3A_120 = arith.constant 0 : i32
    %scan3A_121 = arith.constant 0 : i32
    %scan3A_122 = arith.constant 40 : i32
    %scan3A_123 = arith.addi %scan3A_121, %scan3A_122 : i32
    %scan3A_124 = arith.constant 1 : i32
    scf.for %scan3A_164 = %scan3A_121 to %scan3A_123 step %scan3A_124  : i32 {
      %mul3A_165 = arith.constant 16 : i32
      %mul3A_166 = arith.muli %scan3A_164, %mul3A_165 : i32
      %get3A = arith.index_cast %mul3A_166 : i32 to index
      %get3A_167 = tpu.vector_load %arg7[%get3A] {strides = array<i32>} : memref<640xf32, #tpu.memory_space<vmem>>, vector<16xf32>,
      %get3A_168 = arith.index_cast %mul3A_166 : i32 to index
      %get3A_169 = tpu.vector_load %arg6[%get3A_168] {strides = array<i32>} : memref<640xf32, #tpu.memory_space<vmem>>, vector<16xf32>,
      %add3A_170 = arith.addf %get3A_167, %get3A_169 : vector<16xf32>
      %swap3A = arith.index_cast %mul3A_166 : i32 to index
      %swap3A_171 = tpu.vector_load %arg7[%swap3A] {strides = array<i32>} : memref<640xf32, #tpu.memory_space<vmem>>, vector<16xf32>,
      tpu.vector_store %arg7[%swap3A], %add3A_170 {strides = array<i32>} : memref<640xf32, #tpu.memory_space<vmem>>, vector<16xf32>,
    }
    %scan3A_125 = arith.constant 40 : i32
    %mul3A_126 = arith.constant 640 : i32
    %mul3A_127 = arith.muli %arg1, %mul3A_126 : i32
    %run_scoped3A_128 = arith.constant 12 : i32
    "tpu.region"() ({
      %run_scoped3A_164 = tpu.sem_alloc : memref<!tpu.dma_semaphore, #tpu.memory_space<semaphore_mem>>
      %dma_start3A = tpu.memref_slice %arg8[%run_scoped3A_128, %mul3A_127] : memref<16x10240xf32, #tpu.memory_space<vmem_shared>> -> memref<1x640xf32, #tpu.memory_space<vmem_shared>>
      %dma_start3A_165 = tpu.memref_squeeze %dma_start3A : memref<1x640xf32, #tpu.memory_space<vmem_shared>> -> memref<640xf32, #tpu.memory_space<vmem_shared>>
      %dma_start3A_166 = tpu.memref_slice %arg8[%run_scoped3A_128, %mul3A_127] : memref<16x10240xf32, #tpu.memory_space<vmem_shared>> -> memref<1x640xf32, #tpu.memory_space<vmem_shared>>
      %dma_start3A_167 = tpu.memref_squeeze %dma_start3A_166 : memref<1x640xf32, #tpu.memory_space<vmem_shared>> -> memref<640xf32, #tpu.memory_space<vmem_shared>>
      tpu.enqueue_dma source(%dma_start3A_167 : memref<640xf32, #tpu.memory_space<vmem_shared>>) target(%arg6 : memref<640xf32, #tpu.memory_space<vmem>>) target_semaphore(%run_scoped3A_164 : memref<!tpu.dma_semaphore, #tpu.memory_space<semaphore_mem>>)
      %dma_wait3A = tpu.memref_slice %arg8[%run_scoped3A_128, %mul3A_127] : memref<16x10240xf32, #tpu.memory_space<vmem_shared>> -> memref<1x640xf32, #tpu.memory_space<vmem_shared>>
      %dma_wait3A_168 = tpu.memref_squeeze %dma_wait3A : memref<1x640xf32, #tpu.memory_space<vmem_shared>> -> memref<640xf32, #tpu.memory_space<vmem_shared>>
      %dma_wait3A_169 = tpu.memref_slice %arg8[%run_scoped3A_128, %mul3A_127] : memref<16x10240xf32, #tpu.memory_space<vmem_shared>> -> memref<1x640xf32, #tpu.memory_space<vmem_shared>>
      %dma_wait3A_170 = tpu.memref_squeeze %dma_wait3A_169 : memref<1x640xf32, #tpu.memory_space<vmem_shared>> -> memref<640xf32, #tpu.memory_space<vmem_shared>>
      tpu.wait_dma2 semaphore(%run_scoped3A_164 : memref<!tpu.dma_semaphore, #tpu.memory_space<semaphore_mem>>) src(%dma_wait3A_170 : memref<640xf32, #tpu.memory_space<vmem_shared>>) dst(%arg6 : memref<640xf32, #tpu.memory_space<vmem>>)
      tpu.yield
    }) : () -> ()
    %scan3A_129 = arith.constant 0 : i32
    %scan3A_130 = arith.constant 0 : i32
    %scan3A_131 = arith.constant 40 : i32
    %scan3A_132 = arith.addi %scan3A_130, %scan3A_131 : i32
    %scan3A_133 = arith.constant 1 : i32
    scf.for %scan3A_164 = %scan3A_130 to %scan3A_132 step %scan3A_133  : i32 {
      %mul3A_165 = arith.constant 16 : i32
      %mul3A_166 = arith.muli %scan3A_164, %mul3A_165 : i32
      %get3A = arith.index_cast %mul3A_166 : i32 to index
      %get3A_167 = tpu.vector_load %arg7[%get3A] {strides = array<i32>} : memref<640xf32, #tpu.memory_space<vmem>>, vector<16xf32>,
      %get3A_168 = arith.index_cast %mul3A_166 : i32 to index
      %get3A_169 = tpu.vector_load %arg6[%get3A_168] {strides = array<i32>} : memref<640xf32, #tpu.memory_space<vmem>>, vector<16xf32>,
      %add3A_170 = arith.addf %get3A_167, %get3A_169 : vector<16xf32>
      %swap3A = arith.index_cast %mul3A_166 : i32 to index
      %swap3A_171 = tpu.vector_load %arg7[%swap3A] {strides = array<i32>} : memref<640xf32, #tpu.memory_space<vmem>>, vector<16xf32>,
      tpu.vector_store %arg7[%swap3A], %add3A_170 {strides = array<i32>} : memref<640xf32, #tpu.memory_space<vmem>>, vector<16xf32>,
    }
    %scan3A_134 = arith.constant 40 : i32
    %mul3A_135 = arith.constant 640 : i32
    %mul3A_136 = arith.muli %arg1, %mul3A_135 : i32
    %run_scoped3A_137 = arith.constant 13 : i32
    "tpu.region"() ({
      %run_scoped3A_164 = tpu.sem_alloc : memref<!tpu.dma_semaphore, #tpu.memory_space<semaphore_mem>>
      %dma_start3A = tpu.memref_slice %arg8[%run_scoped3A_137, %mul3A_136] : memref<16x10240xf32, #tpu.memory_space<vmem_shared>> -> memref<1x640xf32, #tpu.memory_space<vmem_shared>>
      %dma_start3A_165 = tpu.memref_squeeze %dma_start3A : memref<1x640xf32, #tpu.memory_space<vmem_shared>> -> memref<640xf32, #tpu.memory_space<vmem_shared>>
      %dma_start3A_166 = tpu.memref_slice %arg8[%run_scoped3A_137, %mul3A_136] : memref<16x10240xf32, #tpu.memory_space<vmem_shared>> -> memref<1x640xf32, #tpu.memory_space<vmem_shared>>
      %dma_start3A_167 = tpu.memref_squeeze %dma_start3A_166 : memref<1x640xf32, #tpu.memory_space<vmem_shared>> -> memref<640xf32, #tpu.memory_space<vmem_shared>>
      tpu.enqueue_dma source(%dma_start3A_167 : memref<640xf32, #tpu.memory_space<vmem_shared>>) target(%arg6 : memref<640xf32, #tpu.memory_space<vmem>>) target_semaphore(%run_scoped3A_164 : memref<!tpu.dma_semaphore, #tpu.memory_space<semaphore_mem>>)
      %dma_wait3A = tpu.memref_slice %arg8[%run_scoped3A_137, %mul3A_136] : memref<16x10240xf32, #tpu.memory_space<vmem_shared>> -> memref<1x640xf32, #tpu.memory_space<vmem_shared>>
      %dma_wait3A_168 = tpu.memref_squeeze %dma_wait3A : memref<1x640xf32, #tpu.memory_space<vmem_shared>> -> memref<640xf32, #tpu.memory_space<vmem_shared>>
      %dma_wait3A_169 = tpu.memref_slice %arg8[%run_scoped3A_137, %mul3A_136] : memref<16x10240xf32, #tpu.memory_space<vmem_shared>> -> memref<1x640xf32, #tpu.memory_space<vmem_shared>>
      %dma_wait3A_170 = tpu.memref_squeeze %dma_wait3A_169 : memref<1x640xf32, #tpu.memory_space<vmem_shared>> -> memref<640xf32, #tpu.memory_space<vmem_shared>>
      tpu.wait_dma2 semaphore(%run_scoped3A_164 : memref<!tpu.dma_semaphore, #tpu.memory_space<semaphore_mem>>) src(%dma_wait3A_170 : memref<640xf32, #tpu.memory_space<vmem_shared>>) dst(%arg6 : memref<640xf32, #tpu.memory_space<vmem>>)
      tpu.yield
    }) : () -> ()
    %scan3A_138 = arith.constant 0 : i32
    %scan3A_139 = arith.constant 0 : i32
    %scan3A_140 = arith.constant 40 : i32
    %scan3A_141 = arith.addi %scan3A_139, %scan3A_140 : i32
    %scan3A_142 = arith.constant 1 : i32
    scf.for %scan3A_164 = %scan3A_139 to %scan3A_141 step %scan3A_142  : i32 {
      %mul3A_165 = arith.constant 16 : i32
      %mul3A_166 = arith.muli %scan3A_164, %mul3A_165 : i32
      %get3A = arith.index_cast %mul3A_166 : i32 to index
      %get3A_167 = tpu.vector_load %arg7[%get3A] {strides = array<i32>} : memref<640xf32, #tpu.memory_space<vmem>>, vector<16xf32>,
      %get3A_168 = arith.index_cast %mul3A_166 : i32 to index
      %get3A_169 = tpu.vector_load %arg6[%get3A_168] {strides = array<i32>} : memref<640xf32, #tpu.memory_space<vmem>>, vector<16xf32>,
      %add3A_170 = arith.addf %get3A_167, %get3A_169 : vector<16xf32>
      %swap3A = arith.index_cast %mul3A_166 : i32 to index
      %swap3A_171 = tpu.vector_load %arg7[%swap3A] {strides = array<i32>} : memref<640xf32, #tpu.memory_space<vmem>>, vector<16xf32>,
      tpu.vector_store %arg7[%swap3A], %add3A_170 {strides = array<i32>} : memref<640xf32, #tpu.memory_space<vmem>>, vector<16xf32>,
    }
    %scan3A_143 = arith.constant 40 : i32
    %mul3A_144 = arith.constant 640 : i32
    %mul3A_145 = arith.muli %arg1, %mul3A_144 : i32
    %run_scoped3A_146 = arith.constant 14 : i32
    "tpu.region"() ({
      %run_scoped3A_164 = tpu.sem_alloc : memref<!tpu.dma_semaphore, #tpu.memory_space<semaphore_mem>>
      %dma_start3A = tpu.memref_slice %arg8[%run_scoped3A_146, %mul3A_145] : memref<16x10240xf32, #tpu.memory_space<vmem_shared>> -> memref<1x640xf32, #tpu.memory_space<vmem_shared>>
      %dma_start3A_165 = tpu.memref_squeeze %dma_start3A : memref<1x640xf32, #tpu.memory_space<vmem_shared>> -> memref<640xf32, #tpu.memory_space<vmem_shared>>
      %dma_start3A_166 = tpu.memref_slice %arg8[%run_scoped3A_146, %mul3A_145] : memref<16x10240xf32, #tpu.memory_space<vmem_shared>> -> memref<1x640xf32, #tpu.memory_space<vmem_shared>>
      %dma_start3A_167 = tpu.memref_squeeze %dma_start3A_166 : memref<1x640xf32, #tpu.memory_space<vmem_shared>> -> memref<640xf32, #tpu.memory_space<vmem_shared>>
      tpu.enqueue_dma source(%dma_start3A_167 : memref<640xf32, #tpu.memory_space<vmem_shared>>) target(%arg6 : memref<640xf32, #tpu.memory_space<vmem>>) target_semaphore(%run_scoped3A_164 : memref<!tpu.dma_semaphore, #tpu.memory_space<semaphore_mem>>)
      %dma_wait3A = tpu.memref_slice %arg8[%run_scoped3A_146, %mul3A_145] : memref<16x10240xf32, #tpu.memory_space<vmem_shared>> -> memref<1x640xf32, #tpu.memory_space<vmem_shared>>
      %dma_wait3A_168 = tpu.memref_squeeze %dma_wait3A : memref<1x640xf32, #tpu.memory_space<vmem_shared>> -> memref<640xf32, #tpu.memory_space<vmem_shared>>
      %dma_wait3A_169 = tpu.memref_slice %arg8[%run_scoped3A_146, %mul3A_145] : memref<16x10240xf32, #tpu.memory_space<vmem_shared>> -> memref<1x640xf32, #tpu.memory_space<vmem_shared>>
      %dma_wait3A_170 = tpu.memref_squeeze %dma_wait3A_169 : memref<1x640xf32, #tpu.memory_space<vmem_shared>> -> memref<640xf32, #tpu.memory_space<vmem_shared>>
      tpu.wait_dma2 semaphore(%run_scoped3A_164 : memref<!tpu.dma_semaphore, #tpu.memory_space<semaphore_mem>>) src(%dma_wait3A_170 : memref<640xf32, #tpu.memory_space<vmem_shared>>) dst(%arg6 : memref<640xf32, #tpu.memory_space<vmem>>)
      tpu.yield
    }) : () -> ()
    %scan3A_147 = arith.constant 0 : i32
    %scan3A_148 = arith.constant 0 : i32
    %scan3A_149 = arith.constant 40 : i32
    %scan3A_150 = arith.addi %scan3A_148, %scan3A_149 : i32
    %scan3A_151 = arith.constant 1 : i32
    scf.for %scan3A_164 = %scan3A_148 to %scan3A_150 step %scan3A_151  : i32 {
      %mul3A_165 = arith.constant 16 : i32
      %mul3A_166 = arith.muli %scan3A_164, %mul3A_165 : i32
      %get3A = arith.index_cast %mul3A_166 : i32 to index
      %get3A_167 = tpu.vector_load %arg7[%get3A] {strides = array<i32>} : memref<640xf32, #tpu.memory_space<vmem>>, vector<16xf32>,
      %get3A_168 = arith.index_cast %mul3A_166 : i32 to index
      %get3A_169 = tpu.vector_load %arg6[%get3A_168] {strides = array<i32>} : memref<640xf32, #tpu.memory_space<vmem>>, vector<16xf32>,
      %add3A_170 = arith.addf %get3A_167, %get3A_169 : vector<16xf32>
      %swap3A = arith.index_cast %mul3A_166 : i32 to index
      %swap3A_171 = tpu.vector_load %arg7[%swap3A] {strides = array<i32>} : memref<640xf32, #tpu.memory_space<vmem>>, vector<16xf32>,
      tpu.vector_store %arg7[%swap3A], %add3A_170 {strides = array<i32>} : memref<640xf32, #tpu.memory_space<vmem>>, vector<16xf32>,
    }
    %scan3A_152 = arith.constant 40 : i32
    %mul3A_153 = arith.constant 640 : i32
    %mul3A_154 = arith.muli %arg1, %mul3A_153 : i32
    %run_scoped3A_155 = arith.constant 15 : i32
    "tpu.region"() ({
      %run_scoped3A_164 = tpu.sem_alloc : memref<!tpu.dma_semaphore, #tpu.memory_space<semaphore_mem>>
      %dma_start3A = tpu.memref_slice %arg8[%run_scoped3A_155, %mul3A_154] : memref<16x10240xf32, #tpu.memory_space<vmem_shared>> -> memref<1x640xf32, #tpu.memory_space<vmem_shared>>
      %dma_start3A_165 = tpu.memref_squeeze %dma_start3A : memref<1x640xf32, #tpu.memory_space<vmem_shared>> -> memref<640xf32, #tpu.memory_space<vmem_shared>>
      %dma_start3A_166 = tpu.memref_slice %arg8[%run_scoped3A_155, %mul3A_154] : memref<16x10240xf32, #tpu.memory_space<vmem_shared>> -> memref<1x640xf32, #tpu.memory_space<vmem_shared>>
      %dma_start3A_167 = tpu.memref_squeeze %dma_start3A_166 : memref<1x640xf32, #tpu.memory_space<vmem_shared>> -> memref<640xf32, #tpu.memory_space<vmem_shared>>
      tpu.enqueue_dma source(%dma_start3A_167 : memref<640xf32, #tpu.memory_space<vmem_shared>>) target(%arg6 : memref<640xf32, #tpu.memory_space<vmem>>) target_semaphore(%run_scoped3A_164 : memref<!tpu.dma_semaphore, #tpu.memory_space<semaphore_mem>>)
      %dma_wait3A = tpu.memref_slice %arg8[%run_scoped3A_155, %mul3A_154] : memref<16x10240xf32, #tpu.memory_space<vmem_shared>> -> memref<1x640xf32, #tpu.memory_space<vmem_shared>>
      %dma_wait3A_168 = tpu.memref_squeeze %dma_wait3A : memref<1x640xf32, #tpu.memory_space<vmem_shared>> -> memref<640xf32, #tpu.memory_space<vmem_shared>>
      %dma_wait3A_169 = tpu.memref_slice %arg8[%run_scoped3A_155, %mul3A_154] : memref<16x10240xf32, #tpu.memory_space<vmem_shared>> -> memref<1x640xf32, #tpu.memory_space<vmem_shared>>
      %dma_wait3A_170 = tpu.memref_squeeze %dma_wait3A_169 : memref<1x640xf32, #tpu.memory_space<vmem_shared>> -> memref<640xf32, #tpu.memory_space<vmem_shared>>
      tpu.wait_dma2 semaphore(%run_scoped3A_164 : memref<!tpu.dma_semaphore, #tpu.memory_space<semaphore_mem>>) src(%dma_wait3A_170 : memref<640xf32, #tpu.memory_space<vmem_shared>>) dst(%arg6 : memref<640xf32, #tpu.memory_space<vmem>>)
      tpu.yield
    }) : () -> ()
    %scan3A_156 = arith.constant 0 : i32
    %scan3A_157 = arith.constant 0 : i32
    %scan3A_158 = arith.constant 40 : i32
    %scan3A_159 = arith.addi %scan3A_157, %scan3A_158 : i32
    %scan3A_160 = arith.constant 1 : i32
    scf.for %scan3A_164 = %scan3A_157 to %scan3A_159 step %scan3A_160  : i32 {
      %mul3A_165 = arith.constant 16 : i32
      %mul3A_166 = arith.muli %scan3A_164, %mul3A_165 : i32
      %get3A = arith.index_cast %mul3A_166 : i32 to index
      %get3A_167 = tpu.vector_load %arg7[%get3A] {strides = array<i32>} : memref<640xf32, #tpu.memory_space<vmem>>, vector<16xf32>,
      %get3A_168 = arith.index_cast %mul3A_166 : i32 to index
      %get3A_169 = tpu.vector_load %arg6[%get3A_168] {strides = array<i32>} : memref<640xf32, #tpu.memory_space<vmem>>, vector<16xf32>,
      %add3A_170 = arith.addf %get3A_167, %get3A_169 : vector<16xf32>
      %swap3A = arith.index_cast %mul3A_166 : i32 to index
      %swap3A_171 = tpu.vector_load %arg7[%swap3A] {strides = array<i32>} : memref<640xf32, #tpu.memory_space<vmem>>, vector<16xf32>,
      tpu.vector_store %arg7[%swap3A], %add3A_170 {strides = array<i32>} : memref<640xf32, #tpu.memory_space<vmem>>, vector<16xf32>,
    }
    %scan3A_161 = arith.constant 40 : i32
    %mul3A_162 = arith.constant 640 : i32
    %mul3A_163 = arith.muli %arg1, %mul3A_162 : i32
    "tpu.region"() ({
      %run_scoped3A_164 = tpu.sem_alloc : memref<!tpu.dma_semaphore, #tpu.memory_space<semaphore_mem>>
      %dma_start3A = tpu.memref_slice %arg3[%arg0, %mul3A_163] : memref<2x10240xf32, #tpu.memory_space<hbm>> -> memref<1x640xf32, #tpu.memory_space<hbm>>
      %dma_start3A_165 = tpu.memref_squeeze %dma_start3A : memref<1x640xf32, #tpu.memory_space<hbm>> -> memref<640xf32, #tpu.memory_space<hbm>>
      %dma_start3A_166 = tpu.memref_slice %arg3[%arg0, %mul3A_163] : memref<2x10240xf32, #tpu.memory_space<hbm>> -> memref<1x640xf32, #tpu.memory_space<hbm>>
      %dma_start3A_167 = tpu.memref_squeeze %dma_start3A_166 : memref<1x640xf32, #tpu.memory_space<hbm>> -> memref<640xf32, #tpu.memory_space<hbm>>
      tpu.enqueue_dma source(%arg7 : memref<640xf32, #tpu.memory_space<vmem>>) target(%dma_start3A_167 : memref<640xf32, #tpu.memory_space<hbm>>) target_semaphore(%run_scoped3A_164 : memref<!tpu.dma_semaphore, #tpu.memory_space<semaphore_mem>>)
      %dma_wait3A = tpu.memref_slice %arg3[%arg0, %mul3A_163] : memref<2x10240xf32, #tpu.memory_space<hbm>> -> memref<1x640xf32, #tpu.memory_space<hbm>>
      %dma_wait3A_168 = tpu.memref_squeeze %dma_wait3A : memref<1x640xf32, #tpu.memory_space<hbm>> -> memref<640xf32, #tpu.memory_space<hbm>>
      %dma_wait3A_169 = tpu.memref_slice %arg3[%arg0, %mul3A_163] : memref<2x10240xf32, #tpu.memory_space<hbm>> -> memref<1x640xf32, #tpu.memory_space<hbm>>
      %dma_wait3A_170 = tpu.memref_squeeze %dma_wait3A_169 : memref<1x640xf32, #tpu.memory_space<hbm>> -> memref<640xf32, #tpu.memory_space<hbm>>
      tpu.wait_dma2 semaphore(%run_scoped3A_164 : memref<!tpu.dma_semaphore, #tpu.memory_space<semaphore_mem>>) src(%arg7 : memref<640xf32, #tpu.memory_space<vmem>>) dst(%dma_wait3A_170 : memref<640xf32, #tpu.memory_space<hbm>>)
      tpu.yield
    }) : () -> ()
    return
  }
}

#map = affine_map<(d0, d1) -> (0, 0)>
#map1 = affine_map<(d0, d1) -> (0, 0, 0)>
module attributes {stable_mosaic.version = 14 : i64} {
  func.func @_segsum_body(%arg0: i32, %arg1: i32, %arg2: memref<10000x128xf32, #tpu.memory_space<hbm>>, %arg3: memref<32x128x80xi32, #tpu.memory_space<hbm>>, %arg4: memref<32x128x80xi32, #tpu.memory_space<hbm>>, %arg5: memref<640x128xf32, #tpu.memory_space<hbm>>, %arg6: memref<2x10240x128xf32, #tpu.memory_space<hbm>>, %arg7: memref<10240x128xf32, #tpu.memory_space<vmem_shared>>, %arg8: memref<1x80xi32, #tpu.memory_space<vmem>>, %arg9: memref<1x80xi32, #tpu.memory_space<vmem>>, %arg10: memref<1x80xi32, #tpu.memory_space<vmem>>, %arg11: memref<1x80xi32, #tpu.memory_space<vmem>>, %arg12: memref<!tpu.dma_semaphore, #tpu.memory_space<semaphore_mem>>, %arg13: memref<!tpu.dma_semaphore, #tpu.memory_space<semaphore_mem>>, %arg14: memref<!tpu.dma_semaphore, #tpu.memory_space<semaphore_mem>>, %arg15: memref<!tpu.dma_semaphore, #tpu.memory_space<semaphore_mem>>, %arg16: memref<!tpu.dma_semaphore, #tpu.memory_space<semaphore_mem>>, %arg17: memref<!tpu.dma_semaphore, #tpu.memory_space<semaphore_mem>>, %arg18: memref<!tpu.dma_semaphore, #tpu.memory_space<semaphore_mem>>, %arg19: memref<!tpu.dma_semaphore, #tpu.memory_space<semaphore_mem>>, %arg20: memref<80xi32, #tpu.memory_space<vmem>>, %arg21: memref<80xi32, #tpu.memory_space<vmem>>, %arg22: memref<80xi32, #tpu.memory_space<vmem>>, %arg23: memref<80xi32, #tpu.memory_space<vmem>>, %arg24: memref<80x128xf32, #tpu.memory_space<vmem>>, %arg25: memref<80x128xf32, #tpu.memory_space<vmem>>, %arg26: memref<80x128xf32, #tpu.memory_space<vmem>>, %arg27: memref<80x128xf32, #tpu.memory_space<vmem>>) attributes {dimension_semantics = [#tpu.dimension_semantics<core_parallel>, #tpu.dimension_semantics<subcore_parallel>], iteration_bounds = array<i64: 2, 16>, scalar_prefetch = 0 : i64, scratch_operands = 21 : i64, tpu.core_type = #tpu.core_type<sc_vector_subcore>, window_params = [{transform_indices = #map}, {transform_indices = #map1}, {transform_indices = #map1}, {transform_indices = #map}, {transform_indices = #map1}]} {
    %mul3A = arith.constant 2 : i32
    %mul3A_0 = arith.muli %arg1, %mul3A : i32
    %add3A = arith.addi %mul3A_0, %arg0 : i32
    %dma_start3A = arith.constant 0 : i32
    %dma_start3A_1 = arith.constant 0 : i32
    %dma_start3A_2 = tpu.memref_slice %arg3[%add3A, %dma_start3A, %dma_start3A_1] : memref<32x128x80xi32, #tpu.memory_space<hbm>> -> memref<1x1x80xi32, #tpu.memory_space<hbm>>
    %dma_start3A_3 = tpu.memref_squeeze %dma_start3A_2 : memref<1x1x80xi32, #tpu.memory_space<hbm>> -> memref<80xi32, #tpu.memory_space<hbm>>
    %dma_start3A_4 = arith.constant 0 : i32
    %dma_start3A_5 = tpu.memref_slice %arg3[%add3A, %dma_start3A, %dma_start3A_4] : memref<32x128x80xi32, #tpu.memory_space<hbm>> -> memref<1x1x80xi32, #tpu.memory_space<hbm>>
    %dma_start3A_6 = tpu.memref_squeeze %dma_start3A_5 : memref<1x1x80xi32, #tpu.memory_space<hbm>> -> memref<80xi32, #tpu.memory_space<hbm>>
    tpu.enqueue_dma source(%dma_start3A_6 : memref<80xi32, #tpu.memory_space<hbm>>) target(%arg20 : memref<80xi32, #tpu.memory_space<vmem>>) target_semaphore(%arg16 : memref<!tpu.dma_semaphore, #tpu.memory_space<semaphore_mem>>)
    %dma_start3A_7 = arith.constant 0 : i32
    %dma_start3A_8 = arith.constant 0 : i32
    %dma_start3A_9 = arith.constant 0 : i32
    %dma_start3A_10 = tpu.memref_slice %arg8[%dma_start3A_8, %dma_start3A_9] : memref<1x80xi32, #tpu.memory_space<vmem>> -> memref<1x80xi32, #tpu.memory_space<vmem>>
    %dma_start3A_11 = tpu.memref_squeeze %dma_start3A_10 : memref<1x80xi32, #tpu.memory_space<vmem>> -> memref<80xi32, #tpu.memory_space<vmem>>
    %dma_start3A_12 = arith.constant 0 : i32
    %dma_start3A_13 = tpu.memref_slice %arg4[%add3A, %dma_start3A_7, %dma_start3A_12] : memref<32x128x80xi32, #tpu.memory_space<hbm>> -> memref<1x1x80xi32, #tpu.memory_space<hbm>>
    %dma_start3A_14 = tpu.memref_squeeze %dma_start3A_13 : memref<1x1x80xi32, #tpu.memory_space<hbm>> -> memref<80xi32, #tpu.memory_space<hbm>>
    %dma_start3A_15 = arith.constant 0 : i32
    %dma_start3A_16 = tpu.memref_slice %arg8[%dma_start3A_8, %dma_start3A_15] : memref<1x80xi32, #tpu.memory_space<vmem>> -> memref<1x80xi32, #tpu.memory_space<vmem>>
    %dma_start3A_17 = tpu.memref_squeeze %dma_start3A_16 : memref<1x80xi32, #tpu.memory_space<vmem>> -> memref<80xi32, #tpu.memory_space<vmem>>
    %dma_start3A_18 = arith.constant 0 : i32
    %dma_start3A_19 = tpu.memref_slice %arg4[%add3A, %dma_start3A_7, %dma_start3A_18] : memref<32x128x80xi32, #tpu.memory_space<hbm>> -> memref<1x1x80xi32, #tpu.memory_space<hbm>>
    %dma_start3A_20 = tpu.memref_squeeze %dma_start3A_19 : memref<1x1x80xi32, #tpu.memory_space<hbm>> -> memref<80xi32, #tpu.memory_space<hbm>>
    tpu.enqueue_dma source(%dma_start3A_20 : memref<80xi32, #tpu.memory_space<hbm>>) target(%dma_start3A_17 : memref<80xi32, #tpu.memory_space<vmem>>) target_semaphore(%arg16 : memref<!tpu.dma_semaphore, #tpu.memory_space<semaphore_mem>>)
    %dma_start3A_21 = arith.constant 1 : i32
    %dma_start3A_22 = arith.constant 0 : i32
    %dma_start3A_23 = tpu.memref_slice %arg3[%add3A, %dma_start3A_21, %dma_start3A_22] : memref<32x128x80xi32, #tpu.memory_space<hbm>> -> memref<1x1x80xi32, #tpu.memory_space<hbm>>
    %dma_start3A_24 = tpu.memref_squeeze %dma_start3A_23 : memref<1x1x80xi32, #tpu.memory_space<hbm>> -> memref<80xi32, #tpu.memory_space<hbm>>
    %dma_start3A_25 = arith.constant 0 : i32
    %dma_start3A_26 = tpu.memref_slice %arg3[%add3A, %dma_start3A_21, %dma_start3A_25] : memref<32x128x80xi32, #tpu.memory_space<hbm>> -> memref<1x1x80xi32, #tpu.memory_space<hbm>>
    %dma_start3A_27 = tpu.memref_squeeze %dma_start3A_26 : memref<1x1x80xi32, #tpu.memory_space<hbm>> -> memref<80xi32, #tpu.memory_space<hbm>>
    tpu.enqueue_dma source(%dma_start3A_27 : memref<80xi32, #tpu.memory_space<hbm>>) target(%arg21 : memref<80xi32, #tpu.memory_space<vmem>>) target_semaphore(%arg17 : memref<!tpu.dma_semaphore, #tpu.memory_space<semaphore_mem>>)
    %dma_start3A_28 = arith.constant 1 : i32
    %dma_start3A_29 = arith.constant 0 : i32
    %dma_start3A_30 = arith.constant 0 : i32
    %dma_start3A_31 = tpu.memref_slice %arg9[%dma_start3A_29, %dma_start3A_30] : memref<1x80xi32, #tpu.memory_space<vmem>> -> memref<1x80xi32, #tpu.memory_space<vmem>>
    %dma_start3A_32 = tpu.memref_squeeze %dma_start3A_31 : memref<1x80xi32, #tpu.memory_space<vmem>> -> memref<80xi32, #tpu.memory_space<vmem>>
    %dma_start3A_33 = arith.constant 0 : i32
    %dma_start3A_34 = tpu.memref_slice %arg4[%add3A, %dma_start3A_28, %dma_start3A_33] : memref<32x128x80xi32, #tpu.memory_space<hbm>> -> memref<1x1x80xi32, #tpu.memory_space<hbm>>
    %dma_start3A_35 = tpu.memref_squeeze %dma_start3A_34 : memref<1x1x80xi32, #tpu.memory_space<hbm>> -> memref<80xi32, #tpu.memory_space<hbm>>
    %dma_start3A_36 = arith.constant 0 : i32
    %dma_start3A_37 = tpu.memref_slice %arg9[%dma_start3A_29, %dma_start3A_36] : memref<1x80xi32, #tpu.memory_space<vmem>> -> memref<1x80xi32, #tpu.memory_space<vmem>>
    %dma_start3A_38 = tpu.memref_squeeze %dma_start3A_37 : memref<1x80xi32, #tpu.memory_space<vmem>> -> memref<80xi32, #tpu.memory_space<vmem>>
    %dma_start3A_39 = arith.constant 0 : i32
    %dma_start3A_40 = tpu.memref_slice %arg4[%add3A, %dma_start3A_28, %dma_start3A_39] : memref<32x128x80xi32, #tpu.memory_space<hbm>> -> memref<1x1x80xi32, #tpu.memory_space<hbm>>
    %dma_start3A_41 = tpu.memref_squeeze %dma_start3A_40 : memref<1x1x80xi32, #tpu.memory_space<hbm>> -> memref<80xi32, #tpu.memory_space<hbm>>
    tpu.enqueue_dma source(%dma_start3A_41 : memref<80xi32, #tpu.memory_space<hbm>>) target(%dma_start3A_38 : memref<80xi32, #tpu.memory_space<vmem>>) target_semaphore(%arg17 : memref<!tpu.dma_semaphore, #tpu.memory_space<semaphore_mem>>)
    %dma_start3A_42 = arith.constant 2 : i32
    %dma_start3A_43 = arith.constant 0 : i32
    %dma_start3A_44 = tpu.memref_slice %arg3[%add3A, %dma_start3A_42, %dma_start3A_43] : memref<32x128x80xi32, #tpu.memory_space<hbm>> -> memref<1x1x80xi32, #tpu.memory_space<hbm>>
    %dma_start3A_45 = tpu.memref_squeeze %dma_start3A_44 : memref<1x1x80xi32, #tpu.memory_space<hbm>> -> memref<80xi32, #tpu.memory_space<hbm>>
    %dma_start3A_46 = arith.constant 0 : i32
    %dma_start3A_47 = tpu.memref_slice %arg3[%add3A, %dma_start3A_42, %dma_start3A_46] : memref<32x128x80xi32, #tpu.memory_space<hbm>> -> memref<1x1x80xi32, #tpu.memory_space<hbm>>
    %dma_start3A_48 = tpu.memref_squeeze %dma_start3A_47 : memref<1x1x80xi32, #tpu.memory_space<hbm>> -> memref<80xi32, #tpu.memory_space<hbm>>
    tpu.enqueue_dma source(%dma_start3A_48 : memref<80xi32, #tpu.memory_space<hbm>>) target(%arg22 : memref<80xi32, #tpu.memory_space<vmem>>) target_semaphore(%arg18 : memref<!tpu.dma_semaphore, #tpu.memory_space<semaphore_mem>>)
    %dma_start3A_49 = arith.constant 2 : i32
    %dma_start3A_50 = arith.constant 0 : i32
    %dma_start3A_51 = arith.constant 0 : i32
    %dma_start3A_52 = tpu.memref_slice %arg10[%dma_start3A_50, %dma_start3A_51] : memref<1x80xi32, #tpu.memory_space<vmem>> -> memref<1x80xi32, #tpu.memory_space<vmem>>
    %dma_start3A_53 = tpu.memref_squeeze %dma_start3A_52 : memref<1x80xi32, #tpu.memory_space<vmem>> -> memref<80xi32, #tpu.memory_space<vmem>>
    %dma_start3A_54 = arith.constant 0 : i32
    %dma_start3A_55 = tpu.memref_slice %arg4[%add3A, %dma_start3A_49, %dma_start3A_54] : memref<32x128x80xi32, #tpu.memory_space<hbm>> -> memref<1x1x80xi32, #tpu.memory_space<hbm>>
    %dma_start3A_56 = tpu.memref_squeeze %dma_start3A_55 : memref<1x1x80xi32, #tpu.memory_space<hbm>> -> memref<80xi32, #tpu.memory_space<hbm>>
    %dma_start3A_57 = arith.constant 0 : i32
    %dma_start3A_58 = tpu.memref_slice %arg10[%dma_start3A_50, %dma_start3A_57] : memref<1x80xi32, #tpu.memory_space<vmem>> -> memref<1x80xi32, #tpu.memory_space<vmem>>
    %dma_start3A_59 = tpu.memref_squeeze %dma_start3A_58 : memref<1x80xi32, #tpu.memory_space<vmem>> -> memref<80xi32, #tpu.memory_space<vmem>>
    %dma_start3A_60 = arith.constant 0 : i32
    %dma_start3A_61 = tpu.memref_slice %arg4[%add3A, %dma_start3A_49, %dma_start3A_60] : memref<32x128x80xi32, #tpu.memory_space<hbm>> -> memref<1x1x80xi32, #tpu.memory_space<hbm>>
    %dma_start3A_62 = tpu.memref_squeeze %dma_start3A_61 : memref<1x1x80xi32, #tpu.memory_space<hbm>> -> memref<80xi32, #tpu.memory_space<hbm>>
    tpu.enqueue_dma source(%dma_start3A_62 : memref<80xi32, #tpu.memory_space<hbm>>) target(%dma_start3A_59 : memref<80xi32, #tpu.memory_space<vmem>>) target_semaphore(%arg18 : memref<!tpu.dma_semaphore, #tpu.memory_space<semaphore_mem>>)
    %dma_start3A_63 = arith.constant 3 : i32
    %dma_start3A_64 = arith.constant 0 : i32
    %dma_start3A_65 = tpu.memref_slice %arg3[%add3A, %dma_start3A_63, %dma_start3A_64] : memref<32x128x80xi32, #tpu.memory_space<hbm>> -> memref<1x1x80xi32, #tpu.memory_space<hbm>>
    %dma_start3A_66 = tpu.memref_squeeze %dma_start3A_65 : memref<1x1x80xi32, #tpu.memory_space<hbm>> -> memref<80xi32, #tpu.memory_space<hbm>>
    %dma_start3A_67 = arith.constant 0 : i32
    %dma_start3A_68 = tpu.memref_slice %arg3[%add3A, %dma_start3A_63, %dma_start3A_67] : memref<32x128x80xi32, #tpu.memory_space<hbm>> -> memref<1x1x80xi32, #tpu.memory_space<hbm>>
    %dma_start3A_69 = tpu.memref_squeeze %dma_start3A_68 : memref<1x1x80xi32, #tpu.memory_space<hbm>> -> memref<80xi32, #tpu.memory_space<hbm>>
    tpu.enqueue_dma source(%dma_start3A_69 : memref<80xi32, #tpu.memory_space<hbm>>) target(%arg23 : memref<80xi32, #tpu.memory_space<vmem>>) target_semaphore(%arg19 : memref<!tpu.dma_semaphore, #tpu.memory_space<semaphore_mem>>)
    %dma_start3A_70 = arith.constant 3 : i32
    %dma_start3A_71 = arith.constant 0 : i32
    %dma_start3A_72 = arith.constant 0 : i32
    %dma_start3A_73 = tpu.memref_slice %arg11[%dma_start3A_71, %dma_start3A_72] : memref<1x80xi32, #tpu.memory_space<vmem>> -> memref<1x80xi32, #tpu.memory_space<vmem>>
    %dma_start3A_74 = tpu.memref_squeeze %dma_start3A_73 : memref<1x80xi32, #tpu.memory_space<vmem>> -> memref<80xi32, #tpu.memory_space<vmem>>
    %dma_start3A_75 = arith.constant 0 : i32
    %dma_start3A_76 = tpu.memref_slice %arg4[%add3A, %dma_start3A_70, %dma_start3A_75] : memref<32x128x80xi32, #tpu.memory_space<hbm>> -> memref<1x1x80xi32, #tpu.memory_space<hbm>>
    %dma_start3A_77 = tpu.memref_squeeze %dma_start3A_76 : memref<1x1x80xi32, #tpu.memory_space<hbm>> -> memref<80xi32, #tpu.memory_space<hbm>>
    %dma_start3A_78 = arith.constant 0 : i32
    %dma_start3A_79 = tpu.memref_slice %arg11[%dma_start3A_71, %dma_start3A_78] : memref<1x80xi32, #tpu.memory_space<vmem>> -> memref<1x80xi32, #tpu.memory_space<vmem>>
    %dma_start3A_80 = tpu.memref_squeeze %dma_start3A_79 : memref<1x80xi32, #tpu.memory_space<vmem>> -> memref<80xi32, #tpu.memory_space<vmem>>
    %dma_start3A_81 = arith.constant 0 : i32
    %dma_start3A_82 = tpu.memref_slice %arg4[%add3A, %dma_start3A_70, %dma_start3A_81] : memref<32x128x80xi32, #tpu.memory_space<hbm>> -> memref<1x1x80xi32, #tpu.memory_space<hbm>>
    %dma_start3A_83 = tpu.memref_squeeze %dma_start3A_82 : memref<1x1x80xi32, #tpu.memory_space<hbm>> -> memref<80xi32, #tpu.memory_space<hbm>>
    tpu.enqueue_dma source(%dma_start3A_83 : memref<80xi32, #tpu.memory_space<hbm>>) target(%dma_start3A_80 : memref<80xi32, #tpu.memory_space<vmem>>) target_semaphore(%arg19 : memref<!tpu.dma_semaphore, #tpu.memory_space<semaphore_mem>>)
    %dma_wait3A = arith.constant 0 : i32
    %dma_wait3A_84 = arith.constant 0 : i32
    %dma_wait3A_85 = tpu.memref_slice %arg3[%add3A, %dma_wait3A, %dma_wait3A_84] : memref<32x128x80xi32, #tpu.memory_space<hbm>> -> memref<1x1x80xi32, #tpu.memory_space<hbm>>
    %dma_wait3A_86 = tpu.memref_squeeze %dma_wait3A_85 : memref<1x1x80xi32, #tpu.memory_space<hbm>> -> memref<80xi32, #tpu.memory_space<hbm>>
    %dma_wait3A_87 = arith.constant 0 : i32
    %dma_wait3A_88 = tpu.memref_slice %arg3[%add3A, %dma_wait3A, %dma_wait3A_87] : memref<32x128x80xi32, #tpu.memory_space<hbm>> -> memref<1x1x80xi32, #tpu.memory_space<hbm>>
    %dma_wait3A_89 = tpu.memref_squeeze %dma_wait3A_88 : memref<1x1x80xi32, #tpu.memory_space<hbm>> -> memref<80xi32, #tpu.memory_space<hbm>>
    tpu.wait_dma2 semaphore(%arg16 : memref<!tpu.dma_semaphore, #tpu.memory_space<semaphore_mem>>) src(%dma_wait3A_89 : memref<80xi32, #tpu.memory_space<hbm>>) dst(%arg20 : memref<80xi32, #tpu.memory_space<vmem>>)
    %dma_wait3A_90 = arith.constant 0 : i32
    %dma_wait3A_91 = arith.constant 0 : i32
    %dma_wait3A_92 = arith.constant 0 : i32
    %dma_wait3A_93 = tpu.memref_slice %arg8[%dma_wait3A_91, %dma_wait3A_92] : memref<1x80xi32, #tpu.memory_space<vmem>> -> memref<1x80xi32, #tpu.memory_space<vmem>>
    %dma_wait3A_94 = tpu.memref_squeeze %dma_wait3A_93 : memref<1x80xi32, #tpu.memory_space<vmem>> -> memref<80xi32, #tpu.memory_space<vmem>>
    %dma_wait3A_95 = arith.constant 0 : i32
    %dma_wait3A_96 = tpu.memref_slice %arg4[%add3A, %dma_wait3A_90, %dma_wait3A_95] : memref<32x128x80xi32, #tpu.memory_space<hbm>> -> memref<1x1x80xi32, #tpu.memory_space<hbm>>
    %dma_wait3A_97 = tpu.memref_squeeze %dma_wait3A_96 : memref<1x1x80xi32, #tpu.memory_space<hbm>> -> memref<80xi32, #tpu.memory_space<hbm>>
    %dma_wait3A_98 = arith.constant 0 : i32
    %dma_wait3A_99 = tpu.memref_slice %arg8[%dma_wait3A_91, %dma_wait3A_98] : memref<1x80xi32, #tpu.memory_space<vmem>> -> memref<1x80xi32, #tpu.memory_space<vmem>>
    %dma_wait3A_100 = tpu.memref_squeeze %dma_wait3A_99 : memref<1x80xi32, #tpu.memory_space<vmem>> -> memref<80xi32, #tpu.memory_space<vmem>>
    %dma_wait3A_101 = arith.constant 0 : i32
    %dma_wait3A_102 = tpu.memref_slice %arg4[%add3A, %dma_wait3A_90, %dma_wait3A_101] : memref<32x128x80xi32, #tpu.memory_space<hbm>> -> memref<1x1x80xi32, #tpu.memory_space<hbm>>
    %dma_wait3A_103 = tpu.memref_squeeze %dma_wait3A_102 : memref<1x1x80xi32, #tpu.memory_space<hbm>> -> memref<80xi32, #tpu.memory_space<hbm>>
    tpu.wait_dma2 semaphore(%arg16 : memref<!tpu.dma_semaphore, #tpu.memory_space<semaphore_mem>>) src(%dma_wait3A_103 : memref<80xi32, #tpu.memory_space<hbm>>) dst(%dma_wait3A_100 : memref<80xi32, #tpu.memory_space<vmem>>)
    %dma_start3A_104 = arith.constant 0 : i32
    %dma_start3A_105 = arith.constant 0 : i32
    %dma_start3A_106 = tpu.memref_slice %arg2[%dma_start3A_104, %dma_start3A_105] : memref<10000x128xf32, #tpu.memory_space<hbm>> -> memref<10000x128xf32, #tpu.memory_space<hbm>>
    tpu.enqueue_indirect_dma source(%dma_start3A_106 : memref<10000x128xf32, #tpu.memory_space<hbm>>) target(%arg24 : memref<80x128xf32, #tpu.memory_space<vmem>>) offsets(%arg20 : memref<80xi32, #tpu.memory_space<vmem>>) semaphore(%arg12 : memref<!tpu.dma_semaphore, #tpu.memory_space<semaphore_mem>>)
    %dma_wait3A_107 = arith.constant 1 : i32
    %dma_wait3A_108 = arith.constant 0 : i32
    %dma_wait3A_109 = tpu.memref_slice %arg3[%add3A, %dma_wait3A_107, %dma_wait3A_108] : memref<32x128x80xi32, #tpu.memory_space<hbm>> -> memref<1x1x80xi32, #tpu.memory_space<hbm>>
    %dma_wait3A_110 = tpu.memref_squeeze %dma_wait3A_109 : memref<1x1x80xi32, #tpu.memory_space<hbm>> -> memref<80xi32, #tpu.memory_space<hbm>>
    %dma_wait3A_111 = arith.constant 0 : i32
    %dma_wait3A_112 = tpu.memref_slice %arg3[%add3A, %dma_wait3A_107, %dma_wait3A_111] : memref<32x128x80xi32, #tpu.memory_space<hbm>> -> memref<1x1x80xi32, #tpu.memory_space<hbm>>
    %dma_wait3A_113 = tpu.memref_squeeze %dma_wait3A_112 : memref<1x1x80xi32, #tpu.memory_space<hbm>> -> memref<80xi32, #tpu.memory_space<hbm>>
    tpu.wait_dma2 semaphore(%arg17 : memref<!tpu.dma_semaphore, #tpu.memory_space<semaphore_mem>>) src(%dma_wait3A_113 : memref<80xi32, #tpu.memory_space<hbm>>) dst(%arg21 : memref<80xi32, #tpu.memory_space<vmem>>)
    %dma_wait3A_114 = arith.constant 1 : i32
    %dma_wait3A_115 = arith.constant 0 : i32
    %dma_wait3A_116 = arith.constant 0 : i32
    %dma_wait3A_117 = tpu.memref_slice %arg9[%dma_wait3A_115, %dma_wait3A_116] : memref<1x80xi32, #tpu.memory_space<vmem>> -> memref<1x80xi32, #tpu.memory_space<vmem>>
    %dma_wait3A_118 = tpu.memref_squeeze %dma_wait3A_117 : memref<1x80xi32, #tpu.memory_space<vmem>> -> memref<80xi32, #tpu.memory_space<vmem>>
    %dma_wait3A_119 = arith.constant 0 : i32
    %dma_wait3A_120 = tpu.memref_slice %arg4[%add3A, %dma_wait3A_114, %dma_wait3A_119] : memref<32x128x80xi32, #tpu.memory_space<hbm>> -> memref<1x1x80xi32, #tpu.memory_space<hbm>>
    %dma_wait3A_121 = tpu.memref_squeeze %dma_wait3A_120 : memref<1x1x80xi32, #tpu.memory_space<hbm>> -> memref<80xi32, #tpu.memory_space<hbm>>
    %dma_wait3A_122 = arith.constant 0 : i32
    %dma_wait3A_123 = tpu.memref_slice %arg9[%dma_wait3A_115, %dma_wait3A_122] : memref<1x80xi32, #tpu.memory_space<vmem>> -> memref<1x80xi32, #tpu.memory_space<vmem>>
    %dma_wait3A_124 = tpu.memref_squeeze %dma_wait3A_123 : memref<1x80xi32, #tpu.memory_space<vmem>> -> memref<80xi32, #tpu.memory_space<vmem>>
    %dma_wait3A_125 = arith.constant 0 : i32
    %dma_wait3A_126 = tpu.memref_slice %arg4[%add3A, %dma_wait3A_114, %dma_wait3A_125] : memref<32x128x80xi32, #tpu.memory_space<hbm>> -> memref<1x1x80xi32, #tpu.memory_space<hbm>>
    %dma_wait3A_127 = tpu.memref_squeeze %dma_wait3A_126 : memref<1x1x80xi32, #tpu.memory_space<hbm>> -> memref<80xi32, #tpu.memory_space<hbm>>
    tpu.wait_dma2 semaphore(%arg17 : memref<!tpu.dma_semaphore, #tpu.memory_space<semaphore_mem>>) src(%dma_wait3A_127 : memref<80xi32, #tpu.memory_space<hbm>>) dst(%dma_wait3A_124 : memref<80xi32, #tpu.memory_space<vmem>>)
    %dma_start3A_128 = arith.constant 0 : i32
    %dma_start3A_129 = arith.constant 0 : i32
    %dma_start3A_130 = tpu.memref_slice %arg2[%dma_start3A_128, %dma_start3A_129] : memref<10000x128xf32, #tpu.memory_space<hbm>> -> memref<10000x128xf32, #tpu.memory_space<hbm>>
    tpu.enqueue_indirect_dma source(%dma_start3A_130 : memref<10000x128xf32, #tpu.memory_space<hbm>>) target(%arg25 : memref<80x128xf32, #tpu.memory_space<vmem>>) offsets(%arg21 : memref<80xi32, #tpu.memory_space<vmem>>) semaphore(%arg13 : memref<!tpu.dma_semaphore, #tpu.memory_space<semaphore_mem>>)
    %dma_wait3A_131 = arith.constant 2 : i32
    %dma_wait3A_132 = arith.constant 0 : i32
    %dma_wait3A_133 = tpu.memref_slice %arg3[%add3A, %dma_wait3A_131, %dma_wait3A_132] : memref<32x128x80xi32, #tpu.memory_space<hbm>> -> memref<1x1x80xi32, #tpu.memory_space<hbm>>
    %dma_wait3A_134 = tpu.memref_squeeze %dma_wait3A_133 : memref<1x1x80xi32, #tpu.memory_space<hbm>> -> memref<80xi32, #tpu.memory_space<hbm>>
    %dma_wait3A_135 = arith.constant 0 : i32
    %dma_wait3A_136 = tpu.memref_slice %arg3[%add3A, %dma_wait3A_131, %dma_wait3A_135] : memref<32x128x80xi32, #tpu.memory_space<hbm>> -> memref<1x1x80xi32, #tpu.memory_space<hbm>>
    %dma_wait3A_137 = tpu.memref_squeeze %dma_wait3A_136 : memref<1x1x80xi32, #tpu.memory_space<hbm>> -> memref<80xi32, #tpu.memory_space<hbm>>
    tpu.wait_dma2 semaphore(%arg18 : memref<!tpu.dma_semaphore, #tpu.memory_space<semaphore_mem>>) src(%dma_wait3A_137 : memref<80xi32, #tpu.memory_space<hbm>>) dst(%arg22 : memref<80xi32, #tpu.memory_space<vmem>>)
    %dma_wait3A_138 = arith.constant 2 : i32
    %dma_wait3A_139 = arith.constant 0 : i32
    %dma_wait3A_140 = arith.constant 0 : i32
    %dma_wait3A_141 = tpu.memref_slice %arg10[%dma_wait3A_139, %dma_wait3A_140] : memref<1x80xi32, #tpu.memory_space<vmem>> -> memref<1x80xi32, #tpu.memory_space<vmem>>
    %dma_wait3A_142 = tpu.memref_squeeze %dma_wait3A_141 : memref<1x80xi32, #tpu.memory_space<vmem>> -> memref<80xi32, #tpu.memory_space<vmem>>
    %dma_wait3A_143 = arith.constant 0 : i32
    %dma_wait3A_144 = tpu.memref_slice %arg4[%add3A, %dma_wait3A_138, %dma_wait3A_143] : memref<32x128x80xi32, #tpu.memory_space<hbm>> -> memref<1x1x80xi32, #tpu.memory_space<hbm>>
    %dma_wait3A_145 = tpu.memref_squeeze %dma_wait3A_144 : memref<1x1x80xi32, #tpu.memory_space<hbm>> -> memref<80xi32, #tpu.memory_space<hbm>>
    %dma_wait3A_146 = arith.constant 0 : i32
    %dma_wait3A_147 = tpu.memref_slice %arg10[%dma_wait3A_139, %dma_wait3A_146] : memref<1x80xi32, #tpu.memory_space<vmem>> -> memref<1x80xi32, #tpu.memory_space<vmem>>
    %dma_wait3A_148 = tpu.memref_squeeze %dma_wait3A_147 : memref<1x80xi32, #tpu.memory_space<vmem>> -> memref<80xi32, #tpu.memory_space<vmem>>
    %dma_wait3A_149 = arith.constant 0 : i32
    %dma_wait3A_150 = tpu.memref_slice %arg4[%add3A, %dma_wait3A_138, %dma_wait3A_149] : memref<32x128x80xi32, #tpu.memory_space<hbm>> -> memref<1x1x80xi32, #tpu.memory_space<hbm>>
    %dma_wait3A_151 = tpu.memref_squeeze %dma_wait3A_150 : memref<1x1x80xi32, #tpu.memory_space<hbm>> -> memref<80xi32, #tpu.memory_space<hbm>>
    tpu.wait_dma2 semaphore(%arg18 : memref<!tpu.dma_semaphore, #tpu.memory_space<semaphore_mem>>) src(%dma_wait3A_151 : memref<80xi32, #tpu.memory_space<hbm>>) dst(%dma_wait3A_148 : memref<80xi32, #tpu.memory_space<vmem>>)
    %dma_start3A_152 = arith.constant 0 : i32
    %dma_start3A_153 = arith.constant 0 : i32
    %dma_start3A_154 = tpu.memref_slice %arg2[%dma_start3A_152, %dma_start3A_153] : memref<10000x128xf32, #tpu.memory_space<hbm>> -> memref<10000x128xf32, #tpu.memory_space<hbm>>
    tpu.enqueue_indirect_dma source(%dma_start3A_154 : memref<10000x128xf32, #tpu.memory_space<hbm>>) target(%arg26 : memref<80x128xf32, #tpu.memory_space<vmem>>) offsets(%arg22 : memref<80xi32, #tpu.memory_space<vmem>>) semaphore(%arg14 : memref<!tpu.dma_semaphore, #tpu.memory_space<semaphore_mem>>)
    %mul3A_155 = arith.constant 640 : i32
    %mul3A_156 = arith.muli %arg1, %mul3A_155 : i32
    "tpu.region"() ({
      %run_scoped3A = tpu.sem_alloc : memref<!tpu.dma_semaphore, #tpu.memory_space<semaphore_mem>>
      %dma_start3A_167 = arith.constant 0 : i32
      %dma_start3A_168 = tpu.memref_slice %arg7[%mul3A_156, %dma_start3A_167] : memref<10240x128xf32, #tpu.memory_space<vmem_shared>> -> memref<640x128xf32, #tpu.memory_space<vmem_shared>>
      tpu.enqueue_dma source(%arg5 : memref<640x128xf32, #tpu.memory_space<hbm>>) target(%dma_start3A_168 : memref<640x128xf32, #tpu.memory_space<vmem_shared>>) target_semaphore(%run_scoped3A : memref<!tpu.dma_semaphore, #tpu.memory_space<semaphore_mem>>)
      %dma_wait3A_169 = arith.constant 0 : i32
      %dma_wait3A_170 = tpu.memref_slice %arg7[%mul3A_156, %dma_wait3A_169] : memref<10240x128xf32, #tpu.memory_space<vmem_shared>> -> memref<640x128xf32, #tpu.memory_space<vmem_shared>>
      tpu.wait_dma2 semaphore(%run_scoped3A : memref<!tpu.dma_semaphore, #tpu.memory_space<semaphore_mem>>) src(%arg5 : memref<640x128xf32, #tpu.memory_space<hbm>>) dst(%dma_wait3A_170 : memref<640x128xf32, #tpu.memory_space<vmem_shared>>)
      tpu.yield
    }) : () -> ()
    %barrier3A = arith.constant 0 : index
    tpu.barrier barrier_id(%barrier3A)
    %scan3A = arith.constant 0 : i32
    %scan3A_157 = arith.constant 0 : i32
    %scan3A_158 = arith.constant 32 : i32
    %scan3A_159 = arith.addi %scan3A_157, %scan3A_158 : i32
    %scan3A_160 = arith.constant 1 : i32
    scf.for %scan3A_167 = %scan3A_157 to %scan3A_159 step %scan3A_160  : i32 {
      %mul3A_168 = arith.constant 4 : i32
      %mul3A_169 = arith.muli %scan3A_167, %mul3A_168 : i32
      %add3A_170 = arith.constant 0 : i32
      %add3A_171 = arith.addi %mul3A_169, %add3A_170 : i32
      %dma_wait3A_172 = arith.constant 0 : i32
      %dma_wait3A_173 = arith.constant 0 : i32
      %dma_wait3A_174 = tpu.memref_slice %arg2[%dma_wait3A_172, %dma_wait3A_173] : memref<10000x128xf32, #tpu.memory_space<hbm>> -> memref<10000x128xf32, #tpu.memory_space<hbm>>
      tpu.wait_indirect_dma semaphore(%arg12 : memref<!tpu.dma_semaphore, #tpu.memory_space<semaphore_mem>>) src(%dma_wait3A_174 : memref<10000x128xf32, #tpu.memory_space<hbm>>) dst(%arg24 : memref<80x128xf32, #tpu.memory_space<vmem>>)
      %run_scoped3A = arith.constant 0 : i32
      "tpu.region"() ({
        %run_scoped3A_252 = tpu.sem_alloc : memref<!tpu.dma_semaphore, #tpu.memory_space<semaphore_mem>>
        %dma_start3A_253 = arith.constant 0 : i32
        %dma_start3A_254 = tpu.memref_slice %arg8[%run_scoped3A, %dma_start3A_253] : memref<1x80xi32, #tpu.memory_space<vmem>> -> memref<1x80xi32, #tpu.memory_space<vmem>>
        %dma_start3A_255 = tpu.memref_squeeze %dma_start3A_254 : memref<1x80xi32, #tpu.memory_space<vmem>> -> memref<80xi32, #tpu.memory_space<vmem>>
        %dma_start3A_256 = arith.constant 0 : i32
        %dma_start3A_257 = arith.constant 0 : i32
        %dma_start3A_258 = tpu.memref_slice %arg7[%dma_start3A_256, %dma_start3A_257] : memref<10240x128xf32, #tpu.memory_space<vmem_shared>> -> memref<10240x128xf32, #tpu.memory_space<vmem_shared>>
        tpu.enqueue_indirect_dma source(%arg24 : memref<80x128xf32, #tpu.memory_space<vmem>>) target(%dma_start3A_258 : memref<10240x128xf32, #tpu.memory_space<vmem_shared>>) offsets(%dma_start3A_255 : memref<80xi32, #tpu.memory_space<vmem>>) semaphore(%run_scoped3A_252 : memref<!tpu.dma_semaphore, #tpu.memory_space<semaphore_mem>>) {add = true}
        %dma_wait3A_259 = arith.constant 0 : i32
        %dma_wait3A_260 = tpu.memref_slice %arg8[%run_scoped3A, %dma_wait3A_259] : memref<1x80xi32, #tpu.memory_space<vmem>> -> memref<1x80xi32, #tpu.memory_space<vmem>>
        %dma_wait3A_261 = tpu.memref_squeeze %dma_wait3A_260 : memref<1x80xi32, #tpu.memory_space<vmem>> -> memref<80xi32, #tpu.memory_space<vmem>>
        %dma_wait3A_262 = arith.constant 0 : i32
        %dma_wait3A_263 = arith.constant 0 : i32
        %dma_wait3A_264 = tpu.memref_slice %arg7[%dma_wait3A_262, %dma_wait3A_263] : memref<10240x128xf32, #tpu.memory_space<vmem_shared>> -> memref<10240x128xf32, #tpu.memory_space<vmem_shared>>
        tpu.wait_indirect_dma semaphore(%run_scoped3A_252 : memref<!tpu.dma_semaphore, #tpu.memory_space<semaphore_mem>>) src(%arg24 : memref<80x128xf32, #tpu.memory_space<vmem>>) dst(%dma_wait3A_264 : memref<10240x128xf32, #tpu.memory_space<vmem_shared>>)
        tpu.yield
      }) : () -> ()
      %add3A_175 = arith.constant 4 : i32
      %add3A_176 = arith.addi %add3A_171, %add3A_175 : i32
      %lt3A = arith.constant 128 : i32
      %lt3A_177 = arith.cmpi slt, %add3A_176, %lt3A : i32
      %convert_element_type3A = arith.extui %lt3A_177 : i1 to i32
      %cond3A = arith.constant 0 : i32
      %cond3A_178 = arith.cmpi ne, %convert_element_type3A, %cond3A : i32
      scf.if %cond3A_178 {
        %add3A_252 = arith.constant 4 : i32
        %add3A_253 = arith.addi %add3A_171, %add3A_252 : i32
        %dma_start3A_254 = arith.constant 0 : i32
        %dma_start3A_255 = tpu.memref_slice %arg3[%add3A, %add3A_253, %dma_start3A_254] : memref<32x128x80xi32, #tpu.memory_space<hbm>> -> memref<1x1x80xi32, #tpu.memory_space<hbm>>
        %dma_start3A_256 = tpu.memref_squeeze %dma_start3A_255 : memref<1x1x80xi32, #tpu.memory_space<hbm>> -> memref<80xi32, #tpu.memory_space<hbm>>
        %dma_start3A_257 = arith.constant 0 : i32
        %dma_start3A_258 = tpu.memref_slice %arg3[%add3A, %add3A_253, %dma_start3A_257] : memref<32x128x80xi32, #tpu.memory_space<hbm>> -> memref<1x1x80xi32, #tpu.memory_space<hbm>>
        %dma_start3A_259 = tpu.memref_squeeze %dma_start3A_258 : memref<1x1x80xi32, #tpu.memory_space<hbm>> -> memref<80xi32, #tpu.memory_space<hbm>>
        tpu.enqueue_dma source(%dma_start3A_259 : memref<80xi32, #tpu.memory_space<hbm>>) target(%arg20 : memref<80xi32, #tpu.memory_space<vmem>>) target_semaphore(%arg16 : memref<!tpu.dma_semaphore, #tpu.memory_space<semaphore_mem>>)
        %dma_start3A_260 = arith.constant 0 : i32
        %dma_start3A_261 = arith.constant 0 : i32
        %dma_start3A_262 = tpu.memref_slice %arg8[%dma_start3A_260, %dma_start3A_261] : memref<1x80xi32, #tpu.memory_space<vmem>> -> memref<1x80xi32, #tpu.memory_space<vmem>>
        %dma_start3A_263 = tpu.memref_squeeze %dma_start3A_262 : memref<1x80xi32, #tpu.memory_space<vmem>> -> memref<80xi32, #tpu.memory_space<vmem>>
        %dma_start3A_264 = arith.constant 0 : i32
        %dma_start3A_265 = tpu.memref_slice %arg4[%add3A, %add3A_253, %dma_start3A_264] : memref<32x128x80xi32, #tpu.memory_space<hbm>> -> memref<1x1x80xi32, #tpu.memory_space<hbm>>
        %dma_start3A_266 = tpu.memref_squeeze %dma_start3A_265 : memref<1x1x80xi32, #tpu.memory_space<hbm>> -> memref<80xi32, #tpu.memory_space<hbm>>
        %dma_start3A_267 = arith.constant 0 : i32
        %dma_start3A_268 = tpu.memref_slice %arg8[%dma_start3A_260, %dma_start3A_267] : memref<1x80xi32, #tpu.memory_space<vmem>> -> memref<1x80xi32, #tpu.memory_space<vmem>>
        %dma_start3A_269 = tpu.memref_squeeze %dma_start3A_268 : memref<1x80xi32, #tpu.memory_space<vmem>> -> memref<80xi32, #tpu.memory_space<vmem>>
        %dma_start3A_270 = arith.constant 0 : i32
        %dma_start3A_271 = tpu.memref_slice %arg4[%add3A, %add3A_253, %dma_start3A_270] : memref<32x128x80xi32, #tpu.memory_space<hbm>> -> memref<1x1x80xi32, #tpu.memory_space<hbm>>
        %dma_start3A_272 = tpu.memref_squeeze %dma_start3A_271 : memref<1x1x80xi32, #tpu.memory_space<hbm>> -> memref<80xi32, #tpu.memory_space<hbm>>
        tpu.enqueue_dma source(%dma_start3A_272 : memref<80xi32, #tpu.memory_space<hbm>>) target(%dma_start3A_269 : memref<80xi32, #tpu.memory_space<vmem>>) target_semaphore(%arg16 : memref<!tpu.dma_semaphore, #tpu.memory_space<semaphore_mem>>)
      } else {
      }
      %add3A_179 = arith.constant 3 : i32
      %add3A_180 = arith.addi %add3A_171, %add3A_179 : i32
      %lt3A_181 = arith.constant 128 : i32
      %lt3A_182 = arith.cmpi slt, %add3A_180, %lt3A_181 : i32
      %convert_element_type3A_183 = arith.extui %lt3A_182 : i1 to i32
      %cond3A_184 = arith.constant 0 : i32
      %cond3A_185 = arith.cmpi ne, %convert_element_type3A_183, %cond3A_184 : i32
      scf.if %cond3A_185 {
        %add3A_252 = arith.constant 3 : i32
        %add3A_253 = arith.addi %add3A_171, %add3A_252 : i32
        %dma_wait3A_254 = arith.constant 0 : i32
        %dma_wait3A_255 = tpu.memref_slice %arg3[%add3A, %add3A_253, %dma_wait3A_254] : memref<32x128x80xi32, #tpu.memory_space<hbm>> -> memref<1x1x80xi32, #tpu.memory_space<hbm>>
        %dma_wait3A_256 = tpu.memref_squeeze %dma_wait3A_255 : memref<1x1x80xi32, #tpu.memory_space<hbm>> -> memref<80xi32, #tpu.memory_space<hbm>>
        %dma_wait3A_257 = arith.constant 0 : i32
        %dma_wait3A_258 = tpu.memref_slice %arg3[%add3A, %add3A_253, %dma_wait3A_257] : memref<32x128x80xi32, #tpu.memory_space<hbm>> -> memref<1x1x80xi32, #tpu.memory_space<hbm>>
        %dma_wait3A_259 = tpu.memref_squeeze %dma_wait3A_258 : memref<1x1x80xi32, #tpu.memory_space<hbm>> -> memref<80xi32, #tpu.memory_space<hbm>>
        tpu.wait_dma2 semaphore(%arg19 : memref<!tpu.dma_semaphore, #tpu.memory_space<semaphore_mem>>) src(%dma_wait3A_259 : memref<80xi32, #tpu.memory_space<hbm>>) dst(%arg23 : memref<80xi32, #tpu.memory_space<vmem>>)
        %dma_wait3A_260 = arith.constant 0 : i32
        %dma_wait3A_261 = arith.constant 0 : i32
        %dma_wait3A_262 = tpu.memref_slice %arg11[%dma_wait3A_260, %dma_wait3A_261] : memref<1x80xi32, #tpu.memory_space<vmem>> -> memref<1x80xi32, #tpu.memory_space<vmem>>
        %dma_wait3A_263 = tpu.memref_squeeze %dma_wait3A_262 : memref<1x80xi32, #tpu.memory_space<vmem>> -> memref<80xi32, #tpu.memory_space<vmem>>
        %dma_wait3A_264 = arith.constant 0 : i32
        %dma_wait3A_265 = tpu.memref_slice %arg4[%add3A, %add3A_253, %dma_wait3A_264] : memref<32x128x80xi32, #tpu.memory_space<hbm>> -> memref<1x1x80xi32, #tpu.memory_space<hbm>>
        %dma_wait3A_266 = tpu.memref_squeeze %dma_wait3A_265 : memref<1x1x80xi32, #tpu.memory_space<hbm>> -> memref<80xi32, #tpu.memory_space<hbm>>
        %dma_wait3A_267 = arith.constant 0 : i32
        %dma_wait3A_268 = tpu.memref_slice %arg11[%dma_wait3A_260, %dma_wait3A_267] : memref<1x80xi32, #tpu.memory_space<vmem>> -> memref<1x80xi32, #tpu.memory_space<vmem>>
        %dma_wait3A_269 = tpu.memref_squeeze %dma_wait3A_268 : memref<1x80xi32, #tpu.memory_space<vmem>> -> memref<80xi32, #tpu.memory_space<vmem>>
        %dma_wait3A_270 = arith.constant 0 : i32
        %dma_wait3A_271 = tpu.memref_slice %arg4[%add3A, %add3A_253, %dma_wait3A_270] : memref<32x128x80xi32, #tpu.memory_space<hbm>> -> memref<1x1x80xi32, #tpu.memory_space<hbm>>
        %dma_wait3A_272 = tpu.memref_squeeze %dma_wait3A_271 : memref<1x1x80xi32, #tpu.memory_space<hbm>> -> memref<80xi32, #tpu.memory_space<hbm>>
        tpu.wait_dma2 semaphore(%arg19 : memref<!tpu.dma_semaphore, #tpu.memory_space<semaphore_mem>>) src(%dma_wait3A_272 : memref<80xi32, #tpu.memory_space<hbm>>) dst(%dma_wait3A_269 : memref<80xi32, #tpu.memory_space<vmem>>)
        %add3A_273 = arith.constant 3 : i32
        %add3A_274 = arith.addi %add3A_171, %add3A_273 : i32
        %dma_start3A_275 = arith.constant 0 : i32
        %dma_start3A_276 = arith.constant 0 : i32
        %dma_start3A_277 = tpu.memref_slice %arg2[%dma_start3A_275, %dma_start3A_276] : memref<10000x128xf32, #tpu.memory_space<hbm>> -> memref<10000x128xf32, #tpu.memory_space<hbm>>
        tpu.enqueue_indirect_dma source(%dma_start3A_277 : memref<10000x128xf32, #tpu.memory_space<hbm>>) target(%arg27 : memref<80x128xf32, #tpu.memory_space<vmem>>) offsets(%arg23 : memref<80xi32, #tpu.memory_space<vmem>>) semaphore(%arg15 : memref<!tpu.dma_semaphore, #tpu.memory_space<semaphore_mem>>)
      } else {
      }
      %mul3A_186 = arith.constant 4 : i32
      %mul3A_187 = arith.muli %scan3A_167, %mul3A_186 : i32
      %add3A_188 = arith.constant 1 : i32
      %add3A_189 = arith.addi %mul3A_187, %add3A_188 : i32
      %dma_wait3A_190 = arith.constant 0 : i32
      %dma_wait3A_191 = arith.constant 0 : i32
      %dma_wait3A_192 = tpu.memref_slice %arg2[%dma_wait3A_190, %dma_wait3A_191] : memref<10000x128xf32, #tpu.memory_space<hbm>> -> memref<10000x128xf32, #tpu.memory_space<hbm>>
      tpu.wait_indirect_dma semaphore(%arg13 : memref<!tpu.dma_semaphore, #tpu.memory_space<semaphore_mem>>) src(%dma_wait3A_192 : memref<10000x128xf32, #tpu.memory_space<hbm>>) dst(%arg25 : memref<80x128xf32, #tpu.memory_space<vmem>>)
      %run_scoped3A_193 = arith.constant 0 : i32
      "tpu.region"() ({
        %run_scoped3A_252 = tpu.sem_alloc : memref<!tpu.dma_semaphore, #tpu.memory_space<semaphore_mem>>
        %dma_start3A_253 = arith.constant 0 : i32
        %dma_start3A_254 = tpu.memref_slice %arg9[%run_scoped3A_193, %dma_start3A_253] : memref<1x80xi32, #tpu.memory_space<vmem>> -> memref<1x80xi32, #tpu.memory_space<vmem>>
        %dma_start3A_255 = tpu.memref_squeeze %dma_start3A_254 : memref<1x80xi32, #tpu.memory_space<vmem>> -> memref<80xi32, #tpu.memory_space<vmem>>
        %dma_start3A_256 = arith.constant 0 : i32
        %dma_start3A_257 = arith.constant 0 : i32
        %dma_start3A_258 = tpu.memref_slice %arg7[%dma_start3A_256, %dma_start3A_257] : memref<10240x128xf32, #tpu.memory_space<vmem_shared>> -> memref<10240x128xf32, #tpu.memory_space<vmem_shared>>
        tpu.enqueue_indirect_dma source(%arg25 : memref<80x128xf32, #tpu.memory_space<vmem>>) target(%dma_start3A_258 : memref<10240x128xf32, #tpu.memory_space<vmem_shared>>) offsets(%dma_start3A_255 : memref<80xi32, #tpu.memory_space<vmem>>) semaphore(%run_scoped3A_252 : memref<!tpu.dma_semaphore, #tpu.memory_space<semaphore_mem>>) {add = true}
        %dma_wait3A_259 = arith.constant 0 : i32
        %dma_wait3A_260 = tpu.memref_slice %arg9[%run_scoped3A_193, %dma_wait3A_259] : memref<1x80xi32, #tpu.memory_space<vmem>> -> memref<1x80xi32, #tpu.memory_space<vmem>>
        %dma_wait3A_261 = tpu.memref_squeeze %dma_wait3A_260 : memref<1x80xi32, #tpu.memory_space<vmem>> -> memref<80xi32, #tpu.memory_space<vmem>>
        %dma_wait3A_262 = arith.constant 0 : i32
        %dma_wait3A_263 = arith.constant 0 : i32
        %dma_wait3A_264 = tpu.memref_slice %arg7[%dma_wait3A_262, %dma_wait3A_263] : memref<10240x128xf32, #tpu.memory_space<vmem_shared>> -> memref<10240x128xf32, #tpu.memory_space<vmem_shared>>
        tpu.wait_indirect_dma semaphore(%run_scoped3A_252 : memref<!tpu.dma_semaphore, #tpu.memory_space<semaphore_mem>>) src(%arg25 : memref<80x128xf32, #tpu.memory_space<vmem>>) dst(%dma_wait3A_264 : memref<10240x128xf32, #tpu.memory_space<vmem_shared>>)
        tpu.yield
      }) : () -> ()
      %add3A_194 = arith.constant 4 : i32
      %add3A_195 = arith.addi %add3A_189, %add3A_194 : i32
      %lt3A_196 = arith.constant 128 : i32
      %lt3A_197 = arith.cmpi slt, %add3A_195, %lt3A_196 : i32
      %convert_element_type3A_198 = arith.extui %lt3A_197 : i1 to i32
      %cond3A_199 = arith.constant 0 : i32
      %cond3A_200 = arith.cmpi ne, %convert_element_type3A_198, %cond3A_199 : i32
      scf.if %cond3A_200 {
        %add3A_252 = arith.constant 4 : i32
        %add3A_253 = arith.addi %add3A_189, %add3A_252 : i32
        %dma_start3A_254 = arith.constant 0 : i32
        %dma_start3A_255 = tpu.memref_slice %arg3[%add3A, %add3A_253, %dma_start3A_254] : memref<32x128x80xi32, #tpu.memory_space<hbm>> -> memref<1x1x80xi32, #tpu.memory_space<hbm>>
        %dma_start3A_256 = tpu.memref_squeeze %dma_start3A_255 : memref<1x1x80xi32, #tpu.memory_space<hbm>> -> memref<80xi32, #tpu.memory_space<hbm>>
        %dma_start3A_257 = arith.constant 0 : i32
        %dma_start3A_258 = tpu.memref_slice %arg3[%add3A, %add3A_253, %dma_start3A_257] : memref<32x128x80xi32, #tpu.memory_space<hbm>> -> memref<1x1x80xi32, #tpu.memory_space<hbm>>
        %dma_start3A_259 = tpu.memref_squeeze %dma_start3A_258 : memref<1x1x80xi32, #tpu.memory_space<hbm>> -> memref<80xi32, #tpu.memory_space<hbm>>
        tpu.enqueue_dma source(%dma_start3A_259 : memref<80xi32, #tpu.memory_space<hbm>>) target(%arg21 : memref<80xi32, #tpu.memory_space<vmem>>) target_semaphore(%arg17 : memref<!tpu.dma_semaphore, #tpu.memory_space<semaphore_mem>>)
        %dma_start3A_260 = arith.constant 0 : i32
        %dma_start3A_261 = arith.constant 0 : i32
        %dma_start3A_262 = tpu.memref_slice %arg9[%dma_start3A_260, %dma_start3A_261] : memref<1x80xi32, #tpu.memory_space<vmem>> -> memref<1x80xi32, #tpu.memory_space<vmem>>
        %dma_start3A_263 = tpu.memref_squeeze %dma_start3A_262 : memref<1x80xi32, #tpu.memory_space<vmem>> -> memref<80xi32, #tpu.memory_space<vmem>>
        %dma_start3A_264 = arith.constant 0 : i32
        %dma_start3A_265 = tpu.memref_slice %arg4[%add3A, %add3A_253, %dma_start3A_264] : memref<32x128x80xi32, #tpu.memory_space<hbm>> -> memref<1x1x80xi32, #tpu.memory_space<hbm>>
        %dma_start3A_266 = tpu.memref_squeeze %dma_start3A_265 : memref<1x1x80xi32, #tpu.memory_space<hbm>> -> memref<80xi32, #tpu.memory_space<hbm>>
        %dma_start3A_267 = arith.constant 0 : i32
        %dma_start3A_268 = tpu.memref_slice %arg9[%dma_start3A_260, %dma_start3A_267] : memref<1x80xi32, #tpu.memory_space<vmem>> -> memref<1x80xi32, #tpu.memory_space<vmem>>
        %dma_start3A_269 = tpu.memref_squeeze %dma_start3A_268 : memref<1x80xi32, #tpu.memory_space<vmem>> -> memref<80xi32, #tpu.memory_space<vmem>>
        %dma_start3A_270 = arith.constant 0 : i32
        %dma_start3A_271 = tpu.memref_slice %arg4[%add3A, %add3A_253, %dma_start3A_270] : memref<32x128x80xi32, #tpu.memory_space<hbm>> -> memref<1x1x80xi32, #tpu.memory_space<hbm>>
        %dma_start3A_272 = tpu.memref_squeeze %dma_start3A_271 : memref<1x1x80xi32, #tpu.memory_space<hbm>> -> memref<80xi32, #tpu.memory_space<hbm>>
        tpu.enqueue_dma source(%dma_start3A_272 : memref<80xi32, #tpu.memory_space<hbm>>) target(%dma_start3A_269 : memref<80xi32, #tpu.memory_space<vmem>>) target_semaphore(%arg17 : memref<!tpu.dma_semaphore, #tpu.memory_space<semaphore_mem>>)
      } else {
      }
      %add3A_201 = arith.constant 3 : i32
      %add3A_202 = arith.addi %add3A_189, %add3A_201 : i32
      %lt3A_203 = arith.constant 128 : i32
      %lt3A_204 = arith.cmpi slt, %add3A_202, %lt3A_203 : i32
      %convert_element_type3A_205 = arith.extui %lt3A_204 : i1 to i32
      %cond3A_206 = arith.constant 0 : i32
      %cond3A_207 = arith.cmpi ne, %convert_element_type3A_205, %cond3A_206 : i32
      scf.if %cond3A_207 {
        %add3A_252 = arith.constant 3 : i32
        %add3A_253 = arith.addi %add3A_189, %add3A_252 : i32
        %dma_wait3A_254 = arith.constant 0 : i32
        %dma_wait3A_255 = tpu.memref_slice %arg3[%add3A, %add3A_253, %dma_wait3A_254] : memref<32x128x80xi32, #tpu.memory_space<hbm>> -> memref<1x1x80xi32, #tpu.memory_space<hbm>>
        %dma_wait3A_256 = tpu.memref_squeeze %dma_wait3A_255 : memref<1x1x80xi32, #tpu.memory_space<hbm>> -> memref<80xi32, #tpu.memory_space<hbm>>
        %dma_wait3A_257 = arith.constant 0 : i32
        %dma_wait3A_258 = tpu.memref_slice %arg3[%add3A, %add3A_253, %dma_wait3A_257] : memref<32x128x80xi32, #tpu.memory_space<hbm>> -> memref<1x1x80xi32, #tpu.memory_space<hbm>>
        %dma_wait3A_259 = tpu.memref_squeeze %dma_wait3A_258 : memref<1x1x80xi32, #tpu.memory_space<hbm>> -> memref<80xi32, #tpu.memory_space<hbm>>
        tpu.wait_dma2 semaphore(%arg16 : memref<!tpu.dma_semaphore, #tpu.memory_space<semaphore_mem>>) src(%dma_wait3A_259 : memref<80xi32, #tpu.memory_space<hbm>>) dst(%arg20 : memref<80xi32, #tpu.memory_space<vmem>>)
        %dma_wait3A_260 = arith.constant 0 : i32
        %dma_wait3A_261 = arith.constant 0 : i32
        %dma_wait3A_262 = tpu.memref_slice %arg8[%dma_wait3A_260, %dma_wait3A_261] : memref<1x80xi32, #tpu.memory_space<vmem>> -> memref<1x80xi32, #tpu.memory_space<vmem>>
        %dma_wait3A_263 = tpu.memref_squeeze %dma_wait3A_262 : memref<1x80xi32, #tpu.memory_space<vmem>> -> memref<80xi32, #tpu.memory_space<vmem>>
        %dma_wait3A_264 = arith.constant 0 : i32
        %dma_wait3A_265 = tpu.memref_slice %arg4[%add3A, %add3A_253, %dma_wait3A_264] : memref<32x128x80xi32, #tpu.memory_space<hbm>> -> memref<1x1x80xi32, #tpu.memory_space<hbm>>
        %dma_wait3A_266 = tpu.memref_squeeze %dma_wait3A_265 : memref<1x1x80xi32, #tpu.memory_space<hbm>> -> memref<80xi32, #tpu.memory_space<hbm>>
        %dma_wait3A_267 = arith.constant 0 : i32
        %dma_wait3A_268 = tpu.memref_slice %arg8[%dma_wait3A_260, %dma_wait3A_267] : memref<1x80xi32, #tpu.memory_space<vmem>> -> memref<1x80xi32, #tpu.memory_space<vmem>>
        %dma_wait3A_269 = tpu.memref_squeeze %dma_wait3A_268 : memref<1x80xi32, #tpu.memory_space<vmem>> -> memref<80xi32, #tpu.memory_space<vmem>>
        %dma_wait3A_270 = arith.constant 0 : i32
        %dma_wait3A_271 = tpu.memref_slice %arg4[%add3A, %add3A_253, %dma_wait3A_270] : memref<32x128x80xi32, #tpu.memory_space<hbm>> -> memref<1x1x80xi32, #tpu.memory_space<hbm>>
        %dma_wait3A_272 = tpu.memref_squeeze %dma_wait3A_271 : memref<1x1x80xi32, #tpu.memory_space<hbm>> -> memref<80xi32, #tpu.memory_space<hbm>>
        tpu.wait_dma2 semaphore(%arg16 : memref<!tpu.dma_semaphore, #tpu.memory_space<semaphore_mem>>) src(%dma_wait3A_272 : memref<80xi32, #tpu.memory_space<hbm>>) dst(%dma_wait3A_269 : memref<80xi32, #tpu.memory_space<vmem>>)
        %add3A_273 = arith.constant 3 : i32
        %add3A_274 = arith.addi %add3A_189, %add3A_273 : i32
        %dma_start3A_275 = arith.constant 0 : i32
        %dma_start3A_276 = arith.constant 0 : i32
        %dma_start3A_277 = tpu.memref_slice %arg2[%dma_start3A_275, %dma_start3A_276] : memref<10000x128xf32, #tpu.memory_space<hbm>> -> memref<10000x128xf32, #tpu.memory_space<hbm>>
        tpu.enqueue_indirect_dma source(%dma_start3A_277 : memref<10000x128xf32, #tpu.memory_space<hbm>>) target(%arg24 : memref<80x128xf32, #tpu.memory_space<vmem>>) offsets(%arg20 : memref<80xi32, #tpu.memory_space<vmem>>) semaphore(%arg12 : memref<!tpu.dma_semaphore, #tpu.memory_space<semaphore_mem>>)
      } else {
      }
      %mul3A_208 = arith.constant 4 : i32
      %mul3A_209 = arith.muli %scan3A_167, %mul3A_208 : i32
      %add3A_210 = arith.constant 2 : i32
      %add3A_211 = arith.addi %mul3A_209, %add3A_210 : i32
      %dma_wait3A_212 = arith.constant 0 : i32
      %dma_wait3A_213 = arith.constant 0 : i32
      %dma_wait3A_214 = tpu.memref_slice %arg2[%dma_wait3A_212, %dma_wait3A_213] : memref<10000x128xf32, #tpu.memory_space<hbm>> -> memref<10000x128xf32, #tpu.memory_space<hbm>>
      tpu.wait_indirect_dma semaphore(%arg14 : memref<!tpu.dma_semaphore, #tpu.memory_space<semaphore_mem>>) src(%dma_wait3A_214 : memref<10000x128xf32, #tpu.memory_space<hbm>>) dst(%arg26 : memref<80x128xf32, #tpu.memory_space<vmem>>)
      %run_scoped3A_215 = arith.constant 0 : i32
      "tpu.region"() ({
        %run_scoped3A_252 = tpu.sem_alloc : memref<!tpu.dma_semaphore, #tpu.memory_space<semaphore_mem>>
        %dma_start3A_253 = arith.constant 0 : i32
        %dma_start3A_254 = tpu.memref_slice %arg10[%run_scoped3A_215, %dma_start3A_253] : memref<1x80xi32, #tpu.memory_space<vmem>> -> memref<1x80xi32, #tpu.memory_space<vmem>>
        %dma_start3A_255 = tpu.memref_squeeze %dma_start3A_254 : memref<1x80xi32, #tpu.memory_space<vmem>> -> memref<80xi32, #tpu.memory_space<vmem>>
        %dma_start3A_256 = arith.constant 0 : i32
        %dma_start3A_257 = arith.constant 0 : i32
        %dma_start3A_258 = tpu.memref_slice %arg7[%dma_start3A_256, %dma_start3A_257] : memref<10240x128xf32, #tpu.memory_space<vmem_shared>> -> memref<10240x128xf32, #tpu.memory_space<vmem_shared>>
        tpu.enqueue_indirect_dma source(%arg26 : memref<80x128xf32, #tpu.memory_space<vmem>>) target(%dma_start3A_258 : memref<10240x128xf32, #tpu.memory_space<vmem_shared>>) offsets(%dma_start3A_255 : memref<80xi32, #tpu.memory_space<vmem>>) semaphore(%run_scoped3A_252 : memref<!tpu.dma_semaphore, #tpu.memory_space<semaphore_mem>>) {add = true}
        %dma_wait3A_259 = arith.constant 0 : i32
        %dma_wait3A_260 = tpu.memref_slice %arg10[%run_scoped3A_215, %dma_wait3A_259] : memref<1x80xi32, #tpu.memory_space<vmem>> -> memref<1x80xi32, #tpu.memory_space<vmem>>
        %dma_wait3A_261 = tpu.memref_squeeze %dma_wait3A_260 : memref<1x80xi32, #tpu.memory_space<vmem>> -> memref<80xi32, #tpu.memory_space<vmem>>
        %dma_wait3A_262 = arith.constant 0 : i32
        %dma_wait3A_263 = arith.constant 0 : i32
        %dma_wait3A_264 = tpu.memref_slice %arg7[%dma_wait3A_262, %dma_wait3A_263] : memref<10240x128xf32, #tpu.memory_space<vmem_shared>> -> memref<10240x128xf32, #tpu.memory_space<vmem_shared>>
        tpu.wait_indirect_dma semaphore(%run_scoped3A_252 : memref<!tpu.dma_semaphore, #tpu.memory_space<semaphore_mem>>) src(%arg26 : memref<80x128xf32, #tpu.memory_space<vmem>>) dst(%dma_wait3A_264 : memref<10240x128xf32, #tpu.memory_space<vmem_shared>>)
        tpu.yield
      }) : () -> ()
      %add3A_216 = arith.constant 4 : i32
      %add3A_217 = arith.addi %add3A_211, %add3A_216 : i32
      %lt3A_218 = arith.constant 128 : i32
      %lt3A_219 = arith.cmpi slt, %add3A_217, %lt3A_218 : i32
      %convert_element_type3A_220 = arith.extui %lt3A_219 : i1 to i32
      %cond3A_221 = arith.constant 0 : i32
      %cond3A_222 = arith.cmpi ne, %convert_element_type3A_220, %cond3A_221 : i32
      scf.if %cond3A_222 {
        %add3A_252 = arith.constant 4 : i32
        %add3A_253 = arith.addi %add3A_211, %add3A_252 : i32
        %dma_start3A_254 = arith.constant 0 : i32
        %dma_start3A_255 = tpu.memref_slice %arg3[%add3A, %add3A_253, %dma_start3A_254] : memref<32x128x80xi32, #tpu.memory_space<hbm>> -> memref<1x1x80xi32, #tpu.memory_space<hbm>>
        %dma_start3A_256 = tpu.memref_squeeze %dma_start3A_255 : memref<1x1x80xi32, #tpu.memory_space<hbm>> -> memref<80xi32, #tpu.memory_space<hbm>>
        %dma_start3A_257 = arith.constant 0 : i32
        %dma_start3A_258 = tpu.memref_slice %arg3[%add3A, %add3A_253, %dma_start3A_257] : memref<32x128x80xi32, #tpu.memory_space<hbm>> -> memref<1x1x80xi32, #tpu.memory_space<hbm>>
        %dma_start3A_259 = tpu.memref_squeeze %dma_start3A_258 : memref<1x1x80xi32, #tpu.memory_space<hbm>> -> memref<80xi32, #tpu.memory_space<hbm>>
        tpu.enqueue_dma source(%dma_start3A_259 : memref<80xi32, #tpu.memory_space<hbm>>) target(%arg22 : memref<80xi32, #tpu.memory_space<vmem>>) target_semaphore(%arg18 : memref<!tpu.dma_semaphore, #tpu.memory_space<semaphore_mem>>)
        %dma_start3A_260 = arith.constant 0 : i32
        %dma_start3A_261 = arith.constant 0 : i32
        %dma_start3A_262 = tpu.memref_slice %arg10[%dma_start3A_260, %dma_start3A_261] : memref<1x80xi32, #tpu.memory_space<vmem>> -> memref<1x80xi32, #tpu.memory_space<vmem>>
        %dma_start3A_263 = tpu.memref_squeeze %dma_start3A_262 : memref<1x80xi32, #tpu.memory_space<vmem>> -> memref<80xi32, #tpu.memory_space<vmem>>
        %dma_start3A_264 = arith.constant 0 : i32
        %dma_start3A_265 = tpu.memref_slice %arg4[%add3A, %add3A_253, %dma_start3A_264] : memref<32x128x80xi32, #tpu.memory_space<hbm>> -> memref<1x1x80xi32, #tpu.memory_space<hbm>>
        %dma_start3A_266 = tpu.memref_squeeze %dma_start3A_265 : memref<1x1x80xi32, #tpu.memory_space<hbm>> -> memref<80xi32, #tpu.memory_space<hbm>>
        %dma_start3A_267 = arith.constant 0 : i32
        %dma_start3A_268 = tpu.memref_slice %arg10[%dma_start3A_260, %dma_start3A_267] : memref<1x80xi32, #tpu.memory_space<vmem>> -> memref<1x80xi32, #tpu.memory_space<vmem>>
        %dma_start3A_269 = tpu.memref_squeeze %dma_start3A_268 : memref<1x80xi32, #tpu.memory_space<vmem>> -> memref<80xi32, #tpu.memory_space<vmem>>
        %dma_start3A_270 = arith.constant 0 : i32
        %dma_start3A_271 = tpu.memref_slice %arg4[%add3A, %add3A_253, %dma_start3A_270] : memref<32x128x80xi32, #tpu.memory_space<hbm>> -> memref<1x1x80xi32, #tpu.memory_space<hbm>>
        %dma_start3A_272 = tpu.memref_squeeze %dma_start3A_271 : memref<1x1x80xi32, #tpu.memory_space<hbm>> -> memref<80xi32, #tpu.memory_space<hbm>>
        tpu.enqueue_dma source(%dma_start3A_272 : memref<80xi32, #tpu.memory_space<hbm>>) target(%dma_start3A_269 : memref<80xi32, #tpu.memory_space<vmem>>) target_semaphore(%arg18 : memref<!tpu.dma_semaphore, #tpu.memory_space<semaphore_mem>>)
      } else {
      }
      %add3A_223 = arith.constant 3 : i32
      %add3A_224 = arith.addi %add3A_211, %add3A_223 : i32
      %lt3A_225 = arith.constant 128 : i32
      %lt3A_226 = arith.cmpi slt, %add3A_224, %lt3A_225 : i32
      %convert_element_type3A_227 = arith.extui %lt3A_226 : i1 to i32
      %cond3A_228 = arith.constant 0 : i32
      %cond3A_229 = arith.cmpi ne, %convert_element_type3A_227, %cond3A_228 : i32
      scf.if %cond3A_229 {
        %add3A_252 = arith.constant 3 : i32
        %add3A_253 = arith.addi %add3A_211, %add3A_252 : i32
        %dma_wait3A_254 = arith.constant 0 : i32
        %dma_wait3A_255 = tpu.memref_slice %arg3[%add3A, %add3A_253, %dma_wait3A_254] : memref<32x128x80xi32, #tpu.memory_space<hbm>> -> memref<1x1x80xi32, #tpu.memory_space<hbm>>
        %dma_wait3A_256 = tpu.memref_squeeze %dma_wait3A_255 : memref<1x1x80xi32, #tpu.memory_space<hbm>> -> memref<80xi32, #tpu.memory_space<hbm>>
        %dma_wait3A_257 = arith.constant 0 : i32
        %dma_wait3A_258 = tpu.memref_slice %arg3[%add3A, %add3A_253, %dma_wait3A_257] : memref<32x128x80xi32, #tpu.memory_space<hbm>> -> memref<1x1x80xi32, #tpu.memory_space<hbm>>
        %dma_wait3A_259 = tpu.memref_squeeze %dma_wait3A_258 : memref<1x1x80xi32, #tpu.memory_space<hbm>> -> memref<80xi32, #tpu.memory_space<hbm>>
        tpu.wait_dma2 semaphore(%arg17 : memref<!tpu.dma_semaphore, #tpu.memory_space<semaphore_mem>>) src(%dma_wait3A_259 : memref<80xi32, #tpu.memory_space<hbm>>) dst(%arg21 : memref<80xi32, #tpu.memory_space<vmem>>)
        %dma_wait3A_260 = arith.constant 0 : i32
        %dma_wait3A_261 = arith.constant 0 : i32
        %dma_wait3A_262 = tpu.memref_slice %arg9[%dma_wait3A_260, %dma_wait3A_261] : memref<1x80xi32, #tpu.memory_space<vmem>> -> memref<1x80xi32, #tpu.memory_space<vmem>>
        %dma_wait3A_263 = tpu.memref_squeeze %dma_wait3A_262 : memref<1x80xi32, #tpu.memory_space<vmem>> -> memref<80xi32, #tpu.memory_space<vmem>>
        %dma_wait3A_264 = arith.constant 0 : i32
        %dma_wait3A_265 = tpu.memref_slice %arg4[%add3A, %add3A_253, %dma_wait3A_264] : memref<32x128x80xi32, #tpu.memory_space<hbm>> -> memref<1x1x80xi32, #tpu.memory_space<hbm>>
        %dma_wait3A_266 = tpu.memref_squeeze %dma_wait3A_265 : memref<1x1x80xi32, #tpu.memory_space<hbm>> -> memref<80xi32, #tpu.memory_space<hbm>>
        %dma_wait3A_267 = arith.constant 0 : i32
        %dma_wait3A_268 = tpu.memref_slice %arg9[%dma_wait3A_260, %dma_wait3A_267] : memref<1x80xi32, #tpu.memory_space<vmem>> -> memref<1x80xi32, #tpu.memory_space<vmem>>
        %dma_wait3A_269 = tpu.memref_squeeze %dma_wait3A_268 : memref<1x80xi32, #tpu.memory_space<vmem>> -> memref<80xi32, #tpu.memory_space<vmem>>
        %dma_wait3A_270 = arith.constant 0 : i32
        %dma_wait3A_271 = tpu.memref_slice %arg4[%add3A, %add3A_253, %dma_wait3A_270] : memref<32x128x80xi32, #tpu.memory_space<hbm>> -> memref<1x1x80xi32, #tpu.memory_space<hbm>>
        %dma_wait3A_272 = tpu.memref_squeeze %dma_wait3A_271 : memref<1x1x80xi32, #tpu.memory_space<hbm>> -> memref<80xi32, #tpu.memory_space<hbm>>
        tpu.wait_dma2 semaphore(%arg17 : memref<!tpu.dma_semaphore, #tpu.memory_space<semaphore_mem>>) src(%dma_wait3A_272 : memref<80xi32, #tpu.memory_space<hbm>>) dst(%dma_wait3A_269 : memref<80xi32, #tpu.memory_space<vmem>>)
        %add3A_273 = arith.constant 3 : i32
        %add3A_274 = arith.addi %add3A_211, %add3A_273 : i32
        %dma_start3A_275 = arith.constant 0 : i32
        %dma_start3A_276 = arith.constant 0 : i32
        %dma_start3A_277 = tpu.memref_slice %arg2[%dma_start3A_275, %dma_start3A_276] : memref<10000x128xf32, #tpu.memory_space<hbm>> -> memref<10000x128xf32, #tpu.memory_space<hbm>>
        tpu.enqueue_indirect_dma source(%dma_start3A_277 : memref<10000x128xf32, #tpu.memory_space<hbm>>) target(%arg25 : memref<80x128xf32, #tpu.memory_space<vmem>>) offsets(%arg21 : memref<80xi32, #tpu.memory_space<vmem>>) semaphore(%arg13 : memref<!tpu.dma_semaphore, #tpu.memory_space<semaphore_mem>>)
      } else {
      }
      %mul3A_230 = arith.constant 4 : i32
      %mul3A_231 = arith.muli %scan3A_167, %mul3A_230 : i32
      %add3A_232 = arith.constant 3 : i32
      %add3A_233 = arith.addi %mul3A_231, %add3A_232 : i32
      %dma_wait3A_234 = arith.constant 0 : i32
      %dma_wait3A_235 = arith.constant 0 : i32
      %dma_wait3A_236 = tpu.memref_slice %arg2[%dma_wait3A_234, %dma_wait3A_235] : memref<10000x128xf32, #tpu.memory_space<hbm>> -> memref<10000x128xf32, #tpu.memory_space<hbm>>
      tpu.wait_indirect_dma semaphore(%arg15 : memref<!tpu.dma_semaphore, #tpu.memory_space<semaphore_mem>>) src(%dma_wait3A_236 : memref<10000x128xf32, #tpu.memory_space<hbm>>) dst(%arg27 : memref<80x128xf32, #tpu.memory_space<vmem>>)
      %run_scoped3A_237 = arith.constant 0 : i32
      "tpu.region"() ({
        %run_scoped3A_252 = tpu.sem_alloc : memref<!tpu.dma_semaphore, #tpu.memory_space<semaphore_mem>>
        %dma_start3A_253 = arith.constant 0 : i32
        %dma_start3A_254 = tpu.memref_slice %arg11[%run_scoped3A_237, %dma_start3A_253] : memref<1x80xi32, #tpu.memory_space<vmem>> -> memref<1x80xi32, #tpu.memory_space<vmem>>
        %dma_start3A_255 = tpu.memref_squeeze %dma_start3A_254 : memref<1x80xi32, #tpu.memory_space<vmem>> -> memref<80xi32, #tpu.memory_space<vmem>>
        %dma_start3A_256 = arith.constant 0 : i32
        %dma_start3A_257 = arith.constant 0 : i32
        %dma_start3A_258 = tpu.memref_slice %arg7[%dma_start3A_256, %dma_start3A_257] : memref<10240x128xf32, #tpu.memory_space<vmem_shared>> -> memref<10240x128xf32, #tpu.memory_space<vmem_shared>>
        tpu.enqueue_indirect_dma source(%arg27 : memref<80x128xf32, #tpu.memory_space<vmem>>) target(%dma_start3A_258 : memref<10240x128xf32, #tpu.memory_space<vmem_shared>>) offsets(%dma_start3A_255 : memref<80xi32, #tpu.memory_space<vmem>>) semaphore(%run_scoped3A_252 : memref<!tpu.dma_semaphore, #tpu.memory_space<semaphore_mem>>) {add = true}
        %dma_wait3A_259 = arith.constant 0 : i32
        %dma_wait3A_260 = tpu.memref_slice %arg11[%run_scoped3A_237, %dma_wait3A_259] : memref<1x80xi32, #tpu.memory_space<vmem>> -> memref<1x80xi32, #tpu.memory_space<vmem>>
        %dma_wait3A_261 = tpu.memref_squeeze %dma_wait3A_260 : memref<1x80xi32, #tpu.memory_space<vmem>> -> memref<80xi32, #tpu.memory_space<vmem>>
        %dma_wait3A_262 = arith.constant 0 : i32
        %dma_wait3A_263 = arith.constant 0 : i32
        %dma_wait3A_264 = tpu.memref_slice %arg7[%dma_wait3A_262, %dma_wait3A_263] : memref<10240x128xf32, #tpu.memory_space<vmem_shared>> -> memref<10240x128xf32, #tpu.memory_space<vmem_shared>>
        tpu.wait_indirect_dma semaphore(%run_scoped3A_252 : memref<!tpu.dma_semaphore, #tpu.memory_space<semaphore_mem>>) src(%arg27 : memref<80x128xf32, #tpu.memory_space<vmem>>) dst(%dma_wait3A_264 : memref<10240x128xf32, #tpu.memory_space<vmem_shared>>)
        tpu.yield
      }) : () -> ()
      %add3A_238 = arith.constant 4 : i32
      %add3A_239 = arith.addi %add3A_233, %add3A_238 : i32
      %lt3A_240 = arith.constant 128 : i32
      %lt3A_241 = arith.cmpi slt, %add3A_239, %lt3A_240 : i32
      %convert_element_type3A_242 = arith.extui %lt3A_241 : i1 to i32
      %cond3A_243 = arith.constant 0 : i32
      %cond3A_244 = arith.cmpi ne, %convert_element_type3A_242, %cond3A_243 : i32
      scf.if %cond3A_244 {
        %add3A_252 = arith.constant 4 : i32
        %add3A_253 = arith.addi %add3A_233, %add3A_252 : i32
        %dma_start3A_254 = arith.constant 0 : i32
        %dma_start3A_255 = tpu.memref_slice %arg3[%add3A, %add3A_253, %dma_start3A_254] : memref<32x128x80xi32, #tpu.memory_space<hbm>> -> memref<1x1x80xi32, #tpu.memory_space<hbm>>
        %dma_start3A_256 = tpu.memref_squeeze %dma_start3A_255 : memref<1x1x80xi32, #tpu.memory_space<hbm>> -> memref<80xi32, #tpu.memory_space<hbm>>
        %dma_start3A_257 = arith.constant 0 : i32
        %dma_start3A_258 = tpu.memref_slice %arg3[%add3A, %add3A_253, %dma_start3A_257] : memref<32x128x80xi32, #tpu.memory_space<hbm>> -> memref<1x1x80xi32, #tpu.memory_space<hbm>>
        %dma_start3A_259 = tpu.memref_squeeze %dma_start3A_258 : memref<1x1x80xi32, #tpu.memory_space<hbm>> -> memref<80xi32, #tpu.memory_space<hbm>>
        tpu.enqueue_dma source(%dma_start3A_259 : memref<80xi32, #tpu.memory_space<hbm>>) target(%arg23 : memref<80xi32, #tpu.memory_space<vmem>>) target_semaphore(%arg19 : memref<!tpu.dma_semaphore, #tpu.memory_space<semaphore_mem>>)
        %dma_start3A_260 = arith.constant 0 : i32
        %dma_start3A_261 = arith.constant 0 : i32
        %dma_start3A_262 = tpu.memref_slice %arg11[%dma_start3A_260, %dma_start3A_261] : memref<1x80xi32, #tpu.memory_space<vmem>> -> memref<1x80xi32, #tpu.memory_space<vmem>>
        %dma_start3A_263 = tpu.memref_squeeze %dma_start3A_262 : memref<1x80xi32, #tpu.memory_space<vmem>> -> memref<80xi32, #tpu.memory_space<vmem>>
        %dma_start3A_264 = arith.constant 0 : i32
        %dma_start3A_265 = tpu.memref_slice %arg4[%add3A, %add3A_253, %dma_start3A_264] : memref<32x128x80xi32, #tpu.memory_space<hbm>> -> memref<1x1x80xi32, #tpu.memory_space<hbm>>
        %dma_start3A_266 = tpu.memref_squeeze %dma_start3A_265 : memref<1x1x80xi32, #tpu.memory_space<hbm>> -> memref<80xi32, #tpu.memory_space<hbm>>
        %dma_start3A_267 = arith.constant 0 : i32
        %dma_start3A_268 = tpu.memref_slice %arg11[%dma_start3A_260, %dma_start3A_267] : memref<1x80xi32, #tpu.memory_space<vmem>> -> memref<1x80xi32, #tpu.memory_space<vmem>>
        %dma_start3A_269 = tpu.memref_squeeze %dma_start3A_268 : memref<1x80xi32, #tpu.memory_space<vmem>> -> memref<80xi32, #tpu.memory_space<vmem>>
        %dma_start3A_270 = arith.constant 0 : i32
        %dma_start3A_271 = tpu.memref_slice %arg4[%add3A, %add3A_253, %dma_start3A_270] : memref<32x128x80xi32, #tpu.memory_space<hbm>> -> memref<1x1x80xi32, #tpu.memory_space<hbm>>
        %dma_start3A_272 = tpu.memref_squeeze %dma_start3A_271 : memref<1x1x80xi32, #tpu.memory_space<hbm>> -> memref<80xi32, #tpu.memory_space<hbm>>
        tpu.enqueue_dma source(%dma_start3A_272 : memref<80xi32, #tpu.memory_space<hbm>>) target(%dma_start3A_269 : memref<80xi32, #tpu.memory_space<vmem>>) target_semaphore(%arg19 : memref<!tpu.dma_semaphore, #tpu.memory_space<semaphore_mem>>)
      } else {
      }
      %add3A_245 = arith.constant 3 : i32
      %add3A_246 = arith.addi %add3A_233, %add3A_245 : i32
      %lt3A_247 = arith.constant 128 : i32
      %lt3A_248 = arith.cmpi slt, %add3A_246, %lt3A_247 : i32
      %convert_element_type3A_249 = arith.extui %lt3A_248 : i1 to i32
      %cond3A_250 = arith.constant 0 : i32
      %cond3A_251 = arith.cmpi ne, %convert_element_type3A_249, %cond3A_250 : i32
      scf.if %cond3A_251 {
        %add3A_252 = arith.constant 3 : i32
        %add3A_253 = arith.addi %add3A_233, %add3A_252 : i32
        %dma_wait3A_254 = arith.constant 0 : i32
        %dma_wait3A_255 = tpu.memref_slice %arg3[%add3A, %add3A_253, %dma_wait3A_254] : memref<32x128x80xi32, #tpu.memory_space<hbm>> -> memref<1x1x80xi32, #tpu.memory_space<hbm>>
        %dma_wait3A_256 = tpu.memref_squeeze %dma_wait3A_255 : memref<1x1x80xi32, #tpu.memory_space<hbm>> -> memref<80xi32, #tpu.memory_space<hbm>>
        %dma_wait3A_257 = arith.constant 0 : i32
        %dma_wait3A_258 = tpu.memref_slice %arg3[%add3A, %add3A_253, %dma_wait3A_257] : memref<32x128x80xi32, #tpu.memory_space<hbm>> -> memref<1x1x80xi32, #tpu.memory_space<hbm>>
        %dma_wait3A_259 = tpu.memref_squeeze %dma_wait3A_258 : memref<1x1x80xi32, #tpu.memory_space<hbm>> -> memref<80xi32, #tpu.memory_space<hbm>>
        tpu.wait_dma2 semaphore(%arg18 : memref<!tpu.dma_semaphore, #tpu.memory_space<semaphore_mem>>) src(%dma_wait3A_259 : memref<80xi32, #tpu.memory_space<hbm>>) dst(%arg22 : memref<80xi32, #tpu.memory_space<vmem>>)
        %dma_wait3A_260 = arith.constant 0 : i32
        %dma_wait3A_261 = arith.constant 0 : i32
        %dma_wait3A_262 = tpu.memref_slice %arg10[%dma_wait3A_260, %dma_wait3A_261] : memref<1x80xi32, #tpu.memory_space<vmem>> -> memref<1x80xi32, #tpu.memory_space<vmem>>
        %dma_wait3A_263 = tpu.memref_squeeze %dma_wait3A_262 : memref<1x80xi32, #tpu.memory_space<vmem>> -> memref<80xi32, #tpu.memory_space<vmem>>
        %dma_wait3A_264 = arith.constant 0 : i32
        %dma_wait3A_265 = tpu.memref_slice %arg4[%add3A, %add3A_253, %dma_wait3A_264] : memref<32x128x80xi32, #tpu.memory_space<hbm>> -> memref<1x1x80xi32, #tpu.memory_space<hbm>>
        %dma_wait3A_266 = tpu.memref_squeeze %dma_wait3A_265 : memref<1x1x80xi32, #tpu.memory_space<hbm>> -> memref<80xi32, #tpu.memory_space<hbm>>
        %dma_wait3A_267 = arith.constant 0 : i32
        %dma_wait3A_268 = tpu.memref_slice %arg10[%dma_wait3A_260, %dma_wait3A_267] : memref<1x80xi32, #tpu.memory_space<vmem>> -> memref<1x80xi32, #tpu.memory_space<vmem>>
        %dma_wait3A_269 = tpu.memref_squeeze %dma_wait3A_268 : memref<1x80xi32, #tpu.memory_space<vmem>> -> memref<80xi32, #tpu.memory_space<vmem>>
        %dma_wait3A_270 = arith.constant 0 : i32
        %dma_wait3A_271 = tpu.memref_slice %arg4[%add3A, %add3A_253, %dma_wait3A_270] : memref<32x128x80xi32, #tpu.memory_space<hbm>> -> memref<1x1x80xi32, #tpu.memory_space<hbm>>
        %dma_wait3A_272 = tpu.memref_squeeze %dma_wait3A_271 : memref<1x1x80xi32, #tpu.memory_space<hbm>> -> memref<80xi32, #tpu.memory_space<hbm>>
        tpu.wait_dma2 semaphore(%arg18 : memref<!tpu.dma_semaphore, #tpu.memory_space<semaphore_mem>>) src(%dma_wait3A_272 : memref<80xi32, #tpu.memory_space<hbm>>) dst(%dma_wait3A_269 : memref<80xi32, #tpu.memory_space<vmem>>)
        %add3A_273 = arith.constant 3 : i32
        %add3A_274 = arith.addi %add3A_233, %add3A_273 : i32
        %dma_start3A_275 = arith.constant 0 : i32
        %dma_start3A_276 = arith.constant 0 : i32
        %dma_start3A_277 = tpu.memref_slice %arg2[%dma_start3A_275, %dma_start3A_276] : memref<10000x128xf32, #tpu.memory_space<hbm>> -> memref<10000x128xf32, #tpu.memory_space<hbm>>
        tpu.enqueue_indirect_dma source(%dma_start3A_277 : memref<10000x128xf32, #tpu.memory_space<hbm>>) target(%arg26 : memref<80x128xf32, #tpu.memory_space<vmem>>) offsets(%arg22 : memref<80xi32, #tpu.memory_space<vmem>>) semaphore(%arg14 : memref<!tpu.dma_semaphore, #tpu.memory_space<semaphore_mem>>)
      } else {
      }
    }
    %scan3A_161 = arith.constant 32 : i32
    %barrier3A_162 = arith.constant 0 : index
    tpu.barrier barrier_id(%barrier3A_162)
    %mul3A_163 = arith.constant 640 : i32
    %mul3A_164 = arith.muli %arg1, %mul3A_163 : i32
    %mul3A_165 = arith.constant 640 : i32
    %mul3A_166 = arith.muli %arg1, %mul3A_165 : i32
    "tpu.region"() ({
      %run_scoped3A = tpu.sem_alloc : memref<!tpu.dma_semaphore, #tpu.memory_space<semaphore_mem>>
      %dma_start3A_167 = arith.constant 0 : i32
      %dma_start3A_168 = tpu.memref_slice %arg6[%arg0, %mul3A_166, %dma_start3A_167] : memref<2x10240x128xf32, #tpu.memory_space<hbm>> -> memref<1x640x128xf32, #tpu.memory_space<hbm>>
      %dma_start3A_169 = tpu.memref_squeeze %dma_start3A_168 : memref<1x640x128xf32, #tpu.memory_space<hbm>> -> memref<640x128xf32, #tpu.memory_space<hbm>>
      %dma_start3A_170 = arith.constant 0 : i32
      %dma_start3A_171 = tpu.memref_slice %arg7[%mul3A_164, %dma_start3A_170] : memref<10240x128xf32, #tpu.memory_space<vmem_shared>> -> memref<640x128xf32, #tpu.memory_space<vmem_shared>>
      tpu.enqueue_dma source(%dma_start3A_171 : memref<640x128xf32, #tpu.memory_space<vmem_shared>>) target(%dma_start3A_169 : memref<640x128xf32, #tpu.memory_space<hbm>>) target_semaphore(%run_scoped3A : memref<!tpu.dma_semaphore, #tpu.memory_space<semaphore_mem>>)
      %dma_wait3A_172 = arith.constant 0 : i32
      %dma_wait3A_173 = tpu.memref_slice %arg6[%arg0, %mul3A_166, %dma_wait3A_172] : memref<2x10240x128xf32, #tpu.memory_space<hbm>> -> memref<1x640x128xf32, #tpu.memory_space<hbm>>
      %dma_wait3A_174 = tpu.memref_squeeze %dma_wait3A_173 : memref<1x640x128xf32, #tpu.memory_space<hbm>> -> memref<640x128xf32, #tpu.memory_space<hbm>>
      %dma_wait3A_175 = arith.constant 0 : i32
      %dma_wait3A_176 = tpu.memref_slice %arg7[%mul3A_164, %dma_wait3A_175] : memref<10240x128xf32, #tpu.memory_space<vmem_shared>> -> memref<640x128xf32, #tpu.memory_space<vmem_shared>>
      tpu.wait_dma2 semaphore(%run_scoped3A : memref<!tpu.dma_semaphore, #tpu.memory_space<semaphore_mem>>) src(%dma_wait3A_176 : memref<640x128xf32, #tpu.memory_space<vmem_shared>>) dst(%dma_wait3A_174 : memref<640x128xf32, #tpu.memory_space<hbm>>)
      tpu.yield
    }) : () -> ()
    return
  }
}

module attributes {stable_mosaic.version = 14 : i64} {
  func.func @_tc_mm_body(%arg0: i32, %arg1: memref<1024x128xf32, #tpu.memory_space<vmem>>, %arg2: memref<128x128xf32, #tpu.memory_space<vmem>>, %arg3: memref<2x1024xf32, #tpu.memory_space<vmem>>, %arg4: memref<1024x128xf32, #tpu.memory_space<vmem>>) attributes {dimension_semantics = [#tpu.dimension_semantics<arbitrary>], iteration_bounds = array<i64: 10>, scalar_prefetch = 0 : i64, scratch_operands = 0 : i64, tpu.core_type = #tpu.core_type<tc>, window_params = [{transform_indices = @transform_0, window_bounds = array<i64: 1024, 128>}, {pipeline_mode = #tpu.pipeline_mode<synchronous>, transform_indices = @transform_1, window_bounds = array<i64: 128, 128>}, {transform_indices = @transform_2, window_bounds = array<i64: 2, 1024>}, {transform_indices = @transform_3, window_bounds = array<i64: 1024, 128>}]} {
    %get3A = arith.constant 0 : index
    %get3A_0 = arith.constant 0 : index
    %get3A_1 = vector.load %arg1[%get3A, %get3A_0] : memref<1024x128xf32, #tpu.memory_space<vmem>>, vector<1024x128xf32>
    %get3A_2 = arith.constant 0 : index
    %get3A_3 = arith.constant 0 : index
    %get3A_4 = vector.load %arg2[%get3A_2, %get3A_3] : memref<128x128xf32, #tpu.memory_space<vmem>>, vector<128x128xf32>
    %dot_general3A = arith.constant dense<0.000000e+00> : vector<1024x128xf32>
    %dot_general3A_5 = tpu.matmul %get3A_1, %get3A_4, %dot_general3A {dimension_numbers = #tpu.dot_dimension_numbers<[1], [0], [0], [1], [0, 0, 1, 1], [], []>, transpose_lhs_hint = false} : vector<1024x128xf32>, vector<128x128xf32>, vector<1024x128xf32> -> vector<1024x128xf32>
    %get3A_6 = arith.constant 0 : index
    %get3A_7 = arith.constant 0 : index
    %get3A_8 = vector.load %arg3[%get3A_6, %get3A_7] : memref<2x1024xf32, #tpu.memory_space<vmem>>, vector<1x1024xf32>
    %get3A_9 = vector.shape_cast %get3A_8 : vector<1x1024xf32> to vector<1024xf32>
    %add3A = arith.constant 1.000000e+00 : f32
    %add3A_10 = vector.broadcast %add3A : f32 to vector<1024xf32>
    %add3A_11 = arith.addf %add3A_10, %get3A_9 : vector<1024xf32>
    %get3A_12 = arith.constant 1 : index
    %get3A_13 = arith.constant 0 : index
    %get3A_14 = vector.load %arg3[%get3A_12, %get3A_13] : memref<2x1024xf32, #tpu.memory_space<vmem>>, vector<1x1024xf32>
    %get3A_15 = vector.shape_cast %get3A_14 : vector<1x1024xf32> to vector<1024xf32>
    %add3A_16 = arith.addf %add3A_11, %get3A_15 : vector<1024xf32>
    %rsqrt3A = math.rsqrt %add3A_16 : vector<1024xf32>
    %broadcast_in_dim3A = vector.shape_cast %rsqrt3A : vector<1024xf32> to vector<1024x1xf32>
    %mul3A = vector.broadcast %broadcast_in_dim3A : vector<1024x1xf32> to vector<1024x128xf32>
    %mul3A_17 = arith.mulf %dot_general3A_5, %mul3A : vector<1024x128xf32>
    %swap3A = arith.constant 0 : index
    %swap3A_18 = arith.constant 0 : index
    %swap3A_19 = vector.load %arg4[%swap3A, %swap3A_18] : memref<1024x128xf32, #tpu.memory_space<vmem>>, vector<1024x128xf32>
    tpu.vector_store %arg4[%swap3A, %swap3A_18], %mul3A_17 {strides = array<i32>} : memref<1024x128xf32, #tpu.memory_space<vmem>>, vector<1024x128xf32>,
    return
  }
  func.func @transform_0(%arg0: i32) -> (i32, i32) {
    %c0_i32 = arith.constant 0 : i32
    %c0_i32_0 = arith.constant 0 : i32
    return %arg0, %c0_i32 : i32, i32
  }
  func.func @transform_1(%arg0: i32) -> (i32, i32) {
    %c0_i32 = arith.constant 0 : i32
    %c0_i32_0 = arith.constant 0 : i32
    %c0_i32_1 = arith.constant 0 : i32
    return %c0_i32, %c0_i32_0 : i32, i32
  }
  func.func @transform_2(%arg0: i32) -> (i32, i32) {
    %c0_i32 = arith.constant 0 : i32
    %c0_i32_0 = arith.constant 0 : i32
    return %c0_i32, %arg0 : i32, i32
  }
  func.func @transform_3(%arg0: i32) -> (i32, i32) {
    %c0_i32 = arith.constant 0 : i32
    %c0_i32_0 = arith.constant 0 : i32
    return %arg0, %c0_i32 : i32, i32
  }
}

module attributes {stable_mosaic.version = 14 : i64} {
  func.func @_tc2_body(%arg0: i32, %arg1: memref<2x1024x128xf32, #tpu.memory_space<vmem>>, %arg2: memref<1024x128xf32, #tpu.memory_space<vmem>>, %arg3: memref<2x1024xf32, #tpu.memory_space<vmem>>, %arg4: memref<128x128xf32, #tpu.memory_space<vmem>>, %arg5: memref<1x128xf32, #tpu.memory_space<vmem>>, %arg6: memref<1024x128xf32, #tpu.memory_space<vmem>>) attributes {dimension_semantics = [#tpu.dimension_semantics<arbitrary>], iteration_bounds = array<i64: 10>, scalar_prefetch = 0 : i64, scratch_operands = 0 : i64, tpu.core_type = #tpu.core_type<tc>, window_params = [{transform_indices = @transform_0, window_bounds = array<i64: 2, 1024, 128>}, {transform_indices = @transform_1, window_bounds = array<i64: 1024, 128>}, {transform_indices = @transform_2, window_bounds = array<i64: 2, 1024>}, {pipeline_mode = #tpu.pipeline_mode<synchronous>, transform_indices = @transform_3, window_bounds = array<i64: 128, 128>}, {pipeline_mode = #tpu.pipeline_mode<synchronous>, transform_indices = @transform_4, window_bounds = array<i64: 1, 128>}, {transform_indices = @transform_5, window_bounds = array<i64: 1024, 128>}]} {
    %get3A = arith.constant 0 : index
    %get3A_0 = arith.constant 0 : index
    %get3A_1 = vector.load %arg3[%get3A, %get3A_0] : memref<2x1024xf32, #tpu.memory_space<vmem>>, vector<1x1024xf32>
    %get3A_2 = vector.shape_cast %get3A_1 : vector<1x1024xf32> to vector<1024xf32>
    %add3A = arith.constant 1.000000e+00 : f32
    %add3A_3 = vector.broadcast %add3A : f32 to vector<1024xf32>
    %add3A_4 = arith.addf %add3A_3, %get3A_2 : vector<1024xf32>
    %get3A_5 = arith.constant 1 : index
    %get3A_6 = arith.constant 0 : index
    %get3A_7 = vector.load %arg3[%get3A_5, %get3A_6] : memref<2x1024xf32, #tpu.memory_space<vmem>>, vector<1x1024xf32>
    %get3A_8 = vector.shape_cast %get3A_7 : vector<1x1024xf32> to vector<1024xf32>
    %add3A_9 = arith.addf %add3A_4, %get3A_8 : vector<1024xf32>
    %rsqrt3A = math.rsqrt %add3A_9 : vector<1024xf32>
    %broadcast_in_dim3A = vector.shape_cast %rsqrt3A : vector<1024xf32> to vector<1024x1xf32>
    %get3A_10 = arith.constant 0 : index
    %get3A_11 = arith.constant 0 : index
    %get3A_12 = arith.constant 0 : index
    %get3A_13 = vector.load %arg1[%get3A_10, %get3A_11, %get3A_12] : memref<2x1024x128xf32, #tpu.memory_space<vmem>>, vector<1x1024x128xf32>
    %get3A_14 = vector.shape_cast %get3A_13 : vector<1x1024x128xf32> to vector<1024x128xf32>
    %get3A_15 = arith.constant 1 : index
    %get3A_16 = arith.constant 0 : index
    %get3A_17 = arith.constant 0 : index
    %get3A_18 = vector.load %arg1[%get3A_15, %get3A_16, %get3A_17] : memref<2x1024x128xf32, #tpu.memory_space<vmem>>, vector<1x1024x128xf32>
    %get3A_19 = vector.shape_cast %get3A_18 : vector<1x1024x128xf32> to vector<1024x128xf32>
    %add3A_20 = arith.addf %get3A_14, %get3A_19 : vector<1024x128xf32>
    %get3A_21 = arith.constant 0 : index
    %get3A_22 = arith.constant 0 : index
    %get3A_23 = vector.load %arg2[%get3A_21, %get3A_22] : memref<1024x128xf32, #tpu.memory_space<vmem>>, vector<1024x128xf32>
    %add3A_24 = arith.addf %add3A_20, %get3A_23 : vector<1024x128xf32>
    %mul3A = vector.broadcast %broadcast_in_dim3A : vector<1024x1xf32> to vector<1024x128xf32>
    %mul3A_25 = arith.mulf %add3A_24, %mul3A : vector<1024x128xf32>
    %get3A_26 = arith.constant 0 : index
    %get3A_27 = arith.constant 0 : index
    %get3A_28 = vector.load %arg5[%get3A_26, %get3A_27] : memref<1x128xf32, #tpu.memory_space<vmem>>, vector<1x128xf32>
    %add3A_29 = vector.broadcast %get3A_28 : vector<1x128xf32> to vector<1024x128xf32>
    %add3A_30 = arith.addf %mul3A_25, %add3A_29 : vector<1024x128xf32>
    %max3A = arith.constant 0.000000e+00 : f32
    %max3A_31 = vector.broadcast %max3A : f32 to vector<1024x128xf32>
    %max3A_32 = arith.maximumf %add3A_30, %max3A_31 : vector<1024x128xf32>
    %get3A_33 = arith.constant 0 : index
    %get3A_34 = arith.constant 0 : index
    %get3A_35 = vector.load %arg4[%get3A_33, %get3A_34] : memref<128x128xf32, #tpu.memory_space<vmem>>, vector<128x128xf32>
    %dot_general3A = arith.constant dense<0.000000e+00> : vector<1024x128xf32>
    %dot_general3A_36 = tpu.matmul %max3A_32, %get3A_35, %dot_general3A {dimension_numbers = #tpu.dot_dimension_numbers<[1], [0], [0], [1], [0, 0, 1, 1], [], []>, transpose_lhs_hint = false} : vector<1024x128xf32>, vector<128x128xf32>, vector<1024x128xf32> -> vector<1024x128xf32>
    %mul3A_37 = vector.broadcast %broadcast_in_dim3A : vector<1024x1xf32> to vector<1024x128xf32>
    %mul3A_38 = arith.mulf %dot_general3A_36, %mul3A_37 : vector<1024x128xf32>
    %swap3A = arith.constant 0 : index
    %swap3A_39 = arith.constant 0 : index
    %swap3A_40 = vector.load %arg6[%swap3A, %swap3A_39] : memref<1024x128xf32, #tpu.memory_space<vmem>>, vector<1024x128xf32>
    tpu.vector_store %arg6[%swap3A, %swap3A_39], %mul3A_38 {strides = array<i32>} : memref<1024x128xf32, #tpu.memory_space<vmem>>, vector<1024x128xf32>,
    return
  }
  func.func @transform_0(%arg0: i32) -> (i32, i32, i32) {
    %c0_i32 = arith.constant 0 : i32
    %c0_i32_0 = arith.constant 0 : i32
    %c0_i32_1 = arith.constant 0 : i32
    return %c0_i32, %arg0, %c0_i32_0 : i32, i32, i32
  }
  func.func @transform_1(%arg0: i32) -> (i32, i32) {
    %c0_i32 = arith.constant 0 : i32
    %c0_i32_0 = arith.constant 0 : i32
    return %arg0, %c0_i32 : i32, i32
  }
  func.func @transform_2(%arg0: i32) -> (i32, i32) {
    %c0_i32 = arith.constant 0 : i32
    %c0_i32_0 = arith.constant 0 : i32
    return %c0_i32, %arg0 : i32, i32
  }
  func.func @transform_3(%arg0: i32) -> (i32, i32) {
    %c0_i32 = arith.constant 0 : i32
    %c0_i32_0 = arith.constant 0 : i32
    %c0_i32_1 = arith.constant 0 : i32
    return %c0_i32, %c0_i32_0 : i32, i32
  }
  func.func @transform_4(%arg0: i32) -> (i32, i32) {
    %c0_i32 = arith.constant 0 : i32
    %c0_i32_0 = arith.constant 0 : i32
    %c0_i32_1 = arith.constant 0 : i32
    return %c0_i32, %c0_i32_0 : i32, i32
  }
  func.func @transform_5(%arg0: i32) -> (i32, i32) {
    %c0_i32 = arith.constant 0 : i32
    %c0_i32_0 = arith.constant 0 : i32
    return %arg0, %c0_i32 : i32, i32
  }
}

module attributes {stable_mosaic.version = 14 : i64} {
  func.func @_tc3_body(%arg0: i32, %arg1: memref<2x1024x128xf32, #tpu.memory_space<vmem>>, %arg2: memref<1024x128xf32, #tpu.memory_space<vmem>>, %arg3: memref<2x1024xf32, #tpu.memory_space<vmem>>, %arg4: memref<1x128xf32, #tpu.memory_space<vmem>>, %arg5: memref<1024x128xf32, #tpu.memory_space<vmem>>) attributes {dimension_semantics = [#tpu.dimension_semantics<arbitrary>], iteration_bounds = array<i64: 10>, scalar_prefetch = 0 : i64, scratch_operands = 0 : i64, tpu.core_type = #tpu.core_type<tc>, window_params = [{transform_indices = @transform_0, window_bounds = array<i64: 2, 1024, 128>}, {transform_indices = @transform_1, window_bounds = array<i64: 1024, 128>}, {transform_indices = @transform_2, window_bounds = array<i64: 2, 1024>}, {pipeline_mode = #tpu.pipeline_mode<synchronous>, transform_indices = @transform_3, window_bounds = array<i64: 1, 128>}, {transform_indices = @transform_4, window_bounds = array<i64: 1024, 128>}]} {
    %get3A = arith.constant 0 : index
    %get3A_0 = arith.constant 0 : index
    %get3A_1 = vector.load %arg3[%get3A, %get3A_0] : memref<2x1024xf32, #tpu.memory_space<vmem>>, vector<1x1024xf32>
    %get3A_2 = vector.shape_cast %get3A_1 : vector<1x1024xf32> to vector<1024xf32>
    %add3A = arith.constant 1.000000e+00 : f32
    %add3A_3 = vector.broadcast %add3A : f32 to vector<1024xf32>
    %add3A_4 = arith.addf %add3A_3, %get3A_2 : vector<1024xf32>
    %get3A_5 = arith.constant 1 : index
    %get3A_6 = arith.constant 0 : index
    %get3A_7 = vector.load %arg3[%get3A_5, %get3A_6] : memref<2x1024xf32, #tpu.memory_space<vmem>>, vector<1x1024xf32>
    %get3A_8 = vector.shape_cast %get3A_7 : vector<1x1024xf32> to vector<1024xf32>
    %add3A_9 = arith.addf %add3A_4, %get3A_8 : vector<1024xf32>
    %rsqrt3A = math.rsqrt %add3A_9 : vector<1024xf32>
    %broadcast_in_dim3A = vector.shape_cast %rsqrt3A : vector<1024xf32> to vector<1024x1xf32>
    %get3A_10 = arith.constant 0 : index
    %get3A_11 = arith.constant 0 : index
    %get3A_12 = arith.constant 0 : index
    %get3A_13 = vector.load %arg1[%get3A_10, %get3A_11, %get3A_12] : memref<2x1024x128xf32, #tpu.memory_space<vmem>>, vector<1x1024x128xf32>
    %get3A_14 = vector.shape_cast %get3A_13 : vector<1x1024x128xf32> to vector<1024x128xf32>
    %get3A_15 = arith.constant 1 : index
    %get3A_16 = arith.constant 0 : index
    %get3A_17 = arith.constant 0 : index
    %get3A_18 = vector.load %arg1[%get3A_15, %get3A_16, %get3A_17] : memref<2x1024x128xf32, #tpu.memory_space<vmem>>, vector<1x1024x128xf32>
    %get3A_19 = vector.shape_cast %get3A_18 : vector<1x1024x128xf32> to vector<1024x128xf32>
    %add3A_20 = arith.addf %get3A_14, %get3A_19 : vector<1024x128xf32>
    %get3A_21 = arith.constant 0 : index
    %get3A_22 = arith.constant 0 : index
    %get3A_23 = vector.load %arg2[%get3A_21, %get3A_22] : memref<1024x128xf32, #tpu.memory_space<vmem>>, vector<1024x128xf32>
    %add3A_24 = arith.addf %add3A_20, %get3A_23 : vector<1024x128xf32>
    %mul3A = vector.broadcast %broadcast_in_dim3A : vector<1024x1xf32> to vector<1024x128xf32>
    %mul3A_25 = arith.mulf %add3A_24, %mul3A : vector<1024x128xf32>
    %get3A_26 = arith.constant 0 : index
    %get3A_27 = arith.constant 0 : index
    %get3A_28 = vector.load %arg4[%get3A_26, %get3A_27] : memref<1x128xf32, #tpu.memory_space<vmem>>, vector<1x128xf32>
    %add3A_29 = vector.broadcast %get3A_28 : vector<1x128xf32> to vector<1024x128xf32>
    %add3A_30 = arith.addf %mul3A_25, %add3A_29 : vector<1024x128xf32>
    %swap3A = arith.constant 0 : index
    %swap3A_31 = arith.constant 0 : index
    %swap3A_32 = vector.load %arg5[%swap3A, %swap3A_31] : memref<1024x128xf32, #tpu.memory_space<vmem>>, vector<1024x128xf32>
    tpu.vector_store %arg5[%swap3A, %swap3A_31], %add3A_30 {strides = array<i32>} : memref<1024x128xf32, #tpu.memory_space<vmem>>, vector<1024x128xf32>,
    return
  }
  func.func @transform_0(%arg0: i32) -> (i32, i32, i32) {
    %c0_i32 = arith.constant 0 : i32
    %c0_i32_0 = arith.constant 0 : i32
    %c0_i32_1 = arith.constant 0 : i32
    return %c0_i32, %arg0, %c0_i32_0 : i32, i32, i32
  }
  func.func @transform_1(%arg0: i32) -> (i32, i32) {
    %c0_i32 = arith.constant 0 : i32
    %c0_i32_0 = arith.constant 0 : i32
    return %arg0, %c0_i32 : i32, i32
  }
  func.func @transform_2(%arg0: i32) -> (i32, i32) {
    %c0_i32 = arith.constant 0 : i32
    %c0_i32_0 = arith.constant 0 : i32
    return %c0_i32, %arg0 : i32, i32
  }
  func.func @transform_3(%arg0: i32) -> (i32, i32) {
    %c0_i32 = arith.constant 0 : i32
    %c0_i32_0 = arith.constant 0 : i32
    %c0_i32_1 = arith.constant 0 : i32
    return %c0_i32, %c0_i32_0 : i32, i32
  }
  func.func @transform_4(%arg0: i32) -> (i32, i32) {
    %c0_i32 = arith.constant 0 : i32
    %c0_i32_0 = arith.constant 0 : i32
    return %arg0, %c0_i32 : i32, i32
  }
}

</mosaic_0001>

<sc_bundles>
// kernel: kernel.11.cloned.1.call-start
scs
__scs_entry_jumppad:
0x0: {  	(pc) =	sbr.rel $0x88, $3  }
0x1: {  	(tag) =	ssettag $0x0;
	lr =	simm.s32 $0x1  }
0x2: {  	[smem:$0x3F99] =	sst lr;
	_ =	strace $0xD0000000  }
0x3: {  	_ = 	snop  }
0x4: {  	_ = 	snop  }
0x5: {  	_ = 	snop  }
0x6: {  	_ = 	snop  }
0x7: {  	_ = 	snop  }
__scs_overlays_trampoline_lowered:
0x8: {  	[smem:$0x3FA8] =	sst s0  }
0x9: {  	[smem:$0x3FA9] =	sst s1  }
0xa: {  	[smem:$0x3FAA] =	sst s2  }
0xb: {  	[smem:$0x3FAB] =	sst s3  }
0xc: {  	[smem:$0x3FAC] =	sst s4  }
0xd: {  	[smem:$0x3FAD] =	sst s5  }
0xe: {  	[smem:$0x3FAE] =	sst s6  }
0xf: {  	[smem:$0x3FAF] =	sst s7  }
0x10: {  	[smem:$0x3FB0] =	sst s8  }
0x11: {  	[smem:$0x3FB1] =	sst s9;
	s0 =	simm.s32 @!p0 $0x0  }
0x12: {  	s1 =	sld [smem:$0x3F97];
	s0 =	simm.s32 @p0 $0x1  }
0x13: {  	[smem:$0x3FB2] =	sst s0;
	s0 =	simm.s32 @!p1 $0x0  }
0x14: {  	s2 =	sld [smem:$0x3F96];
	s0 =	simm.s32 @p1 $0x1  }
0x15: {  	[smem:$0x3FB3] =	sst s0;
	s0 =	simm.s32 @!p2 $0x0  }
0x16: {  	s3 =	sld [smem:$0x3FDB];
	s0 =	simm.s32 @p2 $0x1  }
0x17: {  	s4 =	simm.s32 $0x1BF5;
	[smem:$0x3FB5] =	sst s0  }
0x18: {  	s0 =	sld [smem:$0x3F98];
	_ =	swait.ge [sflag:s4], $0x0  }
0x19: {  	s7 =	sld [smem:$0x3F99]  }
0x1a: {  	s8 =	sadd.s32 $0xFFFFE003, lr  }
0x1b: {  	s9 =	sadd.s32 $0xFFFFFEF7, lr;
	s5 =	simm.s32 $0xFFFFFFFF;
	p2 =	slt.u32 s8, $0xFFFFF086  }
0x1c: {  	p1 =	slt.u32 s9, $0xF7A;
	s5 =	simm.s32 @!p2 $0x0  }
0x1d: {  	s5 =	simm.s32 @p1 $0x1;
	p0 =	seq.s32 s7, s2  }
0x1e: {  	s7 =	smul.u32 @!p0 $0xF7A, s2;
	p2 =	seq.s32 @!p0 s5, $0x0  }
0x1f: {  	s9 =	smul.u32 $0xF7A, s1;
	s8 =	simm.s32 @!p0 $0x1BF5;
	p2 =	por !p2, p0  }
0x20: {  	[sflag:s8] =	ssyncset.s32 @!p0 $0xFFFFF086;
	s6 =	sadd.s32 @!p0 s3, s7;
	s7 =	simm.s32 @!p0 $0x108  }
0x21: {  	s3 =	sadd.s32 s3, s9;
	s6 =	sadd.s32 @!p0 $0x88, s6;
	s7 =	simm.s32 @p2 $0x1082  }
0x22: {  	[simem:s7], [sflag:s8] =	dma.local @!p0 [hbm:s6], $0xF7A  }
0x23: {  	s9 =	sor.u32 $0xD0000000, s2;
	s6 =	simm.s32 $0x108;
	_ =	swait.ge @!p0 [sflag:s8], $0x0  }
0x24: {  	s3 =	sadd.s32 $0x88, s3;
	s6 =	simm.s32 @!p1 $0x1082;
	[sflag:s4] =	ssyncset.s32 $0xFFFFF086  }
0x25: {  	[simem:s6], [sflag:s4] =	dma.local [hbm:s3], $0xF7A  }
0x26: {  	[smem:$0x3F99] =	sst s1;
	(tag) =	ssettag s2;
	_ =	strace s9  }
0x27: {  	s1 =	sld [smem:$0x3FA9]  }
0x28: {  	s2 =	sld [smem:$0x3FAA]  }
0x29: {  	s4 =	sld [smem:$0x3FAC]  }
0x2a: {  	p0 =	seq.s32 s5, $0x0;
	s5 =	sld [smem:$0x3FAD]  }
0x2b: {  	s6 =	sld [smem:$0x3FAE]  }
0x2c: {  	s7 =	sld [smem:$0x3FAF]  }
0x2d: {  	s3 =	simm.s32 $0x108;
	s8 =	sld [smem:$0x3FB0]  }
0x2e: {  	s3 =	simm.s32 @!p0 $0x1082;
	s9 =	sld [smem:$0x3FB1]  }
0x2f: {  	lr =	sadd.s32 s0, s3;
	s0 =	sld [smem:$0x3FA8]  }
0x30: {  	s3 =	sld [smem:$0x3FAB]  }
0x31: {  	[smem:$0x3FB4] =	sst s10  }
0x32: {  	s10 =	sld [smem:$0x3FB2];
	_ =	sdelay $0x3  }
0x33: {  	p0 =	seq.s32 s10, $0x1;
	s10 =	sld [smem:$0x3FB4];
	_ =	sdelay $0x3  }
0x34: {  	[smem:$0x3FB4] =	sst s10  }
0x35: {  	s10 =	sld [smem:$0x3FB3];
	_ =	sdelay $0x3  }
0x36: {  	p1 =	seq.s32 s10, $0x1;
	s10 =	sld [smem:$0x3FB4];
	_ =	sdelay $0x3  }
0x37: {  	[smem:$0x3FB4] =	sst s10  }
0x38: {  	s10 =	sld [smem:$0x3FB5]  }
0x39: {  	_ = 	snop;
	(pc) =	sbr.ind lr, $3  }
0x3a: {  	_ = 	snop  }
0x3b: {  	_ = 	snop  }
0x3c: {  	p2 =	seq.s32 s10, $0x1;
	s10 =	sld [smem:$0x3FB4]  }
0x3d: {  	_ =	shalt  }
0x3e: {  	_ =	shalt  }
0x3f: {  	_ =	shalt  }
0x40: {  	_ =	shalt  }
0x41: {  	_ =	shalt  }
0x42: {  	_ =	shalt  }
0x43: {  	_ =	shalt  }
0x44: {  	_ =	shalt  }
0x45: {  	_ =	shalt  }
0x46: {  	_ =	shalt  }
0x47: {  	_ =	shalt  }
0x48: {  	_ =	shalt  }
0x49: {  	_ =	shalt  }
0x4a: {  	_ =	shalt  }
0x4b: {  	_ =	shalt  }
0x4c: {  	_ =	shalt  }
0x4d: {  	_ =	shalt  }
0x4e: {  	_ =	shalt  }
0x4f: {  	_ =	shalt  }
0x50: {  	_ =	shalt  }
0x51: {  	_ =	shalt  }
0x52: {  	_ =	shalt  }
0x53: {  	_ =	shalt  }
0x54: {  	_ =	shalt  }
0x55: {  	_ =	shalt  }
0x56: {  	_ =	shalt  }
0x57: {  	_ =	shalt  }
0x58: {  	_ =	shalt  }
0x59: {  	_ =	shalt  }
0x5a: {  	_ =	shalt  }
0x5b: {  	_ =	shalt  }
0x5c: {  	_ =	shalt  }
0x5d: {  	_ =	shalt  }
0x5e: {  	_ =	shalt  }
0x5f: {  	_ =	shalt  }
0x60: {  	_ =	shalt  }
0x61: {  	_ =	shalt  }
0x62: {  	_ =	shalt  }
0x63: {  	_ =	shalt  }
0x64: {  	_ =	shalt  }
0x65: {  	_ =	shalt  }
0x66: {  	_ =	shalt  }
0x67: {  	_ =	shalt  }
0x68: {  	_ =	shalt  }
0x69: {  	_ =	shalt  }
0x6a: {  	_ =	shalt  }
0x6b: {  	_ =	shalt  }
0x6c: {  	_ =	shalt  }
0x6d: {  	_ =	shalt  }
0x6e: {  	_ =	shalt  }
0x6f: {  	_ =	shalt  }
0x70: {  	_ =	shalt  }
0x71: {  	_ =	shalt  }
0x72: {  	_ =	shalt  }
0x73: {  	_ =	shalt  }
0x74: {  	_ =	shalt  }
0x75: {  	_ =	shalt  }
0x76: {  	_ =	shalt  }
0x77: {  	_ =	shalt  }
0x78: {  	_ =	shalt  }
0x79: {  	_ =	shalt  }
0x7a: {  	_ =	shalt  }
0x7b: {  	_ =	shalt  }
0x7c: {  	_ =	shalt  }
0x7d: {  	_ =	shalt  }
0x7e: {  	_ =	shalt  }
0x7f: {  	_ =	shalt  }
0x80: {  	_ =	shalt  }
0x81: {  	_ =	shalt  }
0x82: {  	_ =	shalt  }
0x83: {  	_ =	shalt  }
0x84: {  	_ =	shalt  }
0x85: {  	_ =	shalt  }
0x86: {  	_ =	shalt  }
0x87: {  	_ =	shalt  }
.Lfunc_end0:
.L_simem_size_0:
called_computation.1_lowered:
.L_overlay_start_0:
0x88: {  	s2 =	sld [smem:$0x3FD9]  }
0x89: {  	s3 =	sld [smem:$0x3FFE];
	_ =	sdelay $0x1  }
0x8a: {  	s1 =	srdreg.scid  }
0x8b: {  	s0 =	sand.u32 $0x1, s1  }
0x8c: {  	s14 =	sshll.u32 s0, $0xA;
	s2 =	sadd.s32 s3, s2  }
0x8d: {  	s2 =	sadd.s32 s2, s14  }
0x8e: {  	[smem:$0x3FC0] =	sst s2  }
0x8f: {  	_ = 	snop  }
0x90: {  	s2 =	sld [smem:$0x3FD0];
	_ =	sdelay $0x2  }
0x91: {  	s15 =	simm.s32 $0xA;
	s4 =	simm.s32 $0x10  }
0x92: {  	[smem:s4], [sflag:s15] =	dma.local [hbm:s2], $0x1  }
0x93: {  	_ =	swait.eq [sflag:s15], $0x1  }
0x94: {  	[sflag:s15] =	ssyncset.done $0x0  }
0x95: {  	s16 =	sld [smem:$0x10];
	[sflag:s15] =	ssyncadd.s32 $0xFFFFFFFF  }
0x96: {  	s17 =	sld [smem:$0x11];
	(tm) =	ssettm $0x1  }
0x97: {  	s18 =	sld [smem:$0x3FFB];
	_ =	sdelay $0x3  }
0x98: {  	_ =	strace s18  }
0x99: {  	s4 =	sld [smem:$0x3FFC];
	_ =	sdelay $0x3  }
0x9a: {  	_ =	strace s4  }
0x9b: {  	s4 =	sld [smem:$0x3FFD];
	_ =	sdelay $0x3  }
0x9c: {  	_ =	strace s4  }
0x9d: {  	_ =	strace $0x8FFFFFFF  }
0x9e: {  	s19 =	sld [smem:$0x3FDB];
	_ =	sdelay $0x1  }
0x9f: {  	s5 =	simm.s32 $_scs_section_size  }
0xa0: {  	s6 =	simm.s32 $_size__tile_overlayer_lowered;
	s7 =	simm.s32 $_tile_overlayer_lowered  }
0xa1: {  	s22 =	simm.s32 $0x1BFF;
	s21 =	sshll.u32 s7, $0x1;
	s4 =	sadd.s32 s5, s19  }
0xa2: {  	s8 =	simm.s32 $0x0;
	s20 =	sshll.u32 s6, $0x1;
	s6 =	sadd.s32 s21, s4  }
0xa3: {  	[timem:s8], [sflag:s22] =	dma.local [hbm:s6], s20  }
0xa4: {  	_ =	swait.ge [sflag:s22], s20  }
0xa5: {  	s5 =	ssub.s32 $0x0, s20;
	[sflag:s22] =	ssyncset.done $0x0  }
0xa6: {  	[sflag:s22] =	ssyncadd.s32 s5;
	_ =	sdelay $0x1  }
0xa7: {  	s23 =	simm.s32 $0x1B8B  }
0xa8: {  	_ =	swait.ge [sflag:s23], $0x1  }
0xa9: {  	[sflag:s23] =	ssyncset.done $0x0  }
0xaa: {  	s25 =	simm.s32 $0x1B8E;
	s24 =	sld [smem:$0x3FFE];
	[sflag:s23] =	ssyncadd.s32 $0xFFFFFFFF  }
0xab: {  	s26 =	simm.s32 $execute0_lowered;
	[smem:$0x3FD2] =	sst s25  }
0xac: {  	s6 =	sshll.u32 s26, $0x1;
	_ =	strace $0x80000049;
	[dreg:$0x1] =	wrdreg $0xFFFFFFFF  }
0xad: {  	s28 =	simm.s32 $_size_execute0_lowered;
	s4 =	sadd.s32 s4, s6;
	[dreg:$0x0] =	wrdreg $0x0  }
0xae: {  	s6 =	sshll.u32 s28, $0x1;
	[dreg:$0x2] =	wrdreg s4  }
0xaf: {  	[dreg:$0x3] =	wrdreg s6  }
0xb0: {  	[dreg:$0x4] =	wrdreg $0xC0  }
0xb1: {  	_ =	task [dreg:s8], $0x5FFFF  }
0xb2: {  	[dreg:$0x1] =	wrdreg $0xFFFFFFFF  }
0xb3: {  	[dreg:$0x0] =	wrdreg $0x60  }
0xb4: {  	[dreg:$0x2] =	wrdreg s24  }
0xb5: {  	[dreg:$0x3] =	wrdreg s17  }
0xb6: {  	[dreg:$0x4] =	wrdreg s16  }
0xb7: {  	[dreg:$0x5] =	wrdreg $0x0  }
0xb8: {  	[dreg:$0x6] =	wrdreg $0x9  }
0xb9: {  	_ =	task.clear_ibuf [dreg:s8], $0x7FFFF;
	_ =	strace $0x90000049  }
0xba: {  	s29 =	simm.s32 $0x9;
	_ =	strace $0x8000004B  }
0xbb: {  	_ =	swait.ge [sflag:s29], $0x1  }
0xbc: {  	[sflag:s29] =	ssyncadd.s32 $0xFFFFFFFF  }
0xbd: {  	_ =	strace $0x9000004B  }
0xbe: {  	_ =	sfence  }
0xbf: {  	s30 =	sld [smem:$0x0];
	_ =	sdelay $0x2  }
0xc0: {  	s31 =	sshll.u32 s1, $0xD;
	s1 =	sshrl.u32 s1, $0x2  }
0xc1: {  	s3 =	sand.u32 $0x4000, s31;
	s1 =	sadd.s32 s1, s30  }
0xc2: {  	s0 =	sor.u32 s3, s0;
	s1 =	sshll.u32 s1, $0x11  }
0xc3: {  	s0 =	sor.u32 s1, s0  }
0xc4: {  	s0 =	sadd.s32 $0x8F2B, s0  }
0xc5: {  	[sflag:s0] =	ssyncadd.remote.s32 $0x1  }
0xc6: {  	_ =	sfence.sel $0xFFFF  }
0xc7: {  	[dreg:$0x0] =	wrdreg $0xFFFFFFFF;
	(pc) =	sbr.abs _section_cstart, $3  }
0xc8: {  	[dreg:$0x1] =	wrdreg $0xFFFFFFFF  }
0xc9: {  	_ =	task.clear_ibuf [dreg:s8], $0x2FFFF;
	_ =	strace $0x9FFFFFFF  }
0xca: {  	(tm) =	ssettm $0x7FFFFFFF  }
0xcb: {  	_ =	shalt  }
tec
execute0_lowered:
.L_overlay_start_1:
0x0: {  	(tag) =	ssettag $0x1  }
0x1: {  	s0 =	rddreg [dreg:$0x0]  }
0x2: {  	s1 =	rddreg [dreg:$0x1]  }
0x3: {  	s2 =	rddreg [dreg:$0x2]  }
0x4: {  	s3 =	rddreg [dreg:$0x3]  }
0x5: {  	s4 =	srdreg.scid;
	s5 =	simm.s32 $0x0;
	s11 =	stileid.u32  }
0x6: {  	s28 =	simm.s32 $0x14180;
	s30 =	simm.s32 $0x50;
	s31 =	simm.s32 $0x14400  }
0x7: {  	s13 =	simm.s32 $0x2;
	s14 =	simm.s32 $0x4;
	s4 =	sand.u32 $0x1, s4  }
0x8: {  	[smem:$0x7FF] =	sst s5;
	s8 =	smul.u32 $0x14000, s11;
	s6 =	sadd.s32 $0x3000, s0  }
0x9: {  	s9 =	sadd.s32 $0x2A200, s0;
	s15 =	sshll.u32 s11, $0xF;
	s11 =	smul.u32 $0x50000, s11  }
0xa: {  	s7 =	smul.u32 $0x140000, s4;
	s16 =	sshll.u32 s4, $0xE;
	s4 =	ssub.s32 $0x2, s4  }
0xb: {  	_ =	strace $0x8000004A;
	[dreg:$0x5] =	wrdreg s9;
	s17 =	sshrl.u32 s4, $0x1  }
0xc: {  	s24 =	sshrl.u32 s11, $0x2;
	s11 =	simm.s32 $0x8;
	s7 =	sadd.s32 s8, s7  }
0xd: {  	s8 =	sor.u32 s16, s15;
	s4 =	ssub.s32 s4, s17;
	s26 =	sadd.s32 s24, s3  }
0xe: {  	s24 =	simm.s32 $0x14300;
	s15 =	simm.s32 $0x0;
	s7 =	sshrl.u32 s7, $0x3  }
0xf: {  	s9 =	sshrl.u32 s8, $0x3;
	[dreg:$0xe] =	wrdreg s26;
	s29 =	smax.u32 s4, $0x1  }
0x10: {  	s26 =	simm.s32 $0x14380;
	s18 =	sadd.s32 s1, s9;
	[dreg:$0x10] =	wrdreg s29  }
0x11: {  	s19 =	sadd.s32 s2, s9;
	s20 =	sor.u32 $0x10, s9;
	[dreg:$0x6] =	wrdreg s18  }
0x12: {  	s0 =	sadd.s32 s7, s0;
	[dreg:$0x7] =	wrdreg s19;
	s12 =	sadd.s32 s1, s20  }
0x13: {  	s10 =	sor.u32 $0x20, s9;
	s7 =	sadd.s32 s2, s20;
	[dreg:$0x8] =	wrdreg s12  }
0x14: {  	s4 =	simm.s32 $0x16C00;
	s21 =	sadd.s32 s1, s10;
	[dreg:$0x9] =	wrdreg s7  }
0x15: {  	s23 =	sor.u32 $0x30, s9;
	s22 =	sadd.s32 s2, s10;
	[dreg:$0xa] =	wrdreg s21  }
.Ltmp0:
0x16: {  	s25 =	sadd.s32 s1, s23;
	[dreg:$0xb] =	wrdreg s22;
	(pc) =	sbr.rel .LBB2_1-.Ltmp0, $4  }
0x17: {  	s9 =	simm.s32 $0x9;
	s0 =	sadd.s32 $0x2CA00, s0;
	[dreg:$0xc] =	wrdreg s25  }
0x18: {  	s10 =	simm.s32 $0x1;
	s7 =	sadd.s32 s2, s23;
	[dreg:$0xf] =	wrdreg s0  }
0x19: {  	s21 =	simm.s32 $0x14000;
	s23 =	simm.s32 $0x14080;
	s25 =	simm.s32 $0x7  }
0x1a: {  	s12 =	simm.s32 $0x1BC00;
	[dreg:$0xd] =	wrdreg s7;
	s7 =	simm.s32 $0x19400  }
.LBB2_4:
0x1b: {  	[bflag:$0x0] =	sbarrier.arrive $0xFFFF  }
0x1c: {  	s0 =	rddreg [dreg:$0xf]  }
0x1d: {  	s16 =	rddreg [dreg:$0x11]  }
0x1e: {  	s17 =	rddreg [dreg:$0x12]  }
0x1f: {  	[hbm:s0], [sflag:s16] =	dma.local [spmem:s17], $0x2800  }
0x20: {  	_ =	swait.ge [sflag:s9], $0x2800  }
0x21: {  	s15 =	sadd.s32 $0x1, s15;
	s29 =	rddreg [dreg:$0x10]  }
0x22: {  	p0 =	sne.s32 s15, s29  }
.Ltmp1:
0x23: {  	_ = 	snop;
	(pc) =	sbr.rel @!p0 .LBB2_5-.Ltmp1, $3  }
0x24: {  	_ =	sdelay $0x1  }
0x25: {  	[sflag:s9] =	ssyncset.done $0x0  }
0x26: {  	[sflag:s9] =	ssyncadd.s32 $0xFFFFD800  }
.LBB2_1:
0x27: {  	s0 =	rddreg [dreg:$0x6];
	s16 =	simm.s32 $0x14200  }
0x28: {  	[tilespmem:s16], [sflag:$0x5] =	stream.linear.gather [hbm4b:s0+s5], $0x80, $0x38;
	[tilespmem:$0x1E400] =	vst v63  }
0x29: {  	s20 =	rddreg [dreg:$0x7]  }
0x2a: {  	[tilespmem:s21], [sflag:$0x5] =	stream.linear.gather [hbm4b:s20+s5], $0x80, $0x38;
	[tilespmem:$0x1E400] =	vst v63  }
0x2b: {  	s22 =	rddreg [dreg:$0x8];
	s17 =	simm.s32 $0x14280  }
0x2c: {  	[tilespmem:s17], [sflag:$0x6] =	stream.linear.gather [hbm4b:s22+s5], $0x80, $0x38;
	[tilespmem:$0x1E400] =	vst v63  }
0x2d: {  	s29 =	rddreg [dreg:$0x9]  }
0x2e: {  	[tilespmem:s23], [sflag:$0x6] =	stream.linear.gather [hbm4b:s29+s5], $0x80, $0x38;
	[tilespmem:$0x1E400] =	vst v63  }
0x2f: {  	s18 =	rddreg [dreg:$0xa]  }
0x30: {  	[tilespmem:s24], [sflag:$0x7] =	stream.linear.gather [hbm4b:s18+s5], $0x80, $0x38;
	[tilespmem:$0x1E400] =	vst v63  }
0x31: {  	s19 =	rddreg [dreg:$0xb];
	s18 =	simm.s32 $0x14100  }
0x32: {  	[tilespmem:s18], [sflag:$0x7] =	stream.linear.gather [hbm4b:s19+s5], $0x80, $0x38;
	[tilespmem:$0x1E400] =	vst v63  }
0x33: {  	s20 =	rddreg [dreg:$0xc]  }
0x34: {  	[tilespmem:s26], [sflag:$0x8] =	stream.linear.gather [hbm4b:s20+s5], $0x80, $0x38;
	[tilespmem:$0x1E400] =	vst v63  }
0x35: {  	s22 =	rddreg [dreg:$0xd];
	s29 =	simm.s32 $0x5  }
0x36: {  	[tilespmem:s28], [sflag:$0x8] =	stream.linear.gather [hbm4b:s22+s5], $0x80, $0x38;
	[tilespmem:$0x1E400] =	vst v63  }
0x37: {  	_ =	swait.ge [sflag:s29], $0x80  }
0x38: {  	[sflag:s29] =	ssyncset.done $0x0  }
0x39: {  	[sflag:s29] =	ssyncadd.s32 $0xFFFFFF80  }
0x3a: {  	_ =	swait.ge [sflag:s29], $0x80  }
0x3b: {  	[sflag:s29] =	ssyncset.done $0x0  }
0x3c: {  	[sflag:s29] =	ssyncadd.s32 $0xFFFFFF80  }
0x3d: {  	[tilespmem:s31], [sflag:$0x1] =	stream.indirect.gather [hbm4b:s6+s30], $0x80, s16, s30, $0xb8;
	[tilespmem:$0x1E400] =	vst v63  }
0x3e: {  	s16 =	simm.s32 $0x6  }
0x3f: {  	_ =	swait.ge [sflag:s16], $0x80  }
0x40: {  	[sflag:s16] =	ssyncset.done $0x0  }
0x41: {  	[sflag:s16] =	ssyncadd.s32 $0xFFFFFF80  }
0x42: {  	_ =	swait.ge [sflag:s16], $0x80  }
0x43: {  	[sflag:s16] =	ssyncset.done $0x0  }
0x44: {  	[sflag:s16] =	ssyncadd.s32 $0xFFFFFF80  }
0x45: {  	[tilespmem:s4], [sflag:$0x2] =	stream.indirect.gather [hbm4b:s6+s30], $0x80, s17, s30, $0xb8;
	[tilespmem:$0x1E400] =	vst v63  }
0x46: {  	s18 =	stileid.u32;
	_ =	swait.ge [sflag:s25], $0x80  }
0x47: {  	s19 =	sshll.u32 s18, $0x6;
	[sflag:s25] =	ssyncset.done $0x0  }
0x48: {  	s16 =	sor.u32 $0x1C09, s19;
	[sflag:s25] =	ssyncadd.s32 $0xFFFFFF80  }
0x49: {  	_ =	swait.ge [sflag:s25], $0x80;
	[dreg:$0x11] =	wrdreg s16  }
0x4a: {  	[sflag:s25] =	ssyncset.done $0x0;
	s20 =	rddreg [dreg:$0xe]  }
0x4b: {  	s29 =	rddreg [dreg:$0x5];
	[sflag:s25] =	ssyncadd.s32 $0xFFFFFF80;
	s22 =	sshrl.u32 s20, $0x3  }
0x4c: {  	[tilespmem:s7], [sflag:$0x3] =	stream.indirect.gather [hbm4b:s6+s30], $0x80, s24, s30, $0xb8;
	[tilespmem:$0x1E400] =	vst v63  }
0x4d: {  	[dreg:$0x12] =	wrdreg s22  }
0x4e: {  	[spmem:s22], [sflag:s16] =	dma.local [hbm:s29], $0x2800  }
0x4f: {  	_ =	swait.ge [sflag:s9], $0x2800  }
0x50: {  	[sflag:s9] =	ssyncset.done $0x0  }
0x51: {  	[sflag:s9] =	ssyncadd.s32 $0xFFFFD800  }
0x52: {  	s17 =	simm.s32 $0x380;
	[bflag:$0x0] =	sbarrier.arrive $0xFFFF  }
.LBB2_2:
0x53: {  	_ =	swait.ge [sflag:s10], $0x2800;
	p0 =	seq.s32 s17, $0x4180  }
0x54: {  	[sflag:s10] =	ssyncset.done $0x0;
	s18 =	sadd.s32 @!p0 $0xFFFFFE80, s17  }
0x55: {  	[sflag:s10] =	ssyncadd.s32 $0xFFFFD800;
	s22 =	sand.u32 @!p0 $0x7C00, s18  }
0x56: {  	[spmem:s3] =	stream.indirect.scatter.add.f32 [tilespmem:s31], [sflag:$0x9], $0x80, s21, s30, $0xb8;
	[tilespmem:$0x1E400] =	vst v63  }
0x57: {  	s18 =	sand.u32 @!p0 $0x200, s18;
	s22 =	sadd.s32 @!p0 s8, s22  }
0x58: {  	_ =	swait.ge [sflag:s9], $0x2800;
	s18 =	sor.u32 @!p0 s18, s22  }
0x59: {  	s29 =	simm.s32 @!p0 $0x14200;
	[sflag:s9] =	ssyncset.done $0x0;
	s22 =	sshrl.u32 @!p0 s18, $0x3  }
0x5a: {  	s18 =	simm.s32 @!p0 $0x0;
	[sflag:s9] =	ssyncadd.s32 $0xFFFFD800;
	s19 =	sadd.s32 @!p0 s1, s22  }
0x5b: {  	[tilespmem:s29], [sflag:$0x5] =	stream.linear.gather @!p0 [hbm4b:s19+s18], $0x80, $0x38;
	[tilespmem:$0x1E400] =	vst v63  }
0x5c: {  	s19 =	sadd.s32 @!p0 s2, s22;
	s22 =	simm.s32 @!p0 $0x14000  }
0x5d: {  	[tilespmem:s22], [sflag:$0x5] =	stream.linear.gather @!p0 [hbm4b:s19+s18], $0x80, $0x38;
	[tilespmem:$0x1E400] =	vst v63  }
0x5e: {  	_ =	swait.ge [sflag:s11], $0x80  }
0x5f: {  	[sflag:s11] =	ssyncset.done $0x0  }
0x60: {  	[sflag:s11] =	ssyncadd.s32 $0xFFFFFF80  }
0x61: {  	_ =	swait.ge [sflag:s11], $0x80  }
0x62: {  	[sflag:s11] =	ssyncset.done $0x0  }
0x63: {  	[sflag:s11] =	ssyncadd.s32 $0xFFFFFF80  }
0x64: {  	[tilespmem:s12], [sflag:$0x4] =	stream.indirect.gather [hbm4b:s6+s30], $0x80, s26, s30, $0xb8;
	[tilespmem:$0x1E400] =	vst v63  }
0x65: {  	_ =	swait.ge [sflag:s13], $0x2800  }
0x66: {  	[sflag:s13] =	ssyncset.done $0x0  }
0x67: {  	[sflag:s13] =	ssyncadd.s32 $0xFFFFD800  }
0x68: {  	[spmem:s3] =	stream.indirect.scatter.add.f32 [tilespmem:s4], [sflag:$0x9], $0x80, s23, s30, $0xb8;
	[tilespmem:$0x1E400] =	vst v63  }
0x69: {  	_ =	swait.ge [sflag:s9], $0x2800  }
0x6a: {  	[sflag:s9] =	ssyncset.done $0x0  }
0x6b: {  	s19 =	simm.s32 @p0 $0x3;
	[sflag:s9] =	ssyncadd.s32 $0xFFFFD800  }
0x6c: {  	_ =	swait.ge @p0 [sflag:s19], $0x2800  }
0x6d: {  	s0 =	simm.s32 @p0 $0x19400;
	[sflag:s19] =	ssyncset.done @p0 $0x0  }
0x6e: {  	s22 =	simm.s32 @p0 $0x14100;
	[sflag:s19] =	ssyncadd.s32 @p0 $0xFFFFD800;
	s19 =	simm.s32 @p0 $0x50  }
0x6f: {  	[spmem:s3] =	stream.indirect.scatter.add.f32 @p0 [tilespmem:s0], [sflag:$0x9], $0x80, s22, s19, $0xb8;
	[tilespmem:$0x1E400] =	vst v63  }
0x70: {  	s0 =	sadd.s32 @!p0 $0xFFFFFF00, s17  }
0x71: {  	s19 =	sand.u32 @!p0 $0x7C00, s0  }
0x72: {  	s22 =	simm.s32 @p0 $0x9;
	s0 =	sand.u32 @!p0 $0x280, s0;
	s19 =	sadd.s32 @!p0 s8, s19  }
0x73: {  	_ =	swait.ge @p0 [sflag:s22], $0x2800;
	s0 =	sor.u32 @!p0 s0, s19  }
0x74: {  	[sflag:s22] =	ssyncset.done @p0 $0x0;
	s0 =	sshrl.u32 @!p0 s0, $0x3  }
0x75: {  	[sflag:s22] =	ssyncadd.s32 @p0 $0xFFFFD800;
	s22 =	simm.s32 @!p0 $0x14280;
	s19 =	sadd.s32 @!p0 s1, s0  }
0x76: {  	[tilespmem:s22], [sflag:$0x6] =	stream.linear.gather @!p0 [hbm4b:s19+s18], $0x80, $0x38;
	[tilespmem:$0x1E400] =	vst v63  }
0x77: {  	s0 =	sadd.s32 @!p0 s2, s0;
	s19 =	simm.s32 @!p0 $0x14080  }
0x78: {  	[tilespmem:s19], [sflag:$0x6] =	stream.linear.gather @!p0 [hbm4b:s0+s18], $0x80, $0x38;
	[tilespmem:$0x1E400] =	vst v63  }
0x79: {  	s0 =	simm.s32 @!p0 $0x5  }
0x7a: {  	_ =	swait.ge @!p0 [sflag:s0], $0x80  }
0x7b: {  	[sflag:s0] =	ssyncset.done @!p0 $0x0  }
0x7c: {  	[sflag:s0] =	ssyncadd.s32 @!p0 $0xFFFFFF80  }
0x7d: {  	_ =	swait.ge @!p0 [sflag:s0], $0x80  }
0x7e: {  	[sflag:s0] =	ssyncset.done @!p0 $0x0  }
0x7f: {  	s19 =	simm.s32 @!p0 $0x14400;
	[sflag:s0] =	ssyncadd.s32 @!p0 $0xFFFFFF80;
	s0 =	simm.s32 @!p0 $0x50  }
0x80: {  	[tilespmem:s19], [sflag:$0x1] =	stream.indirect.gather @!p0 [hbm4b:s6+s0], $0x80, s29, s0, $0xb8;
	[tilespmem:$0x1E400] =	vst v63  }
0x81: {  	s19 =	simm.s32 @!p0 $0x3  }
0x82: {  	_ =	swait.ge @!p0 [sflag:s19], $0x2800  }
0x83: {  	[sflag:s19] =	ssyncset.done @!p0 $0x0  }
0x84: {  	s29 =	simm.s32 @!p0 $0x19400;
	[sflag:s19] =	ssyncadd.s32 @!p0 $0xFFFFD800;
	s19 =	simm.s32 @!p0 $0x14100  }
0x85: {  	[spmem:s3] =	stream.indirect.scatter.add.f32 @!p0 [tilespmem:s29], [sflag:$0x9], $0x80, s19, s0, $0xb8;
	[tilespmem:$0x1E400] =	vst v63  }
0x86: {  	s29 =	sadd.s32 @!p0 $0xFFFFFF80, s17  }
0x87: {  	s16 =	sand.u32 @!p0 $0x7C00, s29  }
0x88: {  	s20 =	simm.s32 @!p0 $0x9;
	s29 =	sand.u32 @!p0 $0x300, s29;
	s16 =	sadd.s32 @!p0 s8, s16  }
0x89: {  	_ =	swait.ge @!p0 [sflag:s20], $0x2800;
	s16 =	sor.u32 @!p0 s29, s16  }
0x8a: {  	[sflag:s20] =	ssyncset.done @!p0 $0x0;
	s16 =	sshrl.u32 @!p0 s16, $0x3  }
0x8b: {  	[sflag:s20] =	ssyncadd.s32 @!p0 $0xFFFFD800;
	s29 =	simm.s32 @!p0 $0x14300;
	s20 =	sadd.s32 @!p0 s1, s16  }
0x8c: {  	[tilespmem:s29], [sflag:$0x7] =	stream.linear.gather @!p0 [hbm4b:s20+s18], $0x80, $0x38;
	[tilespmem:$0x1E400] =	vst v63  }
0x8d: {  	s16 =	sadd.s32 @!p0 s2, s16  }
0x8e: {  	[tilespmem:s19], [sflag:$0x7] =	stream.linear.gather @!p0 [hbm4b:s16+s18], $0x80, $0x38;
	[tilespmem:$0x1E400] =	vst v63  }
0x8f: {  	s16 =	simm.s32 @!p0 $0x6  }
0x90: {  	_ =	swait.ge @!p0 [sflag:s16], $0x80  }
0x91: {  	[sflag:s16] =	ssyncset.done @!p0 $0x0  }
0x92: {  	[sflag:s16] =	ssyncadd.s32 @!p0 $0xFFFFFF80  }
0x93: {  	_ =	swait.ge @!p0 [sflag:s16], $0x80  }
0x94: {  	[sflag:s16] =	ssyncset.done @!p0 $0x0  }
0x95: {  	[sflag:s16] =	ssyncadd.s32 @!p0 $0xFFFFFF80;
	s16 =	simm.s32 @!p0 $0x16C00  }
0x96: {  	[tilespmem:s16], [sflag:$0x2] =	stream.indirect.gather @!p0 [hbm4b:s6+s0], $0x80, s22, s0, $0xb8;
	[tilespmem:$0x1E400] =	vst v63  }
0x97: {  	_ =	swait.ge [sflag:s14], $0x2800  }
0x98: {  	[sflag:s14] =	ssyncset.done $0x0  }
.Ltmp2:
0x99: {  	[sflag:s14] =	ssyncadd.s32 $0xFFFFD800;
	(pc) =	sbr.rel @p0 .LBB2_4-.Ltmp2, $4  }
0x9a: {  	[spmem:s3] =	stream.indirect.scatter.add.f32 [tilespmem:s12], [sflag:$0x9], $0x80, s28, s30, $0xb8;
	[tilespmem:$0x1E400] =	vst v63  }
0x9b: {  	_ =	swait.ge [sflag:s9], $0x2800  }
0x9c: {  	[sflag:s9] =	ssyncset.done $0x0  }
0x9d: {  	[sflag:s9] =	ssyncadd.s32 $0xFFFFD800  }
0x9e: {  	s0 =	sand.u32 $0x7C00, s17  }
0x9f: {  	s16 =	sand.u32 $0x380, s17;
	s0 =	sadd.s32 s8, s0  }
0xa0: {  	s0 =	sor.u32 s16, s0  }
0xa1: {  	s0 =	sshrl.u32 s0, $0x3  }
0xa2: {  	s29 =	sadd.s32 s1, s0  }
0xa3: {  	[tilespmem:s26], [sflag:$0x8] =	stream.linear.gather [hbm4b:s29+s5], $0x80, $0x38;
	[tilespmem:$0x1E400] =	vst v63  }
0xa4: {  	s0 =	sadd.s32 s2, s0  }
0xa5: {  	[tilespmem:s28], [sflag:$0x8] =	stream.linear.gather [hbm4b:s0+s5], $0x80, $0x38;
	[tilespmem:$0x1E400] =	vst v63  }
0xa6: {  	_ =	swait.ge [sflag:s25], $0x80  }
0xa7: {  	[sflag:s25] =	ssyncset.done $0x0  }
.Ltmp3:
0xa8: {  	[sflag:s25] =	ssyncadd.s32 $0xFFFFFF80;
	(pc) =	sbr.rel .LBB2_2-.Ltmp3, $4  }
0xa9: {  	_ =	swait.ge [sflag:s25], $0x80  }
0xaa: {  	[sflag:s25] =	ssyncset.done $0x0  }
0xab: {  	s17 =	sadd.s32 $0x200, s17;
	[sflag:s25] =	ssyncadd.s32 $0xFFFFFF80  }
0xac: {  	[tilespmem:s7], [sflag:$0x3] =	stream.indirect.gather [hbm4b:s6+s30], $0x80, s24, s30, $0xb8;
	[tilespmem:$0x1E400] =	vst v63  }
.LBB2_5:
0xad: {  	_ =	sfence.sel $0x180000  }
0xae: {  	[bflag:$0x0] =	sbarrier.arrive $0xFFFF  }
0xaf: {  	_ =	strace $0x9000004A  }
0xb0: {  	s0 =	stileid.u32;
	[bflag:$0x2] =	sbarrier.arrive $0xFFFF  }
0xb1: {  	p0 =	sne.s32 s0, $0x0;
	s0 =	rddreg [dreg:$0x4]  }
0xb2: {  	s0 =	sadd.s32 @!p0 $0x100000, s0  }
0xb3: {  	[sflag:s0] =	ssyncadd.tile.s32 @!p0 $0x1;
	_ =	shalt  }
.Lfunc_end2:
_tile_overlayer_lowered:
.L_overlay_start_2:
0xb4: {  	(tag) =	ssettag $0x2  }
0xb5: {  	s0 =	rddreg [dreg:$0x0];
	s2 =	stileid.u32  }
0xb6: {  	s1 =	rddreg [dreg:$0x1];
	p0 =	sne.s32 s2, $0x0  }
0xb7: {  	s3 =	rddreg [dreg:$0x2];
	[bflag:$0x3] =	sbarrier.arrive $0xFFFF;
	s2 =	simm.s32 @!p0 $0x1C09  }
0xb8: {  	[timem:s3], [sflag:s2] =	dma.local @!p0 [hbm:s0], s1  }
0xb9: {  	s0 =	simm.s32 @!p0 $0x9  }
0xba: {  	_ =	swait.ge @!p0 [sflag:s0], s1  }
0xbb: {  	s1 =	ssub.s32 @!p0 $0x0, s1;
	[sflag:s0] =	ssyncset.done @!p0 $0x0  }
0xbc: {  	[sflag:s0] =	ssyncadd.s32 @!p0 s1  }
0xbd: {  	[bflag:$0x3] =	sbarrier.arrive $0xFFFF  }
0xbe: {  	_ =	shalt  }

// kernel: kernel.14.cloned.1.call-start
scs
__scs_entry_jumppad:
0x0: {  	(pc) =	sbr.rel $0x88, $3  }
0x1: {  	(tag) =	ssettag $0x0;
	lr =	simm.s32 $0x1  }
0x2: {  	[smem:$0x3F99] =	sst lr;
	_ =	strace $0xD0000000  }
0x3: {  	_ = 	snop  }
0x4: {  	_ = 	snop  }
0x5: {  	_ = 	snop  }
0x6: {  	_ = 	snop  }
0x7: {  	_ = 	snop  }
__scs_overlays_trampoline_lowered:
0x8: {  	[smem:$0x3FA8] =	sst s0  }
0x9: {  	[smem:$0x3FA9] =	sst s1  }
0xa: {  	[smem:$0x3FAA] =	sst s2  }
0xb: {  	[smem:$0x3FAB] =	sst s3  }
0xc: {  	[smem:$0x3FAC] =	sst s4  }
0xd: {  	[smem:$0x3FAD] =	sst s5  }
0xe: {  	[smem:$0x3FAE] =	sst s6  }
0xf: {  	[smem:$0x3FAF] =	sst s7  }
0x10: {  	[smem:$0x3FB0] =	sst s8  }
0x11: {  	[smem:$0x3FB1] =	sst s9;
	s0 =	simm.s32 @!p0 $0x0  }
0x12: {  	s1 =	sld [smem:$0x3F97];
	s0 =	simm.s32 @p0 $0x1  }
0x13: {  	[smem:$0x3FB2] =	sst s0;
	s0 =	simm.s32 @!p1 $0x0  }
0x14: {  	s2 =	sld [smem:$0x3F96];
	s0 =	simm.s32 @p1 $0x1  }
0x15: {  	[smem:$0x3FB3] =	sst s0;
	s0 =	simm.s32 @!p2 $0x0  }
0x16: {  	s3 =	sld [smem:$0x3FDB];
	s0 =	simm.s32 @p2 $0x1  }
0x17: {  	s4 =	simm.s32 $0x1BF5;
	[smem:$0x3FB5] =	sst s0  }
0x18: {  	s0 =	sld [smem:$0x3F98];
	_ =	swait.ge [sflag:s4], $0x0  }
0x19: {  	s7 =	sld [smem:$0x3F99]  }
0x1a: {  	s8 =	sadd.s32 $0xFFFFE003, lr  }
0x1b: {  	s9 =	sadd.s32 $0xFFFFFEF7, lr;
	s5 =	simm.s32 $0xFFFFFFFF;
	p2 =	slt.u32 s8, $0xFFFFF086  }
0x1c: {  	p1 =	slt.u32 s9, $0xF7A;
	s5 =	simm.s32 @!p2 $0x0  }
0x1d: {  	s5 =	simm.s32 @p1 $0x1;
	p0 =	seq.s32 s7, s2  }
0x1e: {  	s7 =	smul.u32 @!p0 $0xF7A, s2;
	p2 =	seq.s32 @!p0 s5, $0x0  }
0x1f: {  	s9 =	smul.u32 $0xF7A, s1;
	s8 =	simm.s32 @!p0 $0x1BF5;
	p2 =	por !p2, p0  }
0x20: {  	[sflag:s8] =	ssyncset.s32 @!p0 $0xFFFFF086;
	s6 =	sadd.s32 @!p0 s3, s7;
	s7 =	simm.s32 @!p0 $0x108  }
0x21: {  	s3 =	sadd.s32 s3, s9;
	s6 =	sadd.s32 @!p0 $0x88, s6;
	s7 =	simm.s32 @p2 $0x1082  }
0x22: {  	[simem:s7], [sflag:s8] =	dma.local @!p0 [hbm:s6], $0xF7A  }
0x23: {  	s9 =	sor.u32 $0xD0000000, s2;
	s6 =	simm.s32 $0x108;
	_ =	swait.ge @!p0 [sflag:s8], $0x0  }
0x24: {  	s3 =	sadd.s32 $0x88, s3;
	s6 =	simm.s32 @!p1 $0x1082;
	[sflag:s4] =	ssyncset.s32 $0xFFFFF086  }
0x25: {  	[simem:s6], [sflag:s4] =	dma.local [hbm:s3], $0xF7A  }
0x26: {  	[smem:$0x3F99] =	sst s1;
	(tag) =	ssettag s2;
	_ =	strace s9  }
0x27: {  	s1 =	sld [smem:$0x3FA9]  }
0x28: {  	s2 =	sld [smem:$0x3FAA]  }
0x29: {  	s4 =	sld [smem:$0x3FAC]  }
0x2a: {  	p0 =	seq.s32 s5, $0x0;
	s5 =	sld [smem:$0x3FAD]  }
0x2b: {  	s6 =	sld [smem:$0x3FAE]  }
0x2c: {  	s7 =	sld [smem:$0x3FAF]  }
0x2d: {  	s3 =	simm.s32 $0x108;
	s8 =	sld [smem:$0x3FB0]  }
0x2e: {  	s3 =	simm.s32 @!p0 $0x1082;
	s9 =	sld [smem:$0x3FB1]  }
0x2f: {  	lr =	sadd.s32 s0, s3;
	s0 =	sld [smem:$0x3FA8]  }
0x30: {  	s3 =	sld [smem:$0x3FAB]  }
0x31: {  	[smem:$0x3FB4] =	sst s10  }
0x32: {  	s10 =	sld [smem:$0x3FB2];
	_ =	sdelay $0x3  }
0x33: {  	p0 =	seq.s32 s10, $0x1;
	s10 =	sld [smem:$0x3FB4];
	_ =	sdelay $0x3  }
0x34: {  	[smem:$0x3FB4] =	sst s10  }
0x35: {  	s10 =	sld [smem:$0x3FB3];
	_ =	sdelay $0x3  }
0x36: {  	p1 =	seq.s32 s10, $0x1;
	s10 =	sld [smem:$0x3FB4];
	_ =	sdelay $0x3  }
0x37: {  	[smem:$0x3FB4] =	sst s10  }
0x38: {  	s10 =	sld [smem:$0x3FB5]  }
0x39: {  	_ = 	snop;
	(pc) =	sbr.ind lr, $3  }
0x3a: {  	_ = 	snop  }
0x3b: {  	_ = 	snop  }
0x3c: {  	p2 =	seq.s32 s10, $0x1;
	s10 =	sld [smem:$0x3FB4]  }
0x3d: {  	_ =	shalt  }
0x3e: {  	_ =	shalt  }
0x3f: {  	_ =	shalt  }
0x40: {  	_ =	shalt  }
0x41: {  	_ =	shalt  }
0x42: {  	_ =	shalt  }
0x43: {  	_ =	shalt  }
0x44: {  	_ =	shalt  }
0x45: {  	_ =	shalt  }
0x46: {  	_ =	shalt  }
0x47: {  	_ =	shalt  }
0x48: {  	_ =	shalt  }
0x49: {  	_ =	shalt  }
0x4a: {  	_ =	shalt  }
0x4b: {  	_ =	shalt  }
0x4c: {  	_ =	shalt  }
0x4d: {  	_ =	shalt  }
0x4e: {  	_ =	shalt  }
0x4f: {  	_ =	shalt  }
0x50: {  	_ =	shalt  }
0x51: {  	_ =	shalt  }
0x52: {  	_ =	shalt  }
0x53: {  	_ =	shalt  }
0x54: {  	_ =	shalt  }
0x55: {  	_ =	shalt  }
0x56: {  	_ =	shalt  }
0x57: {  	_ =	shalt  }
0x58: {  	_ =	shalt  }
0x59: {  	_ =	shalt  }
0x5a: {  	_ =	shalt  }
0x5b: {  	_ =	shalt  }
0x5c: {  	_ =	shalt  }
0x5d: {  	_ =	shalt  }
0x5e: {  	_ =	shalt  }
0x5f: {  	_ =	shalt  }
0x60: {  	_ =	shalt  }
0x61: {  	_ =	shalt  }
0x62: {  	_ =	shalt  }
0x63: {  	_ =	shalt  }
0x64: {  	_ =	shalt  }
0x65: {  	_ =	shalt  }
0x66: {  	_ =	shalt  }
0x67: {  	_ =	shalt  }
0x68: {  	_ =	shalt  }
0x69: {  	_ =	shalt  }
0x6a: {  	_ =	shalt  }
0x6b: {  	_ =	shalt  }
0x6c: {  	_ =	shalt  }
0x6d: {  	_ =	shalt  }
0x6e: {  	_ =	shalt  }
0x6f: {  	_ =	shalt  }
0x70: {  	_ =	shalt  }
0x71: {  	_ =	shalt  }
0x72: {  	_ =	shalt  }
0x73: {  	_ =	shalt  }
0x74: {  	_ =	shalt  }
0x75: {  	_ =	shalt  }
0x76: {  	_ =	shalt  }
0x77: {  	_ =	shalt  }
0x78: {  	_ =	shalt  }
0x79: {  	_ =	shalt  }
0x7a: {  	_ =	shalt  }
0x7b: {  	_ =	shalt  }
0x7c: {  	_ =	shalt  }
0x7d: {  	_ =	shalt  }
0x7e: {  	_ =	shalt  }
0x7f: {  	_ =	shalt  }
0x80: {  	_ =	shalt  }
0x81: {  	_ =	shalt  }
0x82: {  	_ =	shalt  }
0x83: {  	_ =	shalt  }
0x84: {  	_ =	shalt  }
0x85: {  	_ =	shalt  }
0x86: {  	_ =	shalt  }
0x87: {  	_ =	shalt  }
.Lfunc_end0:
.L_simem_size_0:
called_computation.2_lowered:
.L_overlay_start_0:
0x88: {  	s2 =	sld [smem:$0x3FD9]  }
0x89: {  	s3 =	sld [smem:$0x3FFE];
	_ =	sdelay $0x1  }
0x8a: {  	s1 =	srdreg.scid  }
0x8b: {  	s0 =	sand.u32 $0x1, s1  }
0x8c: {  	s14 =	sshll.u32 s0, $0xA;
	s2 =	sadd.s32 s3, s2  }
0x8d: {  	s2 =	sadd.s32 s2, s14  }
0x8e: {  	[smem:$0x3FC0] =	sst s2  }
0x8f: {  	_ = 	snop  }
0x90: {  	s2 =	sld [smem:$0x3FD0];
	_ =	sdelay $0x2  }
0x91: {  	s15 =	simm.s32 $0xA;
	s4 =	simm.s32 $0x10  }
0x92: {  	[smem:s4], [sflag:s15] =	dma.local [hbm:s2], $0x1  }
0x93: {  	_ =	swait.eq [sflag:s15], $0x1  }
0x94: {  	[sflag:s15] =	ssyncset.done $0x0  }
0x95: {  	s16 =	sld [smem:$0x10];
	[sflag:s15] =	ssyncadd.s32 $0xFFFFFFFF  }
0x96: {  	s17 =	sld [smem:$0x11];
	(tm) =	ssettm $0x1  }
0x97: {  	s18 =	sld [smem:$0x3FFB];
	_ =	sdelay $0x3  }
0x98: {  	_ =	strace s18  }
0x99: {  	s4 =	sld [smem:$0x3FFC];
	_ =	sdelay $0x3  }
0x9a: {  	_ =	strace s4  }
0x9b: {  	s4 =	sld [smem:$0x3FFD];
	_ =	sdelay $0x3  }
0x9c: {  	_ =	strace s4  }
0x9d: {  	_ =	strace $0x8FFFFFFF  }
0x9e: {  	s19 =	sld [smem:$0x3FDB];
	_ =	sdelay $0x1  }
0x9f: {  	s5 =	simm.s32 $_scs_section_size  }
0xa0: {  	s6 =	simm.s32 $_size__tile_overlayer_lowered;
	s7 =	simm.s32 $_tile_overlayer_lowered  }
0xa1: {  	s22 =	simm.s32 $0x1BFF;
	s21 =	sshll.u32 s7, $0x1;
	s4 =	sadd.s32 s5, s19  }
0xa2: {  	s8 =	simm.s32 $0x0;
	s20 =	sshll.u32 s6, $0x1;
	s6 =	sadd.s32 s21, s4  }
0xa3: {  	[timem:s8], [sflag:s22] =	dma.local [hbm:s6], s20  }
0xa4: {  	_ =	swait.ge [sflag:s22], s20  }
0xa5: {  	s5 =	ssub.s32 $0x0, s20;
	[sflag:s22] =	ssyncset.done $0x0  }
0xa6: {  	[sflag:s22] =	ssyncadd.s32 s5;
	_ =	sdelay $0x1  }
0xa7: {  	s23 =	simm.s32 $0x1B8B  }
0xa8: {  	_ =	swait.ge [sflag:s23], $0x1  }
0xa9: {  	[sflag:s23] =	ssyncset.done $0x0  }
0xaa: {  	s25 =	simm.s32 $0x1B8E;
	s24 =	sld [smem:$0x3FFE];
	[sflag:s23] =	ssyncadd.s32 $0xFFFFFFFF  }
0xab: {  	s26 =	simm.s32 $execute0_lowered;
	[smem:$0x3FD2] =	sst s25  }
0xac: {  	s6 =	sshll.u32 s26, $0x1;
	_ =	strace $0x8000004C;
	[dreg:$0x1] =	wrdreg $0xFFFFFFFF  }
0xad: {  	s28 =	simm.s32 $_size_execute0_lowered;
	s4 =	sadd.s32 s4, s6;
	[dreg:$0x0] =	wrdreg $0x0  }
0xae: {  	s6 =	sshll.u32 s28, $0x1;
	[dreg:$0x2] =	wrdreg s4  }
0xaf: {  	[dreg:$0x3] =	wrdreg s6  }
0xb0: {  	[dreg:$0x4] =	wrdreg $0xC0  }
0xb1: {  	_ =	task [dreg:s8], $0x5FFFF  }
0xb2: {  	[dreg:$0x1] =	wrdreg $0xFFFFFFFF  }
0xb3: {  	[dreg:$0x0] =	wrdreg $0x60  }
0xb4: {  	[dreg:$0x2] =	wrdreg s24  }
0xb5: {  	[dreg:$0x3] =	wrdreg s17  }
0xb6: {  	[dreg:$0x4] =	wrdreg s16  }
0xb7: {  	[dreg:$0x5] =	wrdreg $0x0  }
0xb8: {  	[dreg:$0x6] =	wrdreg $0x9  }
0xb9: {  	_ =	task.clear_ibuf [dreg:s8], $0x7FFFF;
	_ =	strace $0x9000004C  }
0xba: {  	s29 =	simm.s32 $0x9;
	_ =	strace $0x8000004E  }
0xbb: {  	_ =	swait.ge [sflag:s29], $0x1  }
0xbc: {  	[sflag:s29] =	ssyncadd.s32 $0xFFFFFFFF  }
0xbd: {  	_ =	strace $0x9000004E  }
0xbe: {  	_ =	sfence  }
0xbf: {  	s30 =	sld [smem:$0x0];
	_ =	sdelay $0x2  }
0xc0: {  	s31 =	sshll.u32 s1, $0xD;
	s1 =	sshrl.u32 s1, $0x2  }
0xc1: {  	s3 =	sand.u32 $0x4000, s31;
	s1 =	sadd.s32 s1, s30  }
0xc2: {  	s0 =	sor.u32 s3, s0;
	s1 =	sshll.u32 s1, $0x11  }
0xc3: {  	s0 =	sor.u32 s1, s0  }
0xc4: {  	s0 =	sadd.s32 $0x8F2B, s0  }
0xc5: {  	[sflag:s0] =	ssyncadd.remote.s32 $0x1  }
0xc6: {  	_ =	sfence.sel $0xFFFF  }
0xc7: {  	[dreg:$0x0] =	wrdreg $0xFFFFFFFF;
	(pc) =	sbr.abs _section_cstart, $3  }
0xc8: {  	[dreg:$0x1] =	wrdreg $0xFFFFFFFF  }
0xc9: {  	_ =	task.clear_ibuf [dreg:s8], $0x2FFFF;
	_ =	strace $0x9FFFFFFF  }
0xca: {  	(tm) =	ssettm $0x7FFFFFFF  }
0xcb: {  	_ =	shalt  }
tec
execute0_lowered:
.L_overlay_start_1:
0x0: {  	(tag) =	ssettag $0x1  }
0x1: {  	s0 =	rddreg [dreg:$0x0]  }
0x2: {  	s1 =	rddreg [dreg:$0x1]  }
0x3: {  	s2 =	rddreg [dreg:$0x2]  }
0x4: {  	s3 =	rddreg [dreg:$0x3]  }
0x5: {  	s4 =	srdreg.scid;
	s5 =	simm.s32 $0x0;
	s11 =	stileid.u32  }
0x6: {  	s28 =	simm.s32 $0x14180;
	s30 =	simm.s32 $0x50;
	s31 =	simm.s32 $0x14400  }
0x7: {  	s13 =	simm.s32 $0x2;
	s14 =	simm.s32 $0x4;
	s4 =	sand.u32 $0x1, s4  }
0x8: {  	[smem:$0x7FF] =	sst s5;
	s8 =	smul.u32 $0x14000, s11;
	s6 =	sadd.s32 $0x3000, s0  }
0x9: {  	s9 =	sadd.s32 $0x2A200, s0;
	s15 =	sshll.u32 s11, $0xF;
	s11 =	smul.u32 $0x50000, s11  }
0xa: {  	s7 =	smul.u32 $0x140000, s4;
	s16 =	sshll.u32 s4, $0xE;
	s4 =	ssub.s32 $0x2, s4  }
0xb: {  	_ =	strace $0x8000004D;
	[dreg:$0x5] =	wrdreg s9;
	s17 =	sshrl.u32 s4, $0x1  }
0xc: {  	s24 =	sshrl.u32 s11, $0x2;
	s11 =	simm.s32 $0x8;
	s7 =	sadd.s32 s8, s7  }
0xd: {  	s8 =	sor.u32 s16, s15;
	s4 =	ssub.s32 s4, s17;
	s26 =	sadd.s32 s24, s3  }
0xe: {  	s24 =	simm.s32 $0x14300;
	s15 =	simm.s32 $0x0;
	s7 =	sshrl.u32 s7, $0x3  }
0xf: {  	s9 =	sshrl.u32 s8, $0x3;
	[dreg:$0xe] =	wrdreg s26;
	s29 =	smax.u32 s4, $0x1  }
0x10: {  	s26 =	simm.s32 $0x14380;
	s18 =	sadd.s32 s1, s9;
	[dreg:$0x10] =	wrdreg s29  }
0x11: {  	s19 =	sadd.s32 s2, s9;
	s20 =	sor.u32 $0x10, s9;
	[dreg:$0x6] =	wrdreg s18  }
0x12: {  	s0 =	sadd.s32 s7, s0;
	[dreg:$0x7] =	wrdreg s19;
	s12 =	sadd.s32 s1, s20  }
0x13: {  	s10 =	sor.u32 $0x20, s9;
	s7 =	sadd.s32 s2, s20;
	[dreg:$0x8] =	wrdreg s12  }
0x14: {  	s4 =	simm.s32 $0x16C00;
	s21 =	sadd.s32 s1, s10;
	[dreg:$0x9] =	wrdreg s7  }
0x15: {  	s23 =	sor.u32 $0x30, s9;
	s22 =	sadd.s32 s2, s10;
	[dreg:$0xa] =	wrdreg s21  }
.Ltmp0:
0x16: {  	s25 =	sadd.s32 s1, s23;
	[dreg:$0xb] =	wrdreg s22;
	(pc) =	sbr.rel .LBB2_1-.Ltmp0, $4  }
0x17: {  	s9 =	simm.s32 $0x9;
	s0 =	sadd.s32 $0x2CA00, s0;
	[dreg:$0xc] =	wrdreg s25  }
0x18: {  	s10 =	simm.s32 $0x1;
	s7 =	sadd.s32 s2, s23;
	[dreg:$0xf] =	wrdreg s0  }
0x19: {  	s21 =	simm.s32 $0x14000;
	s23 =	simm.s32 $0x14080;
	s25 =	simm.s32 $0x7  }
0x1a: {  	s12 =	simm.s32 $0x1BC00;
	[dreg:$0xd] =	wrdreg s7;
	s7 =	simm.s32 $0x19400  }
.LBB2_4:
0x1b: {  	[bflag:$0x0] =	sbarrier.arrive $0xFFFF  }
0x1c: {  	s0 =	rddreg [dreg:$0xf]  }
0x1d: {  	s16 =	rddreg [dreg:$0x11]  }
0x1e: {  	s17 =	rddreg [dreg:$0x12]  }
0x1f: {  	[hbm:s0], [sflag:s16] =	dma.local [spmem:s17], $0x2800  }
0x20: {  	_ =	swait.ge [sflag:s9], $0x2800  }
0x21: {  	s15 =	sadd.s32 $0x1, s15;
	s29 =	rddreg [dreg:$0x10]  }
0x22: {  	p0 =	sne.s32 s15, s29  }
.Ltmp1:
0x23: {  	_ = 	snop;
	(pc) =	sbr.rel @!p0 .LBB2_5-.Ltmp1, $3  }
0x24: {  	_ =	sdelay $0x1  }
0x25: {  	[sflag:s9] =	ssyncset.done $0x0  }
0x26: {  	[sflag:s9] =	ssyncadd.s32 $0xFFFFD800  }
.LBB2_1:
0x27: {  	s0 =	rddreg [dreg:$0x6];
	s16 =	simm.s32 $0x14200  }
0x28: {  	[tilespmem:s16], [sflag:$0x5] =	stream.linear.gather [hbm4b:s0+s5], $0x80, $0x38;
	[tilespmem:$0x1E400] =	vst v63  }
0x29: {  	s20 =	rddreg [dreg:$0x7]  }
0x2a: {  	[tilespmem:s21], [sflag:$0x5] =	stream.linear.gather [hbm4b:s20+s5], $0x80, $0x38;
	[tilespmem:$0x1E400] =	vst v63  }
0x2b: {  	s22 =	rddreg [dreg:$0x8];
	s17 =	simm.s32 $0x14280  }
0x2c: {  	[tilespmem:s17], [sflag:$0x6] =	stream.linear.gather [hbm4b:s22+s5], $0x80, $0x38;
	[tilespmem:$0x1E400] =	vst v63  }
0x2d: {  	s29 =	rddreg [dreg:$0x9]  }
0x2e: {  	[tilespmem:s23], [sflag:$0x6] =	stream.linear.gather [hbm4b:s29+s5], $0x80, $0x38;
	[tilespmem:$0x1E400] =	vst v63  }
0x2f: {  	s18 =	rddreg [dreg:$0xa]  }
0x30: {  	[tilespmem:s24], [sflag:$0x7] =	stream.linear.gather [hbm4b:s18+s5], $0x80, $0x38;
	[tilespmem:$0x1E400] =	vst v63  }
0x31: {  	s19 =	rddreg [dreg:$0xb];
	s18 =	simm.s32 $0x14100  }
0x32: {  	[tilespmem:s18], [sflag:$0x7] =	stream.linear.gather [hbm4b:s19+s5], $0x80, $0x38;
	[tilespmem:$0x1E400] =	vst v63  }
0x33: {  	s20 =	rddreg [dreg:$0xc]  }
0x34: {  	[tilespmem:s26], [sflag:$0x8] =	stream.linear.gather [hbm4b:s20+s5], $0x80, $0x38;
	[tilespmem:$0x1E400] =	vst v63  }
0x35: {  	s22 =	rddreg [dreg:$0xd];
	s29 =	simm.s32 $0x5  }
0x36: {  	[tilespmem:s28], [sflag:$0x8] =	stream.linear.gather [hbm4b:s22+s5], $0x80, $0x38;
	[tilespmem:$0x1E400] =	vst v63  }
0x37: {  	_ =	swait.ge [sflag:s29], $0x80  }
0x38: {  	[sflag:s29] =	ssyncset.done $0x0  }
0x39: {  	[sflag:s29] =	ssyncadd.s32 $0xFFFFFF80  }
0x3a: {  	_ =	swait.ge [sflag:s29], $0x80  }
0x3b: {  	[sflag:s29] =	ssyncset.done $0x0  }
0x3c: {  	[sflag:s29] =	ssyncadd.s32 $0xFFFFFF80  }
0x3d: {  	[tilespmem:s31], [sflag:$0x1] =	stream.indirect.gather [hbm4b:s6+s30], $0x80, s16, s30, $0xb8;
	[tilespmem:$0x1E400] =	vst v63  }
0x3e: {  	s16 =	simm.s32 $0x6  }
0x3f: {  	_ =	swait.ge [sflag:s16], $0x80  }
0x40: {  	[sflag:s16] =	ssyncset.done $0x0  }
0x41: {  	[sflag:s16] =	ssyncadd.s32 $0xFFFFFF80  }
0x42: {  	_ =	swait.ge [sflag:s16], $0x80  }
0x43: {  	[sflag:s16] =	ssyncset.done $0x0  }
0x44: {  	[sflag:s16] =	ssyncadd.s32 $0xFFFFFF80  }
0x45: {  	[tilespmem:s4], [sflag:$0x2] =	stream.indirect.gather [hbm4b:s6+s30], $0x80, s17, s30, $0xb8;
	[tilespmem:$0x1E400] =	vst v63  }
0x46: {  	s18 =	stileid.u32;
	_ =	swait.ge [sflag:s25], $0x80  }
0x47: {  	s19 =	sshll.u32 s18, $0x6;
	[sflag:s25] =	ssyncset.done $0x0  }
0x48: {  	s16 =	sor.u32 $0x1C09, s19;
	[sflag:s25] =	ssyncadd.s32 $0xFFFFFF80  }
0x49: {  	_ =	swait.ge [sflag:s25], $0x80;
	[dreg:$0x11] =	wrdreg s16  }
0x4a: {  	[sflag:s25] =	ssyncset.done $0x0;
	s20 =	rddreg [dreg:$0xe]  }
0x4b: {  	s29 =	rddreg [dreg:$0x5];
	[sflag:s25] =	ssyncadd.s32 $0xFFFFFF80;
	s22 =	sshrl.u32 s20, $0x3  }
0x4c: {  	[tilespmem:s7], [sflag:$0x3] =	stream.indirect.gather [hbm4b:s6+s30], $0x80, s24, s30, $0xb8;
	[tilespmem:$0x1E400] =	vst v63  }
0x4d: {  	[dreg:$0x12] =	wrdreg s22  }
0x4e: {  	[spmem:s22], [sflag:s16] =	dma.local [hbm:s29], $0x2800  }
0x4f: {  	_ =	swait.ge [sflag:s9], $0x2800  }
0x50: {  	[sflag:s9] =	ssyncset.done $0x0  }
0x51: {  	[sflag:s9] =	ssyncadd.s32 $0xFFFFD800  }
0x52: {  	s17 =	simm.s32 $0x380;
	[bflag:$0x0] =	sbarrier.arrive $0xFFFF  }
.LBB2_2:
0x53: {  	_ =	swait.ge [sflag:s10], $0x2800;
	p0 =	seq.s32 s17, $0x4180  }
0x54: {  	[sflag:s10] =	ssyncset.done $0x0;
	s18 =	sadd.s32 @!p0 $0xFFFFFE80, s17  }
0x55: {  	[sflag:s10] =	ssyncadd.s32 $0xFFFFD800;
	s22 =	sand.u32 @!p0 $0x7C00, s18  }
0x56: {  	[spmem:s3] =	stream.indirect.scatter.add.f32 [tilespmem:s31], [sflag:$0x9], $0x80, s21, s30, $0xb8;
	[tilespmem:$0x1E400] =	vst v63  }
0x57: {  	s18 =	sand.u32 @!p0 $0x200, s18;
	s22 =	sadd.s32 @!p0 s8, s22  }
0x58: {  	_ =	swait.ge [sflag:s9], $0x2800;
	s18 =	sor.u32 @!p0 s18, s22  }
0x59: {  	s29 =	simm.s32 @!p0 $0x14200;
	[sflag:s9] =	ssyncset.done $0x0;
	s22 =	sshrl.u32 @!p0 s18, $0x3  }
0x5a: {  	s18 =	simm.s32 @!p0 $0x0;
	[sflag:s9] =	ssyncadd.s32 $0xFFFFD800;
	s19 =	sadd.s32 @!p0 s1, s22  }
0x5b: {  	[tilespmem:s29], [sflag:$0x5] =	stream.linear.gather @!p0 [hbm4b:s19+s18], $0x80, $0x38;
	[tilespmem:$0x1E400] =	vst v63  }
0x5c: {  	s19 =	sadd.s32 @!p0 s2, s22;
	s22 =	simm.s32 @!p0 $0x14000  }
0x5d: {  	[tilespmem:s22], [sflag:$0x5] =	stream.linear.gather @!p0 [hbm4b:s19+s18], $0x80, $0x38;
	[tilespmem:$0x1E400] =	vst v63  }
0x5e: {  	_ =	swait.ge [sflag:s11], $0x80  }
0x5f: {  	[sflag:s11] =	ssyncset.done $0x0  }
0x60: {  	[sflag:s11] =	ssyncadd.s32 $0xFFFFFF80  }
0x61: {  	_ =	swait.ge [sflag:s11], $0x80  }
0x62: {  	[sflag:s11] =	ssyncset.done $0x0  }
0x63: {  	[sflag:s11] =	ssyncadd.s32 $0xFFFFFF80  }
0x64: {  	[tilespmem:s12], [sflag:$0x4] =	stream.indirect.gather [hbm4b:s6+s30], $0x80, s26, s30, $0xb8;
	[tilespmem:$0x1E400] =	vst v63  }
0x65: {  	_ =	swait.ge [sflag:s13], $0x2800  }
0x66: {  	[sflag:s13] =	ssyncset.done $0x0  }
0x67: {  	[sflag:s13] =	ssyncadd.s32 $0xFFFFD800  }
0x68: {  	[spmem:s3] =	stream.indirect.scatter.add.f32 [tilespmem:s4], [sflag:$0x9], $0x80, s23, s30, $0xb8;
	[tilespmem:$0x1E400] =	vst v63  }
0x69: {  	_ =	swait.ge [sflag:s9], $0x2800  }
0x6a: {  	[sflag:s9] =	ssyncset.done $0x0  }
0x6b: {  	s19 =	simm.s32 @p0 $0x3;
	[sflag:s9] =	ssyncadd.s32 $0xFFFFD800  }
0x6c: {  	_ =	swait.ge @p0 [sflag:s19], $0x2800  }
0x6d: {  	s0 =	simm.s32 @p0 $0x19400;
	[sflag:s19] =	ssyncset.done @p0 $0x0  }
0x6e: {  	s22 =	simm.s32 @p0 $0x14100;
	[sflag:s19] =	ssyncadd.s32 @p0 $0xFFFFD800;
	s19 =	simm.s32 @p0 $0x50  }
0x6f: {  	[spmem:s3] =	stream.indirect.scatter.add.f32 @p0 [tilespmem:s0], [sflag:$0x9], $0x80, s22, s19, $0xb8;
	[tilespmem:$0x1E400] =	vst v63  }
0x70: {  	s0 =	sadd.s32 @!p0 $0xFFFFFF00, s17  }
0x71: {  	s19 =	sand.u32 @!p0 $0x7C00, s0  }
0x72: {  	s22 =	simm.s32 @p0 $0x9;
	s0 =	sand.u32 @!p0 $0x280, s0;
	s19 =	sadd.s32 @!p0 s8, s19  }
0x73: {  	_ =	swait.ge @p0 [sflag:s22], $0x2800;
	s0 =	sor.u32 @!p0 s0, s19  }
0x74: {  	[sflag:s22] =	ssyncset.done @p0 $0x0;
	s0 =	sshrl.u32 @!p0 s0, $0x3  }
0x75: {  	[sflag:s22] =	ssyncadd.s32 @p0 $0xFFFFD800;
	s22 =	simm.s32 @!p0 $0x14280;
	s19 =	sadd.s32 @!p0 s1, s0  }
0x76: {  	[tilespmem:s22], [sflag:$0x6] =	stream.linear.gather @!p0 [hbm4b:s19+s18], $0x80, $0x38;
	[tilespmem:$0x1E400] =	vst v63  }
0x77: {  	s0 =	sadd.s32 @!p0 s2, s0;
	s19 =	simm.s32 @!p0 $0x14080  }
0x78: {  	[tilespmem:s19], [sflag:$0x6] =	stream.linear.gather @!p0 [hbm4b:s0+s18], $0x80, $0x38;
	[tilespmem:$0x1E400] =	vst v63  }
0x79: {  	s0 =	simm.s32 @!p0 $0x5  }
0x7a: {  	_ =	swait.ge @!p0 [sflag:s0], $0x80  }
0x7b: {  	[sflag:s0] =	ssyncset.done @!p0 $0x0  }
0x7c: {  	[sflag:s0] =	ssyncadd.s32 @!p0 $0xFFFFFF80  }
0x7d: {  	_ =	swait.ge @!p0 [sflag:s0], $0x80  }
0x7e: {  	[sflag:s0] =	ssyncset.done @!p0 $0x0  }
0x7f: {  	s19 =	simm.s32 @!p0 $0x14400;
	[sflag:s0] =	ssyncadd.s32 @!p0 $0xFFFFFF80;
	s0 =	simm.s32 @!p0 $0x50  }
0x80: {  	[tilespmem:s19], [sflag:$0x1] =	stream.indirect.gather @!p0 [hbm4b:s6+s0], $0x80, s29, s0, $0xb8;
	[tilespmem:$0x1E400] =	vst v63  }
0x81: {  	s19 =	simm.s32 @!p0 $0x3  }
0x82: {  	_ =	swait.ge @!p0 [sflag:s19], $0x2800  }
0x83: {  	[sflag:s19] =	ssyncset.done @!p0 $0x0  }
0x84: {  	s29 =	simm.s32 @!p0 $0x19400;
	[sflag:s19] =	ssyncadd.s32 @!p0 $0xFFFFD800;
	s19 =	simm.s32 @!p0 $0x14100  }
0x85: {  	[spmem:s3] =	stream.indirect.scatter.add.f32 @!p0 [tilespmem:s29], [sflag:$0x9], $0x80, s19, s0, $0xb8;
	[tilespmem:$0x1E400] =	vst v63  }
0x86: {  	s29 =	sadd.s32 @!p0 $0xFFFFFF80, s17  }
0x87: {  	s16 =	sand.u32 @!p0 $0x7C00, s29  }
0x88: {  	s20 =	simm.s32 @!p0 $0x9;
	s29 =	sand.u32 @!p0 $0x300, s29;
	s16 =	sadd.s32 @!p0 s8, s16  }
0x89: {  	_ =	swait.ge @!p0 [sflag:s20], $0x2800;
	s16 =	sor.u32 @!p0 s29, s16  }
0x8a: {  	[sflag:s20] =	ssyncset.done @!p0 $0x0;
	s16 =	sshrl.u32 @!p0 s16, $0x3  }
0x8b: {  	[sflag:s20] =	ssyncadd.s32 @!p0 $0xFFFFD800;
	s29 =	simm.s32 @!p0 $0x14300;
	s20 =	sadd.s32 @!p0 s1, s16  }
0x8c: {  	[tilespmem:s29], [sflag:$0x7] =	stream.linear.gather @!p0 [hbm4b:s20+s18], $0x80, $0x38;
	[tilespmem:$0x1E400] =	vst v63  }
0x8d: {  	s16 =	sadd.s32 @!p0 s2, s16  }
0x8e: {  	[tilespmem:s19], [sflag:$0x7] =	stream.linear.gather @!p0 [hbm4b:s16+s18], $0x80, $0x38;
	[tilespmem:$0x1E400] =	vst v63  }
0x8f: {  	s16 =	simm.s32 @!p0 $0x6  }
0x90: {  	_ =	swait.ge @!p0 [sflag:s16], $0x80  }
0x91: {  	[sflag:s16] =	ssyncset.done @!p0 $0x0  }
0x92: {  	[sflag:s16] =	ssyncadd.s32 @!p0 $0xFFFFFF80  }
0x93: {  	_ =	swait.ge @!p0 [sflag:s16], $0x80  }
0x94: {  	[sflag:s16] =	ssyncset.done @!p0 $0x0  }
0x95: {  	[sflag:s16] =	ssyncadd.s32 @!p0 $0xFFFFFF80;
	s16 =	simm.s32 @!p0 $0x16C00  }
0x96: {  	[tilespmem:s16], [sflag:$0x2] =	stream.indirect.gather @!p0 [hbm4b:s6+s0], $0x80, s22, s0, $0xb8;
	[tilespmem:$0x1E400] =	vst v63  }
0x97: {  	_ =	swait.ge [sflag:s14], $0x2800  }
0x98: {  	[sflag:s14] =	ssyncset.done $0x0  }
.Ltmp2:
0x99: {  	[sflag:s14] =	ssyncadd.s32 $0xFFFFD800;
	(pc) =	sbr.rel @p0 .LBB2_4-.Ltmp2, $4  }
0x9a: {  	[spmem:s3] =	stream.indirect.scatter.add.f32 [tilespmem:s12], [sflag:$0x9], $0x80, s28, s30, $0xb8;
	[tilespmem:$0x1E400] =	vst v63  }
0x9b: {  	_ =	swait.ge [sflag:s9], $0x2800  }
0x9c: {  	[sflag:s9] =	ssyncset.done $0x0  }
0x9d: {  	[sflag:s9] =	ssyncadd.s32 $0xFFFFD800  }
0x9e: {  	s0 =	sand.u32 $0x7C00, s17  }
0x9f: {  	s16 =	sand.u32 $0x380, s17;
	s0 =	sadd.s32 s8, s0  }
0xa0: {  	s0 =	sor.u32 s16, s0  }
0xa1: {  	s0 =	sshrl.u32 s0, $0x3  }
0xa2: {  	s29 =	sadd.s32 s1, s0  }
0xa3: {  	[tilespmem:s26], [sflag:$0x8] =	stream.linear.gather [hbm4b:s29+s5], $0x80, $0x38;
	[tilespmem:$0x1E400] =	vst v63  }
0xa4: {  	s0 =	sadd.s32 s2, s0  }
0xa5: {  	[tilespmem:s28], [sflag:$0x8] =	stream.linear.gather [hbm4b:s0+s5], $0x80, $0x38;
	[tilespmem:$0x1E400] =	vst v63  }
0xa6: {  	_ =	swait.ge [sflag:s25], $0x80  }
0xa7: {  	[sflag:s25] =	ssyncset.done $0x0  }
.Ltmp3:
0xa8: {  	[sflag:s25] =	ssyncadd.s32 $0xFFFFFF80;
	(pc) =	sbr.rel .LBB2_2-.Ltmp3, $4  }
0xa9: {  	_ =	swait.ge [sflag:s25], $0x80  }
0xaa: {  	[sflag:s25] =	ssyncset.done $0x0  }
0xab: {  	s17 =	sadd.s32 $0x200, s17;
	[sflag:s25] =	ssyncadd.s32 $0xFFFFFF80  }
0xac: {  	[tilespmem:s7], [sflag:$0x3] =	stream.indirect.gather [hbm4b:s6+s30], $0x80, s24, s30, $0xb8;
	[tilespmem:$0x1E400] =	vst v63  }
.LBB2_5:
0xad: {  	_ =	sfence.sel $0x180000  }
0xae: {  	[bflag:$0x0] =	sbarrier.arrive $0xFFFF  }
0xaf: {  	_ =	strace $0x9000004D  }
0xb0: {  	s0 =	stileid.u32;
	[bflag:$0x2] =	sbarrier.arrive $0xFFFF  }
0xb1: {  	p0 =	sne.s32 s0, $0x0;
	s0 =	rddreg [dreg:$0x4]  }
0xb2: {  	s0 =	sadd.s32 @!p0 $0x100000, s0  }
0xb3: {  	[sflag:s0] =	ssyncadd.tile.s32 @!p0 $0x1;
	_ =	shalt  }
.Lfunc_end2:
_tile_overlayer_lowered:
.L_overlay_start_2:
0xb4: {  	(tag) =	ssettag $0x2  }
0xb5: {  	s0 =	rddreg [dreg:$0x0];
	s2 =	stileid.u32  }
0xb6: {  	s1 =	rddreg [dreg:$0x1];
	p0 =	sne.s32 s2, $0x0  }
0xb7: {  	s3 =	rddreg [dreg:$0x2];
	[bflag:$0x3] =	sbarrier.arrive $0xFFFF;
	s2 =	simm.s32 @!p0 $0x1C09  }
0xb8: {  	[timem:s3], [sflag:s2] =	dma.local @!p0 [hbm:s0], s1  }
0xb9: {  	s0 =	simm.s32 @!p0 $0x9  }
0xba: {  	_ =	swait.ge @!p0 [sflag:s0], s1  }
0xbb: {  	s1 =	ssub.s32 @!p0 $0x0, s1;
	[sflag:s0] =	ssyncset.done @!p0 $0x0  }
0xbc: {  	[sflag:s0] =	ssyncadd.s32 @!p0 s1  }
0xbd: {  	[bflag:$0x3] =	sbarrier.arrive $0xFFFF  }
0xbe: {  	_ =	shalt  }

// kernel: kernel.8.cloned.1.call-start
scs
__scs_entry_jumppad:
0x0: {  	(pc) =	sbr.rel $0x88, $3  }
0x1: {  	(tag) =	ssettag $0x0;
	lr =	simm.s32 $0x1  }
0x2: {  	[smem:$0x3F99] =	sst lr;
	_ =	strace $0xD0000000  }
0x3: {  	_ = 	snop  }
0x4: {  	_ = 	snop  }
0x5: {  	_ = 	snop  }
0x6: {  	_ = 	snop  }
0x7: {  	_ = 	snop  }
__scs_overlays_trampoline_lowered:
0x8: {  	[smem:$0x3FA8] =	sst s0  }
0x9: {  	[smem:$0x3FA9] =	sst s1  }
0xa: {  	[smem:$0x3FAA] =	sst s2  }
0xb: {  	[smem:$0x3FAB] =	sst s3  }
0xc: {  	[smem:$0x3FAC] =	sst s4  }
0xd: {  	[smem:$0x3FAD] =	sst s5  }
0xe: {  	[smem:$0x3FAE] =	sst s6  }
0xf: {  	[smem:$0x3FAF] =	sst s7  }
0x10: {  	[smem:$0x3FB0] =	sst s8  }
0x11: {  	[smem:$0x3FB1] =	sst s9;
	s0 =	simm.s32 @!p0 $0x0  }
0x12: {  	s1 =	sld [smem:$0x3F97];
	s0 =	simm.s32 @p0 $0x1  }
0x13: {  	[smem:$0x3FB2] =	sst s0;
	s0 =	simm.s32 @!p1 $0x0  }
0x14: {  	s2 =	sld [smem:$0x3F96];
	s0 =	simm.s32 @p1 $0x1  }
0x15: {  	[smem:$0x3FB3] =	sst s0;
	s0 =	simm.s32 @!p2 $0x0  }
0x16: {  	s3 =	sld [smem:$0x3FDB];
	s0 =	simm.s32 @p2 $0x1  }
0x17: {  	s4 =	simm.s32 $0x1BF5;
	[smem:$0x3FB5] =	sst s0  }
0x18: {  	s0 =	sld [smem:$0x3F98];
	_ =	swait.ge [sflag:s4], $0x0  }
0x19: {  	s7 =	sld [smem:$0x3F99]  }
0x1a: {  	s8 =	sadd.s32 $0xFFFFE003, lr  }
0x1b: {  	s9 =	sadd.s32 $0xFFFFFEF7, lr;
	s5 =	simm.s32 $0xFFFFFFFF;
	p2 =	slt.u32 s8, $0xFFFFF086  }
0x1c: {  	p1 =	slt.u32 s9, $0xF7A;
	s5 =	simm.s32 @!p2 $0x0  }
0x1d: {  	s5 =	simm.s32 @p1 $0x1;
	p0 =	seq.s32 s7, s2  }
0x1e: {  	s7 =	smul.u32 @!p0 $0xF7A, s2;
	p2 =	seq.s32 @!p0 s5, $0x0  }
0x1f: {  	s9 =	smul.u32 $0xF7A, s1;
	s8 =	simm.s32 @!p0 $0x1BF5;
	p2 =	por !p2, p0  }
0x20: {  	[sflag:s8] =	ssyncset.s32 @!p0 $0xFFFFF086;
	s6 =	sadd.s32 @!p0 s3, s7;
	s7 =	simm.s32 @!p0 $0x108  }
0x21: {  	s3 =	sadd.s32 s3, s9;
	s6 =	sadd.s32 @!p0 $0x88, s6;
	s7 =	simm.s32 @p2 $0x1082  }
0x22: {  	[simem:s7], [sflag:s8] =	dma.local @!p0 [hbm:s6], $0xF7A  }
0x23: {  	s9 =	sor.u32 $0xD0000000, s2;
	s6 =	simm.s32 $0x108;
	_ =	swait.ge @!p0 [sflag:s8], $0x0  }
0x24: {  	s3 =	sadd.s32 $0x88, s3;
	s6 =	simm.s32 @!p1 $0x1082;
	[sflag:s4] =	ssyncset.s32 $0xFFFFF086  }
0x25: {  	[simem:s6], [sflag:s4] =	dma.local [hbm:s3], $0xF7A  }
0x26: {  	[smem:$0x3F99] =	sst s1;
	(tag) =	ssettag s2;
	_ =	strace s9  }
0x27: {  	s1 =	sld [smem:$0x3FA9]  }
0x28: {  	s2 =	sld [smem:$0x3FAA]  }
0x29: {  	s4 =	sld [smem:$0x3FAC]  }
0x2a: {  	p0 =	seq.s32 s5, $0x0;
	s5 =	sld [smem:$0x3FAD]  }
0x2b: {  	s6 =	sld [smem:$0x3FAE]  }
0x2c: {  	s7 =	sld [smem:$0x3FAF]  }
0x2d: {  	s3 =	simm.s32 $0x108;
	s8 =	sld [smem:$0x3FB0]  }
0x2e: {  	s3 =	simm.s32 @!p0 $0x1082;
	s9 =	sld [smem:$0x3FB1]  }
0x2f: {  	lr =	sadd.s32 s0, s3;
	s0 =	sld [smem:$0x3FA8]  }
0x30: {  	s3 =	sld [smem:$0x3FAB]  }
0x31: {  	[smem:$0x3FB4] =	sst s10  }
0x32: {  	s10 =	sld [smem:$0x3FB2];
	_ =	sdelay $0x3  }
0x33: {  	p0 =	seq.s32 s10, $0x1;
	s10 =	sld [smem:$0x3FB4];
	_ =	sdelay $0x3  }
0x34: {  	[smem:$0x3FB4] =	sst s10  }
0x35: {  	s10 =	sld [smem:$0x3FB3];
	_ =	sdelay $0x3  }
0x36: {  	p1 =	seq.s32 s10, $0x1;
	s10 =	sld [smem:$0x3FB4];
	_ =	sdelay $0x3  }
0x37: {  	[smem:$0x3FB4] =	sst s10  }
0x38: {  	s10 =	sld [smem:$0x3FB5]  }
0x39: {  	_ = 	snop;
	(pc) =	sbr.ind lr, $3  }
0x3a: {  	_ = 	snop  }
0x3b: {  	_ = 	snop  }
0x3c: {  	p2 =	seq.s32 s10, $0x1;
	s10 =	sld [smem:$0x3FB4]  }
0x3d: {  	_ =	shalt  }
0x3e: {  	_ =	shalt  }
0x3f: {  	_ =	shalt  }
0x40: {  	_ =	shalt  }
0x41: {  	_ =	shalt  }
0x42: {  	_ =	shalt  }
0x43: {  	_ =	shalt  }
0x44: {  	_ =	shalt  }
0x45: {  	_ =	shalt  }
0x46: {  	_ =	shalt  }
0x47: {  	_ =	shalt  }
0x48: {  	_ =	shalt  }
0x49: {  	_ =	shalt  }
0x4a: {  	_ =	shalt  }
0x4b: {  	_ =	shalt  }
0x4c: {  	_ =	shalt  }
0x4d: {  	_ =	shalt  }
0x4e: {  	_ =	shalt  }
0x4f: {  	_ =	shalt  }
0x50: {  	_ =	shalt  }
0x51: {  	_ =	shalt  }
0x52: {  	_ =	shalt  }
0x53: {  	_ =	shalt  }
0x54: {  	_ =	shalt  }
0x55: {  	_ =	shalt  }
0x56: {  	_ =	shalt  }
0x57: {  	_ =	shalt  }
0x58: {  	_ =	shalt  }
0x59: {  	_ =	shalt  }
0x5a: {  	_ =	shalt  }
0x5b: {  	_ =	shalt  }
0x5c: {  	_ =	shalt  }
0x5d: {  	_ =	shalt  }
0x5e: {  	_ =	shalt  }
0x5f: {  	_ =	shalt  }
0x60: {  	_ =	shalt  }
0x61: {  	_ =	shalt  }
0x62: {  	_ =	shalt  }
0x63: {  	_ =	shalt  }
0x64: {  	_ =	shalt  }
0x65: {  	_ =	shalt  }
0x66: {  	_ =	shalt  }
0x67: {  	_ =	shalt  }
0x68: {  	_ =	shalt  }
0x69: {  	_ =	shalt  }
0x6a: {  	_ =	shalt  }
0x6b: {  	_ =	shalt  }
0x6c: {  	_ =	shalt  }
0x6d: {  	_ =	shalt  }
0x6e: {  	_ =	shalt  }
0x6f: {  	_ =	shalt  }
0x70: {  	_ =	shalt  }
0x71: {  	_ =	shalt  }
0x72: {  	_ =	shalt  }
0x73: {  	_ =	shalt  }
0x74: {  	_ =	shalt  }
0x75: {  	_ =	shalt  }
0x76: {  	_ =	shalt  }
0x77: {  	_ =	shalt  }
0x78: {  	_ =	shalt  }
0x79: {  	_ =	shalt  }
0x7a: {  	_ =	shalt  }
0x7b: {  	_ =	shalt  }
0x7c: {  	_ =	shalt  }
0x7d: {  	_ =	shalt  }
0x7e: {  	_ =	shalt  }
0x7f: {  	_ =	shalt  }
0x80: {  	_ =	shalt  }
0x81: {  	_ =	shalt  }
0x82: {  	_ =	shalt  }
0x83: {  	_ =	shalt  }
0x84: {  	_ =	shalt  }
0x85: {  	_ =	shalt  }
0x86: {  	_ =	shalt  }
0x87: {  	_ =	shalt  }
.Lfunc_end0:
.L_simem_size_0:
called_computation_lowered:
.L_overlay_start_0:
0x88: {  	s2 =	sld [smem:$0x3FD9]  }
0x89: {  	s3 =	sld [smem:$0x3FFE];
	_ =	sdelay $0x1  }
0x8a: {  	s1 =	srdreg.scid  }
0x8b: {  	s0 =	sand.u32 $0x1, s1  }
0x8c: {  	s16 =	sshll.u32 s0, $0xA;
	s2 =	sadd.s32 s3, s2  }
0x8d: {  	s2 =	sadd.s32 s2, s16  }
0x8e: {  	[smem:$0x3FC0] =	sst s2  }
0x8f: {  	_ = 	snop  }
0x90: {  	(tm) =	ssettm $0x1  }
0x91: {  	s17 =	sld [smem:$0x3FFB];
	_ =	sdelay $0x3  }
0x92: {  	_ =	strace s17  }
0x93: {  	s2 =	sld [smem:$0x3FFC];
	_ =	sdelay $0x3  }
0x94: {  	_ =	strace s2  }
0x95: {  	s2 =	sld [smem:$0x3FFD];
	_ =	sdelay $0x3  }
0x96: {  	_ =	strace s2  }
0x97: {  	_ =	strace $0x8FFFFFFF  }
0x98: {  	s18 =	sld [smem:$0x3FDB];
	_ =	sdelay $0x1  }
0x99: {  	s19 =	simm.s32 $_scs_section_size  }
0x9a: {  	s4 =	simm.s32 $_size__tile_overlayer_lowered;
	s5 =	simm.s32 $_tile_overlayer_lowered  }
0x9b: {  	s22 =	simm.s32 $0x1BFF;
	s21 =	sshll.u32 s5, $0x1;
	s2 =	sadd.s32 s19, s18  }
0x9c: {  	s6 =	simm.s32 $0x0;
	s20 =	sshll.u32 s4, $0x1;
	s4 =	sadd.s32 s21, s2  }
0x9d: {  	[timem:s6], [sflag:s22] =	dma.local [hbm:s4], s20  }
0x9e: {  	_ =	swait.ge [sflag:s22], s20  }
0x9f: {  	s3 =	ssub.s32 $0x0, s20;
	[sflag:s22] =	ssyncset.done $0x0  }
0xa0: {  	[sflag:s22] =	ssyncadd.s32 s3;
	_ =	sdelay $0x1  }
0xa1: {  	s23 =	simm.s32 $0x1B8B  }
0xa2: {  	_ =	swait.ge [sflag:s23], $0x1  }
0xa3: {  	[sflag:s23] =	ssyncset.done $0x0  }
0xa4: {  	s25 =	simm.s32 $0x1B8E;
	s24 =	sld [smem:$0x3FFE];
	[sflag:s23] =	ssyncadd.s32 $0xFFFFFFFF  }
0xa5: {  	s26 =	simm.s32 $execute0_lowered;
	[smem:$0x3FD2] =	sst s25  }
0xa6: {  	s4 =	sshll.u32 s26, $0x1;
	_ =	strace $0x80000046;
	[dreg:$0x1] =	wrdreg $0xFFFFFFFF  }
0xa7: {  	s28 =	simm.s32 $_size_execute0_lowered;
	s2 =	sadd.s32 s2, s4;
	[dreg:$0x0] =	wrdreg $0x0  }
0xa8: {  	s4 =	sshll.u32 s28, $0x1;
	[dreg:$0x2] =	wrdreg s2  }
0xa9: {  	[dreg:$0x3] =	wrdreg s4  }
0xaa: {  	[dreg:$0x4] =	wrdreg $0xC0  }
0xab: {  	_ =	task [dreg:s6], $0x5FFFF  }
0xac: {  	[dreg:$0x1] =	wrdreg $0xFFFFFFFF  }
0xad: {  	[dreg:$0x0] =	wrdreg $0x60  }
0xae: {  	[dreg:$0x2] =	wrdreg s24  }
0xaf: {  	[dreg:$0x3] =	wrdreg $0x55000  }
0xb0: {  	[dreg:$0x4] =	wrdreg $0x9  }
0xb1: {  	_ =	task.clear_ibuf [dreg:s6], $0x5FFFF;
	_ =	strace $0x90000046  }
0xb2: {  	s29 =	simm.s32 $0x9;
	_ =	strace $0x80000048  }
0xb3: {  	_ =	swait.ge [sflag:s29], $0x1  }
0xb4: {  	[sflag:s29] =	ssyncadd.s32 $0xFFFFFFFF  }
0xb5: {  	_ =	strace $0x90000048  }
0xb6: {  	_ =	sfence  }
0xb7: {  	s30 =	sld [smem:$0x0];
	_ =	sdelay $0x2  }
0xb8: {  	s31 =	sshll.u32 s1, $0xD;
	s1 =	sshrl.u32 s1, $0x2  }
0xb9: {  	s3 =	sand.u32 $0x4000, s31;
	s1 =	sadd.s32 s1, s30  }
0xba: {  	s0 =	sor.u32 s3, s0;
	s1 =	sshll.u32 s1, $0x11  }
0xbb: {  	s0 =	sor.u32 s1, s0  }
0xbc: {  	s0 =	sadd.s32 $0x8F2B, s0  }
0xbd: {  	[sflag:s0] =	ssyncadd.remote.s32 $0x1  }
0xbe: {  	_ =	sfence.sel $0xFFFF  }
0xbf: {  	[dreg:$0x0] =	wrdreg $0xFFFFFFFF;
	(pc) =	sbr.abs _section_cstart, $3  }
0xc0: {  	[dreg:$0x1] =	wrdreg $0xFFFFFFFF  }
0xc1: {  	_ =	task.clear_ibuf [dreg:s6], $0x2FFFF;
	_ =	strace $0x9FFFFFFF  }
0xc2: {  	(tm) =	ssettm $0x7FFFFFFF  }
0xc3: {  	_ =	shalt  }
tec
execute0_lowered:
.L_overlay_start_1:
0x0: {  	(tag) =	ssettag $0x1  }
0x1: {  	s0 =	rddreg [dreg:$0x0]  }
0x2: {  	s9 =	stileid.u32;
	s1 =	rddreg [dreg:$0x1]  }
0x3: {  	s3 =	srdreg.scid;
	s19 =	simm.s32 $0x0;
	s28 =	simm.s32 $0x5000  }
0x4: {  	s29 =	simm.s32 $0x100;
	s30 =	simm.s32 $0x5280;
	s31 =	simm.s32 $0x0  }
0x5: {  	s2 =	sshrl.u32 s9, $0x2;
	s18 =	sshll.u32 s9, $0x8;
	s20 =	smul.u32 $0x500, s9  }
0x6: {  	s3 =	sand.u32 $0x1, s3;
	[smem:$0x7FF] =	sst s19;
	s8 =	smul.u32 $0x5000, s9  }
0x7: {  	s7 =	sshrl.u32 s9, $0x3;
	s23 =	sshll.u32 s9, $0x7;
	s4 =	smul.u32 $0x14000, s2  }
0x8: {  	s5 =	sand.u32 $0x300, s18;
	s6 =	sshll.u32 s3, $0x7;
	_ =	strace $0x80000047  }
0x9: {  	s3 =	ssub.s32 $0x2, s3;
	s21 =	smul.u32 $0x50000, s7;
	s26 =	sand.u32 $0x380, s23  }
0xa: {  	s23 =	simm.s32 $0x80;
	s22 =	sshrl.u32 s3, $0x1;
	s25 =	sshrl.u32 s8, $0x2  }
0xb: {  	s4 =	sor.u32 s4, s5;
	s5 =	sor.u32 s6, s20;
	s22 =	ssub.s32 s3, s22  }
0xc: {  	s24 =	sshrl.u32 s21, $0x2;
	s3 =	sadd.s32 s25, s1;
	s25 =	simm.s32 $0x1  }
0xd: {  	s4 =	sor.u32 s6, s4;
	s5 =	sshrl.u32 s5, $0x3;
	s6 =	sadd.s32 $0x80, s3  }
0xe: {  	s7 =	sadd.s32 $0x100, s3;
	s8 =	sadd.s32 $0x180, s3;
	s9 =	sadd.s32 $0x200, s3  }
0xf: {  	s10 =	sadd.s32 $0x280, s3;
	s11 =	sadd.s32 $0x300, s3;
	s12 =	sadd.s32 $0x380, s3  }
0x10: {  	s13 =	sadd.s32 $0x14000, s3;
	s14 =	sadd.s32 $0x14080, s3;
	s15 =	sadd.s32 $0x14100, s3  }
0x11: {  	s16 =	sadd.s32 $0x14180, s3;
	s17 =	sadd.s32 $0x14200, s3;
	s18 =	sadd.s32 $0x14280, s3  }
0x12: {  	s19 =	sadd.s32 $0x14300, s3;
	s20 =	sadd.s32 $0x14380, s3;
	s4 =	sshrl.u32 s4, $0x3  }
0x13: {  	s22 =	smax.u32 s22, $0x1;
	s4 =	sadd.s32 s4, s0;
	s0 =	sadd.s32 s5, s0  }
0x14: {  	s5 =	sadd.s32 s24, s1;
	s24 =	simm.s32 $0x400;
	s4 =	sadd.s32 $0x3000, s4  }
0x15: {  	v0 =	vimm.f32 $0.0e+00;
	v1 =	vimm.f32 $1.000000000e+00;
	s5 =	sadd.s32 s26, s5;
	s21 =	sadd.s32 $0xD000, s0;
	s26 =	simm.s32 $0x2800  }
.LBB2_1:
0x16: {  	s0 =	simm.s32 $0x0  }
0x17: {  	[tilespmem:s0], [sflag:$0x1] =	stream.strided.gather [hbm4b:s4+s23], $0x2800, s24, s23, $0x38;
	[tilespmem:$0x7D00] =	vst v63  }
0x18: {  	_ =	swait.ge [sflag:s25], $0x2800  }
0x19: {  	[sflag:s25] =	ssyncset.done $0x0  }
0x1a: {  	s0 =	simm.s32 $0x0;
	[sflag:s25] =	ssyncadd.s32 $0xFFFFD800  }
.LBB2_2:
0x1b: {  	p0 =	sne.s32 s0, $0x9FC0  }
.Ltmp0:
0x1c: {  	_ = 	snop;
	(pc) =	sbr.rel @p0 .LBB2_2-.Ltmp0, $3  }
0x1d: {  	_ =	sdelay $0x1  }
0x1e: {  	s1 =	sshra.s32 s0, $0x2  }
0x1f: {  	s0 =	sadd.s32 $0x40, s0;
	[tilespmem:s1+$0x2800] =	vst v0  }
0x20: {  	s1 =	simm.s32 $0x0;
	s0 =	simm.s32 $0x40  }
.LBB2_4:
0x21: {  	p0 =	sne.s32 s0, $0x9FC0;
	v2 =	vld [tilespmem:s1+$0x0];
	_ =	sdelay $0x3  }
.Ltmp1:
0x22: {  	(pc) =	sbr.rel @p0 .LBB2_4-.Ltmp1, $2  }
0x23: {  	_ =	sdelay $0x2  }
0x24: {  	s1 =	sshra.s32 s0, $0x2;
	s0 =	sadd.s32 $0x40, s0;
	[tilespmem:v2+s26+$0x0] =	vst.idx.add.f32.msk $0xffff, v1  }
0x25: {  	v2 =	vld [tilespmem:s1+$0x0];
	_ =	sdelay $0x7  }
0x26: {  	[tilespmem:v2+s26+$0x0] =	vst.idx.add.f32.msk $0xffff, v1  }
0x27: {  	[spmem:s5] =	stream.strided.scatter [tilespmem:s26], [sflag:$0x1], $0x2800, s24, s23, $0x38;
	[tilespmem:$0x7D00] =	vst v63  }
0x28: {  	_ =	swait.ge [sflag:s25], $0x2800  }
0x29: {  	[sflag:s25] =	ssyncset.done $0x0  }
0x2a: {  	[sflag:s25] =	ssyncadd.s32 $0xFFFFD800  }
0x2b: {  	[bflag:$0x0] =	sbarrier.arrive $0xFFFF  }
0x2c: {  	[tilespmem:$0x5280] =	vst v0  }
0x2d: {  	[tilespmem:$0x5290] =	vst v0  }
0x2e: {  	[tilespmem:$0x52A0] =	vst v0  }
0x2f: {  	[tilespmem:$0x52B0] =	vst v0  }
0x30: {  	[tilespmem:$0x52C0] =	vst v0  }
0x31: {  	[tilespmem:$0x52D0] =	vst v0  }
0x32: {  	[tilespmem:$0x52E0] =	vst v0  }
0x33: {  	[tilespmem:$0x52F0] =	vst v0  }
0x34: {  	[tilespmem:$0x5300] =	vst v0  }
0x35: {  	[tilespmem:$0x5310] =	vst v0  }
0x36: {  	[tilespmem:$0x5320] =	vst v0  }
0x37: {  	[tilespmem:$0x5330] =	vst v0  }
0x38: {  	[tilespmem:$0x5340] =	vst v0  }
0x39: {  	[tilespmem:$0x5350] =	vst v0  }
0x3a: {  	[tilespmem:$0x5360] =	vst v0  }
0x3b: {  	[tilespmem:$0x5370] =	vst v0  }
0x3c: {  	[tilespmem:$0x5380] =	vst v0  }
0x3d: {  	[tilespmem:$0x5390] =	vst v0  }
0x3e: {  	[tilespmem:$0x53A0] =	vst v0  }
0x3f: {  	[tilespmem:$0x53B0] =	vst v0  }
0x40: {  	[tilespmem:$0x53C0] =	vst v0  }
0x41: {  	[tilespmem:$0x53D0] =	vst v0  }
0x42: {  	[tilespmem:$0x53E0] =	vst v0  }
0x43: {  	[tilespmem:$0x53F0] =	vst v0  }
0x44: {  	[tilespmem:$0x5400] =	vst v0  }
0x45: {  	[tilespmem:$0x5410] =	vst v0  }
0x46: {  	[tilespmem:$0x5420] =	vst v0  }
0x47: {  	[tilespmem:$0x5430] =	vst v0  }
0x48: {  	[tilespmem:$0x5440] =	vst v0  }
0x49: {  	[tilespmem:$0x5450] =	vst v0  }
0x4a: {  	[tilespmem:$0x5460] =	vst v0  }
0x4b: {  	[tilespmem:$0x5470] =	vst v0  }
0x4c: {  	[tilespmem:$0x5480] =	vst v0  }
0x4d: {  	[tilespmem:$0x5490] =	vst v0  }
0x4e: {  	[tilespmem:$0x54A0] =	vst v0  }
0x4f: {  	[tilespmem:$0x54B0] =	vst v0  }
0x50: {  	[tilespmem:$0x54C0] =	vst v0  }
0x51: {  	[tilespmem:$0x54D0] =	vst v0  }
0x52: {  	[tilespmem:$0x54E0] =	vst v0  }
0x53: {  	[tilespmem:$0x54F0] =	vst v0  }
0x54: {  	[tilespmem:s28], [sflag:$0x1] =	stream.strided.gather [spmem:s3], $0x280, s24, s23, $0x38;
	[tilespmem:$0x7D00] =	vst v63  }
0x55: {  	_ =	swait.ge [sflag:s25], $0x280  }
0x56: {  	[sflag:s25] =	ssyncset.done $0x0  }
0x57: {  	s1 =	simm.s32 $0x0;
	[sflag:s25] =	ssyncadd.s32 $0xFFFFFD80  }
0x58: {  	s0 =	simm.s32 $0x40;
	v2 =	vld [tilespmem:s1+$0x5000]  }
.LBB2_6:
0x59: {  	p0 =	sne.s32 s0, $0x9C0;
	v3 =	vld [tilespmem:s1+$0x5280];
	_ =	sdelay $0x2  }
.Ltmp2:
0x5a: {  	(pc) =	sbr.rel @p0 .LBB2_6-.Ltmp2, $4  }
0x5b: {  	_ = 	snop  }
0x5c: {  	v3 =	vadd.f32 v2, v3  }
0x5d: {  	s2 =	sshra.s32 s0, $0x2  }
0x5e: {  	s0 =	sadd.s32 $0x40, s0;
	v2 =	vld [tilespmem:s2+$0x5000];
	[tilespmem:s1+$0x5280] =	vst v3;
	s1 =	smov.u32 s2  }
0x5f: {  	v3 =	vld [tilespmem:s1+$0x5280];
	_ =	sdelay $0x4  }
0x60: {  	v2 =	vadd.f32 v2, v3;
	_ =	sdelay $0x1  }
0x61: {  	[tilespmem:s1+$0x5280] =	vst v2  }
0x62: {  	[tilespmem:s28], [sflag:$0x1] =	stream.strided.gather [spmem:s6], $0x280, s24, s23, $0x38;
	[tilespmem:$0x7D00] =	vst v63  }
0x63: {  	_ =	swait.ge [sflag:s25], $0x280  }
0x64: {  	[sflag:s25] =	ssyncset.done $0x0  }
0x65: {  	s1 =	simm.s32 $0x0;
	[sflag:s25] =	ssyncadd.s32 $0xFFFFFD80  }
0x66: {  	s0 =	simm.s32 $0x40;
	v2 =	vld [tilespmem:s1+$0x5000]  }
.LBB2_8:
0x67: {  	p0 =	sne.s32 s0, $0x9C0;
	v3 =	vld [tilespmem:s1+$0x5280];
	_ =	sdelay $0x2  }
.Ltmp3:
0x68: {  	(pc) =	sbr.rel @p0 .LBB2_8-.Ltmp3, $4  }
0x69: {  	_ = 	snop  }
0x6a: {  	v3 =	vadd.f32 v2, v3  }
0x6b: {  	s2 =	sshra.s32 s0, $0x2  }
0x6c: {  	s0 =	sadd.s32 $0x40, s0;
	v2 =	vld [tilespmem:s2+$0x5000];
	[tilespmem:s1+$0x5280] =	vst v3;
	s1 =	smov.u32 s2  }
0x6d: {  	v3 =	vld [tilespmem:s1+$0x5280];
	_ =	sdelay $0x4  }
0x6e: {  	v2 =	vadd.f32 v2, v3;
	_ =	sdelay $0x1  }
0x6f: {  	[tilespmem:s1+$0x5280] =	vst v2  }
0x70: {  	[tilespmem:s28], [sflag:$0x1] =	stream.strided.gather [spmem:s7], $0x280, s24, s23, $0x38;
	[tilespmem:$0x7D00] =	vst v63  }
0x71: {  	_ =	swait.ge [sflag:s25], $0x280  }
0x72: {  	[sflag:s25] =	ssyncset.done $0x0  }
0x73: {  	s1 =	simm.s32 $0x0;
	[sflag:s25] =	ssyncadd.s32 $0xFFFFFD80  }
0x74: {  	s0 =	simm.s32 $0x40;
	v2 =	vld [tilespmem:s1+$0x5000]  }
.LBB2_10:
0x75: {  	p0 =	sne.s32 s0, $0x9C0;
	v3 =	vld [tilespmem:s1+$0x5280];
	_ =	sdelay $0x2  }
.Ltmp4:
0x76: {  	(pc) =	sbr.rel @p0 .LBB2_10-.Ltmp4, $4  }
0x77: {  	_ = 	snop  }
0x78: {  	v3 =	vadd.f32 v2, v3  }
0x79: {  	s2 =	sshra.s32 s0, $0x2  }
0x7a: {  	s0 =	sadd.s32 $0x40, s0;
	v2 =	vld [tilespmem:s2+$0x5000];
	[tilespmem:s1+$0x5280] =	vst v3;
	s1 =	smov.u32 s2  }
0x7b: {  	v3 =	vld [tilespmem:s1+$0x5280];
	_ =	sdelay $0x4  }
0x7c: {  	v2 =	vadd.f32 v2, v3;
	_ =	sdelay $0x1  }
0x7d: {  	[tilespmem:s1+$0x5280] =	vst v2  }
0x7e: {  	[tilespmem:s28], [sflag:$0x1] =	stream.strided.gather [spmem:s8], $0x280, s24, s23, $0x38;
	[tilespmem:$0x7D00] =	vst v63  }
0x7f: {  	_ =	swait.ge [sflag:s25], $0x280  }
0x80: {  	[sflag:s25] =	ssyncset.done $0x0  }
0x81: {  	s1 =	simm.s32 $0x0;
	[sflag:s25] =	ssyncadd.s32 $0xFFFFFD80  }
0x82: {  	s0 =	simm.s32 $0x40;
	v2 =	vld [tilespmem:s1+$0x5000]  }
.LBB2_12:
0x83: {  	p0 =	sne.s32 s0, $0x9C0;
	v3 =	vld [tilespmem:s1+$0x5280];
	_ =	sdelay $0x2  }
.Ltmp5:
0x84: {  	(pc) =	sbr.rel @p0 .LBB2_12-.Ltmp5, $4  }
0x85: {  	_ = 	snop  }
0x86: {  	v3 =	vadd.f32 v2, v3  }
0x87: {  	s2 =	sshra.s32 s0, $0x2  }
0x88: {  	s0 =	sadd.s32 $0x40, s0;
	v2 =	vld [tilespmem:s2+$0x5000];
	[tilespmem:s1+$0x5280] =	vst v3;
	s1 =	smov.u32 s2  }
0x89: {  	v3 =	vld [tilespmem:s1+$0x5280];
	_ =	sdelay $0x4  }
0x8a: {  	v2 =	vadd.f32 v2, v3;
	_ =	sdelay $0x1  }
0x8b: {  	[tilespmem:s1+$0x5280] =	vst v2  }
0x8c: {  	[tilespmem:s28], [sflag:$0x1] =	stream.strided.gather [spmem:s9], $0x280, s24, s23, $0x38;
	[tilespmem:$0x7D00] =	vst v63  }
0x8d: {  	_ =	swait.ge [sflag:s25], $0x280  }
0x8e: {  	[sflag:s25] =	ssyncset.done $0x0  }
0x8f: {  	s1 =	simm.s32 $0x0;
	[sflag:s25] =	ssyncadd.s32 $0xFFFFFD80  }
0x90: {  	s0 =	simm.s32 $0x40;
	v2 =	vld [tilespmem:s1+$0x5000]  }
.LBB2_14:
0x91: {  	p0 =	sne.s32 s0, $0x9C0;
	v3 =	vld [tilespmem:s1+$0x5280];
	_ =	sdelay $0x2  }
.Ltmp6:
0x92: {  	(pc) =	sbr.rel @p0 .LBB2_14-.Ltmp6, $4  }
0x93: {  	_ = 	snop  }
0x94: {  	v3 =	vadd.f32 v2, v3  }
0x95: {  	s2 =	sshra.s32 s0, $0x2  }
0x96: {  	s0 =	sadd.s32 $0x40, s0;
	v2 =	vld [tilespmem:s2+$0x5000];
	[tilespmem:s1+$0x5280] =	vst v3;
	s1 =	smov.u32 s2  }
0x97: {  	v3 =	vld [tilespmem:s1+$0x5280];
	_ =	sdelay $0x4  }
0x98: {  	v2 =	vadd.f32 v2, v3;
	_ =	sdelay $0x1  }
0x99: {  	[tilespmem:s1+$0x5280] =	vst v2  }
0x9a: {  	[tilespmem:s28], [sflag:$0x1] =	stream.strided.gather [spmem:s10], $0x280, s24, s23, $0x38;
	[tilespmem:$0x7D00] =	vst v63  }
0x9b: {  	_ =	swait.ge [sflag:s25], $0x280  }
0x9c: {  	[sflag:s25] =	ssyncset.done $0x0  }
0x9d: {  	s1 =	simm.s32 $0x0;
	[sflag:s25] =	ssyncadd.s32 $0xFFFFFD80  }
0x9e: {  	s0 =	simm.s32 $0x40;
	v2 =	vld [tilespmem:s1+$0x5000]  }
.LBB2_16:
0x9f: {  	p0 =	sne.s32 s0, $0x9C0;
	v3 =	vld [tilespmem:s1+$0x5280];
	_ =	sdelay $0x2  }
.Ltmp7:
0xa0: {  	(pc) =	sbr.rel @p0 .LBB2_16-.Ltmp7, $4  }
0xa1: {  	_ = 	snop  }
0xa2: {  	v3 =	vadd.f32 v2, v3  }
0xa3: {  	s2 =	sshra.s32 s0, $0x2  }
0xa4: {  	s0 =	sadd.s32 $0x40, s0;
	v2 =	vld [tilespmem:s2+$0x5000];
	[tilespmem:s1+$0x5280] =	vst v3;
	s1 =	smov.u32 s2  }
0xa5: {  	v3 =	vld [tilespmem:s1+$0x5280];
	_ =	sdelay $0x4  }
0xa6: {  	v2 =	vadd.f32 v2, v3;
	_ =	sdelay $0x1  }
0xa7: {  	[tilespmem:s1+$0x5280] =	vst v2  }
0xa8: {  	[tilespmem:s28], [sflag:$0x1] =	stream.strided.gather [spmem:s11], $0x280, s24, s23, $0x38;
	[tilespmem:$0x7D00] =	vst v63  }
0xa9: {  	_ =	swait.ge [sflag:s25], $0x280  }
0xaa: {  	[sflag:s25] =	ssyncset.done $0x0  }
0xab: {  	s1 =	simm.s32 $0x0;
	[sflag:s25] =	ssyncadd.s32 $0xFFFFFD80  }
0xac: {  	s0 =	simm.s32 $0x40;
	v2 =	vld [tilespmem:s1+$0x5000]  }
.LBB2_18:
0xad: {  	p0 =	sne.s32 s0, $0x9C0;
	v3 =	vld [tilespmem:s1+$0x5280];
	_ =	sdelay $0x2  }
.Ltmp8:
0xae: {  	(pc) =	sbr.rel @p0 .LBB2_18-.Ltmp8, $4  }
0xaf: {  	_ = 	snop  }
0xb0: {  	v3 =	vadd.f32 v2, v3  }
0xb1: {  	s2 =	sshra.s32 s0, $0x2  }
0xb2: {  	s0 =	sadd.s32 $0x40, s0;
	v2 =	vld [tilespmem:s2+$0x5000];
	[tilespmem:s1+$0x5280] =	vst v3;
	s1 =	smov.u32 s2  }
0xb3: {  	v3 =	vld [tilespmem:s1+$0x5280];
	_ =	sdelay $0x4  }
0xb4: {  	v2 =	vadd.f32 v2, v3;
	_ =	sdelay $0x1  }
0xb5: {  	[tilespmem:s1+$0x5280] =	vst v2  }
0xb6: {  	[tilespmem:s28], [sflag:$0x1] =	stream.strided.gather [spmem:s12], $0x280, s24, s23, $0x38;
	[tilespmem:$0x7D00] =	vst v63  }
0xb7: {  	_ =	swait.ge [sflag:s25], $0x280  }
0xb8: {  	[sflag:s25] =	ssyncset.done $0x0  }
0xb9: {  	s1 =	simm.s32 $0x0;
	[sflag:s25] =	ssyncadd.s32 $0xFFFFFD80  }
0xba: {  	s0 =	simm.s32 $0x40;
	v2 =	vld [tilespmem:s1+$0x5000]  }
.LBB2_20:
0xbb: {  	p0 =	sne.s32 s0, $0x9C0;
	v3 =	vld [tilespmem:s1+$0x5280];
	_ =	sdelay $0x2  }
.Ltmp9:
0xbc: {  	(pc) =	sbr.rel @p0 .LBB2_20-.Ltmp9, $4  }
0xbd: {  	_ = 	snop  }
0xbe: {  	v3 =	vadd.f32 v2, v3  }
0xbf: {  	s2 =	sshra.s32 s0, $0x2  }
0xc0: {  	s0 =	sadd.s32 $0x40, s0;
	v2 =	vld [tilespmem:s2+$0x5000];
	[tilespmem:s1+$0x5280] =	vst v3;
	s1 =	smov.u32 s2  }
0xc1: {  	v3 =	vld [tilespmem:s1+$0x5280];
	_ =	sdelay $0x4  }
0xc2: {  	v2 =	vadd.f32 v2, v3;
	_ =	sdelay $0x1  }
0xc3: {  	[tilespmem:s1+$0x5280] =	vst v2  }
0xc4: {  	[tilespmem:s28], [sflag:$0x1] =	stream.strided.gather [spmem:s13], $0x280, s24, s23, $0x38;
	[tilespmem:$0x7D00] =	vst v63  }
0xc5: {  	_ =	swait.ge [sflag:s25], $0x280  }
0xc6: {  	[sflag:s25] =	ssyncset.done $0x0  }
0xc7: {  	s1 =	simm.s32 $0x0;
	[sflag:s25] =	ssyncadd.s32 $0xFFFFFD80  }
0xc8: {  	s0 =	simm.s32 $0x40;
	v2 =	vld [tilespmem:s1+$0x5000]  }
.LBB2_22:
0xc9: {  	p0 =	sne.s32 s0, $0x9C0;
	v3 =	vld [tilespmem:s1+$0x5280];
	_ =	sdelay $0x2  }
.Ltmp10:
0xca: {  	(pc) =	sbr.rel @p0 .LBB2_22-.Ltmp10, $4  }
0xcb: {  	_ = 	snop  }
0xcc: {  	v3 =	vadd.f32 v2, v3  }
0xcd: {  	s2 =	sshra.s32 s0, $0x2  }
0xce: {  	s0 =	sadd.s32 $0x40, s0;
	v2 =	vld [tilespmem:s2+$0x5000];
	[tilespmem:s1+$0x5280] =	vst v3;
	s1 =	smov.u32 s2  }
0xcf: {  	v3 =	vld [tilespmem:s1+$0x5280];
	_ =	sdelay $0x4  }
0xd0: {  	v2 =	vadd.f32 v2, v3;
	_ =	sdelay $0x1  }
0xd1: {  	[tilespmem:s1+$0x5280] =	vst v2  }
0xd2: {  	[tilespmem:s28], [sflag:$0x1] =	stream.strided.gather [spmem:s14], $0x280, s24, s23, $0x38;
	[tilespmem:$0x7D00] =	vst v63  }
0xd3: {  	_ =	swait.ge [sflag:s25], $0x280  }
0xd4: {  	[sflag:s25] =	ssyncset.done $0x0  }
0xd5: {  	s1 =	simm.s32 $0x0;
	[sflag:s25] =	ssyncadd.s32 $0xFFFFFD80  }
0xd6: {  	s0 =	simm.s32 $0x40;
	v2 =	vld [tilespmem:s1+$0x5000]  }
.LBB2_24:
0xd7: {  	p0 =	sne.s32 s0, $0x9C0;
	v3 =	vld [tilespmem:s1+$0x5280];
	_ =	sdelay $0x2  }
.Ltmp11:
0xd8: {  	(pc) =	sbr.rel @p0 .LBB2_24-.Ltmp11, $4  }
0xd9: {  	_ = 	snop  }
0xda: {  	v3 =	vadd.f32 v2, v3  }
0xdb: {  	s2 =	sshra.s32 s0, $0x2  }
0xdc: {  	s0 =	sadd.s32 $0x40, s0;
	v2 =	vld [tilespmem:s2+$0x5000];
	[tilespmem:s1+$0x5280] =	vst v3;
	s1 =	smov.u32 s2  }
0xdd: {  	v3 =	vld [tilespmem:s1+$0x5280];
	_ =	sdelay $0x4  }
0xde: {  	v2 =	vadd.f32 v2, v3;
	_ =	sdelay $0x1  }
0xdf: {  	[tilespmem:s1+$0x5280] =	vst v2  }
0xe0: {  	[tilespmem:s28], [sflag:$0x1] =	stream.strided.gather [spmem:s15], $0x280, s24, s23, $0x38;
	[tilespmem:$0x7D00] =	vst v63  }
0xe1: {  	_ =	swait.ge [sflag:s25], $0x280  }
0xe2: {  	[sflag:s25] =	ssyncset.done $0x0  }
0xe3: {  	s1 =	simm.s32 $0x0;
	[sflag:s25] =	ssyncadd.s32 $0xFFFFFD80  }
0xe4: {  	s0 =	simm.s32 $0x40;
	v2 =	vld [tilespmem:s1+$0x5000]  }
.LBB2_26:
0xe5: {  	p0 =	sne.s32 s0, $0x9C0;
	v3 =	vld [tilespmem:s1+$0x5280];
	_ =	sdelay $0x2  }
.Ltmp12:
0xe6: {  	(pc) =	sbr.rel @p0 .LBB2_26-.Ltmp12, $4  }
0xe7: {  	_ = 	snop  }
0xe8: {  	v3 =	vadd.f32 v2, v3  }
0xe9: {  	s2 =	sshra.s32 s0, $0x2  }
0xea: {  	s0 =	sadd.s32 $0x40, s0;
	v2 =	vld [tilespmem:s2+$0x5000];
	[tilespmem:s1+$0x5280] =	vst v3;
	s1 =	smov.u32 s2  }
0xeb: {  	v3 =	vld [tilespmem:s1+$0x5280];
	_ =	sdelay $0x4  }
0xec: {  	v2 =	vadd.f32 v2, v3;
	_ =	sdelay $0x1  }
0xed: {  	[tilespmem:s1+$0x5280] =	vst v2  }
0xee: {  	[tilespmem:s28], [sflag:$0x1] =	stream.strided.gather [spmem:s16], $0x280, s24, s23, $0x38;
	[tilespmem:$0x7D00] =	vst v63  }
0xef: {  	_ =	swait.ge [sflag:s25], $0x280  }
0xf0: {  	[sflag:s25] =	ssyncset.done $0x0  }
0xf1: {  	s1 =	simm.s32 $0x0;
	[sflag:s25] =	ssyncadd.s32 $0xFFFFFD80  }
0xf2: {  	s0 =	simm.s32 $0x40;
	v2 =	vld [tilespmem:s1+$0x5000]  }
.LBB2_28:
0xf3: {  	p0 =	sne.s32 s0, $0x9C0;
	v3 =	vld [tilespmem:s1+$0x5280];
	_ =	sdelay $0x2  }
.Ltmp13:
0xf4: {  	(pc) =	sbr.rel @p0 .LBB2_28-.Ltmp13, $4  }
0xf5: {  	_ = 	snop  }
0xf6: {  	v3 =	vadd.f32 v2, v3  }
0xf7: {  	s2 =	sshra.s32 s0, $0x2  }
0xf8: {  	s0 =	sadd.s32 $0x40, s0;
	v2 =	vld [tilespmem:s2+$0x5000];
	[tilespmem:s1+$0x5280] =	vst v3;
	s1 =	smov.u32 s2  }
0xf9: {  	v3 =	vld [tilespmem:s1+$0x5280];
	_ =	sdelay $0x4  }
0xfa: {  	v2 =	vadd.f32 v2, v3;
	_ =	sdelay $0x1  }
0xfb: {  	[tilespmem:s1+$0x5280] =	vst v2  }
0xfc: {  	[tilespmem:s28], [sflag:$0x1] =	stream.strided.gather [spmem:s17], $0x280, s24, s23, $0x38;
	[tilespmem:$0x7D00] =	vst v63  }
0xfd: {  	_ =	swait.ge [sflag:s25], $0x280  }
0xfe: {  	[sflag:s25] =	ssyncset.done $0x0  }
0xff: {  	s1 =	simm.s32 $0x0;
	[sflag:s25] =	ssyncadd.s32 $0xFFFFFD80  }
0x100: {  	s0 =	simm.s32 $0x40;
	v2 =	vld [tilespmem:s1+$0x5000]  }
.LBB2_30:
0x101: {  	p0 =	sne.s32 s0, $0x9C0;
	v3 =	vld [tilespmem:s1+$0x5280];
	_ =	sdelay $0x2  }
.Ltmp14:
0x102: {  	(pc) =	sbr.rel @p0 .LBB2_30-.Ltmp14, $4  }
0x103: {  	_ = 	snop  }
0x104: {  	v3 =	vadd.f32 v2, v3  }
0x105: {  	s2 =	sshra.s32 s0, $0x2  }
0x106: {  	s0 =	sadd.s32 $0x40, s0;
	v2 =	vld [tilespmem:s2+$0x5000];
	[tilespmem:s1+$0x5280] =	vst v3;
	s1 =	smov.u32 s2  }
0x107: {  	v3 =	vld [tilespmem:s1+$0x5280];
	_ =	sdelay $0x4  }
0x108: {  	v2 =	vadd.f32 v2, v3;
	_ =	sdelay $0x1  }
0x109: {  	[tilespmem:s1+$0x5280] =	vst v2  }
0x10a: {  	[tilespmem:s28], [sflag:$0x1] =	stream.strided.gather [spmem:s18], $0x280, s24, s23, $0x38;
	[tilespmem:$0x7D00] =	vst v63  }
0x10b: {  	_ =	swait.ge [sflag:s25], $0x280  }
0x10c: {  	[sflag:s25] =	ssyncset.done $0x0  }
0x10d: {  	s1 =	simm.s32 $0x0;
	[sflag:s25] =	ssyncadd.s32 $0xFFFFFD80  }
0x10e: {  	s0 =	simm.s32 $0x40;
	v2 =	vld [tilespmem:s1+$0x5000]  }
.LBB2_32:
0x10f: {  	p0 =	sne.s32 s0, $0x9C0;
	v3 =	vld [tilespmem:s1+$0x5280];
	_ =	sdelay $0x2  }
.Ltmp15:
0x110: {  	(pc) =	sbr.rel @p0 .LBB2_32-.Ltmp15, $4  }
0x111: {  	_ = 	snop  }
0x112: {  	v3 =	vadd.f32 v2, v3  }
0x113: {  	s2 =	sshra.s32 s0, $0x2  }
0x114: {  	s0 =	sadd.s32 $0x40, s0;
	v2 =	vld [tilespmem:s2+$0x5000];
	[tilespmem:s1+$0x5280] =	vst v3;
	s1 =	smov.u32 s2  }
0x115: {  	v3 =	vld [tilespmem:s1+$0x5280];
	_ =	sdelay $0x4  }
0x116: {  	v2 =	vadd.f32 v2, v3;
	_ =	sdelay $0x1  }
0x117: {  	[tilespmem:s1+$0x5280] =	vst v2  }
0x118: {  	[tilespmem:s28], [sflag:$0x1] =	stream.strided.gather [spmem:s19], $0x280, s24, s23, $0x38;
	[tilespmem:$0x7D00] =	vst v63  }
0x119: {  	_ =	swait.ge [sflag:s25], $0x280  }
0x11a: {  	[sflag:s25] =	ssyncset.done $0x0  }
0x11b: {  	s1 =	simm.s32 $0x0;
	[sflag:s25] =	ssyncadd.s32 $0xFFFFFD80  }
0x11c: {  	s0 =	simm.s32 $0x40;
	v2 =	vld [tilespmem:s1+$0x5000]  }
.LBB2_34:
0x11d: {  	p0 =	sne.s32 s0, $0x9C0;
	v3 =	vld [tilespmem:s1+$0x5280];
	_ =	sdelay $0x2  }
.Ltmp16:
0x11e: {  	(pc) =	sbr.rel @p0 .LBB2_34-.Ltmp16, $4  }
0x11f: {  	_ = 	snop  }
0x120: {  	v3 =	vadd.f32 v2, v3  }
0x121: {  	s2 =	sshra.s32 s0, $0x2  }
0x122: {  	s0 =	sadd.s32 $0x40, s0;
	v2 =	vld [tilespmem:s2+$0x5000];
	[tilespmem:s1+$0x5280] =	vst v3;
	s1 =	smov.u32 s2  }
0x123: {  	v3 =	vld [tilespmem:s1+$0x5280];
	_ =	sdelay $0x4  }
0x124: {  	v2 =	vadd.f32 v2, v3;
	_ =	sdelay $0x1  }
0x125: {  	[tilespmem:s1+$0x5280] =	vst v2  }
0x126: {  	[tilespmem:s28], [sflag:$0x1] =	stream.strided.gather [spmem:s20], $0x280, s24, s23, $0x38;
	[tilespmem:$0x7D00] =	vst v63  }
0x127: {  	_ =	swait.ge [sflag:s25], $0x280  }
0x128: {  	[sflag:s25] =	ssyncset.done $0x0  }
0x129: {  	s1 =	simm.s32 $0x0;
	[sflag:s25] =	ssyncadd.s32 $0xFFFFFD80  }
0x12a: {  	s0 =	simm.s32 $0x40;
	v2 =	vld [tilespmem:s1+$0x5000]  }
.LBB2_36:
0x12b: {  	p0 =	sne.s32 s0, $0x9C0;
	v3 =	vld [tilespmem:s1+$0x5280];
	_ =	sdelay $0x2  }
.Ltmp17:
0x12c: {  	(pc) =	sbr.rel @p0 .LBB2_36-.Ltmp17, $4  }
0x12d: {  	_ = 	snop  }
0x12e: {  	v3 =	vadd.f32 v2, v3  }
0x12f: {  	s2 =	sshra.s32 s0, $0x2  }
0x130: {  	s0 =	sadd.s32 $0x40, s0;
	v2 =	vld [tilespmem:s2+$0x5000];
	[tilespmem:s1+$0x5280] =	vst v3;
	s1 =	smov.u32 s2  }
0x131: {  	v3 =	vld [tilespmem:s1+$0x5280];
	_ =	sdelay $0x4  }
0x132: {  	s31 =	sadd.s32 $0x1, s31;
	v2 =	vadd.f32 v2, v3  }
0x133: {  	p0 =	sne.s32 s31, s22  }
.Ltmp18:
0x134: {  	[tilespmem:s1+$0x5280] =	vst v2;
	(pc) =	sbr.rel @p0 .LBB2_1-.Ltmp18, $4  }
0x135: {  	[hbm4b:s21+s23] =	stream.strided.scatter [tilespmem:s30], [sflag:$0x1], $0x280, s29, s23, $0x38;
	[tilespmem:$0x7D00] =	vst v63  }
0x136: {  	_ =	swait.ge [sflag:s25], $0x280  }
0x137: {  	[sflag:s25] =	ssyncset.done $0x0  }
0x138: {  	[sflag:s25] =	ssyncadd.s32 $0xFFFFFD80  }
0x139: {  	_ =	sfence.sel $0x180000  }
0x13a: {  	[bflag:$0x0] =	sbarrier.arrive $0xFFFF  }
0x13b: {  	_ =	strace $0x90000047  }
0x13c: {  	s0 =	stileid.u32;
	[bflag:$0x2] =	sbarrier.arrive $0xFFFF  }
0x13d: {  	p0 =	sne.s32 s0, $0x0;
	s0 =	rddreg [dreg:$0x2]  }
0x13e: {  	s0 =	sadd.s32 @!p0 $0x100000, s0  }
0x13f: {  	[sflag:s0] =	ssyncadd.tile.s32 @!p0 $0x1;
	_ =	shalt  }
.Lfunc_end2:
_tile_overlayer_lowered:
.L_overlay_start_2:
0x140: {  	(tag) =	ssettag $0x2  }
0x141: {  	s0 =	rddreg [dreg:$0x0];
	s2 =	stileid.u32  }
0x142: {  	s1 =	rddreg [dreg:$0x1];
	p0 =	sne.s32 s2, $0x0  }
0x143: {  	s3 =	rddreg [dreg:$0x2];
	[bflag:$0x3] =	sbarrier.arrive $0xFFFF;
	s2 =	simm.s32 @!p0 $0x1C01  }
0x144: {  	[timem:s3], [sflag:s2] =	dma.local @!p0 [hbm:s0], s1  }
0x145: {  	s0 =	simm.s32 @!p0 $0x1  }
0x146: {  	_ =	swait.ge @!p0 [sflag:s0], s1  }
0x147: {  	s1 =	ssub.s32 @!p0 $0x0, s1;
	[sflag:s0] =	ssyncset.done @!p0 $0x0  }
0x148: {  	[sflag:s0] =	ssyncadd.s32 @!p0 s1  }
0x149: {  	[bflag:$0x3] =	sbarrier.arrive $0xFFFF  }
0x14a: {  	_ =	shalt  }

</sc_bundles>
